<compile_context>
chip_gen: v7x
topology: tpu7x:2x2x1
jax: 0.10.2.dev20260603
libtpu: 0.0.44.dev20260713+nightly
codegen_flags: <defaults>
</compile_context>

<pallas_src>
import functools

import jax
import jax.numpy as jnp
import numpy as np
from jax import lax
from jax.experimental import pallas as pl
from jax.experimental.pallas import tpu as pltpu
from jax.experimental.pallas import tpu_sc as plsc

VOCAB = 100000
FACTOR = 64
HIDDEN = 768
BATCH = 4
SEQ = 2048
NTOK = BATCH * SEQ

_NC, _NS = 2, 16
_NW = _NC * _NS
_B_PER_W = NTOK // _NW


def _sinusoidal_pe(seq_len, dim):
    pos = np.arange(seq_len)[:, None].astype(np.float32)
    i = np.arange(dim)[None, :].astype(np.float32)
    angle = pos / np.power(10000.0, (2.0 * np.floor(i / 2.0)) / dim)
    pe = np.zeros((seq_len, dim), dtype=np.float32)
    pe[:, 0::2] = np.sin(angle[:, 0::2])
    pe[:, 1::2] = np.cos(angle[:, 1::2])
    return pe


_W_PER_B = _NW // BATCH
_SEQ_PER_W = SEQ // _W_PER_B


_K = 16
_CH = _B_PER_W // _K


def _sc_gather_body(idx_hbm, table_hbm, out_hbm, idx_s, rows_v, sem):
    wid = lax.axis_index("s") * _NC + lax.axis_index("c")
    b = wid // _W_PER_B
    soff = (wid % _W_PER_B) * _SEQ_PER_W
    base = wid * _B_PER_W
    pltpu.sync_copy(idx_hbm.at[b, pl.ds(soff, _SEQ_PER_W)], idx_s)

    def fire(c):
        offs = c * _K
        vec = idx_s[pl.ds(offs, _K)]
        for k in range(_K):
            tok = vec[k]
            pltpu.async_copy(table_hbm.at[pl.ds(tok, 1)],
                             rows_v.at[pl.ds(offs + k, 1)], sem)

    def drain():
        for _ in range(_K):
            pltpu.make_async_copy(table_hbm.at[pl.ds(0, 1)],
                                  rows_v.at[pl.ds(0, 1)], sem).wait()

    fire(0)
    fire(1)
    fire(2)

    @pl.loop(3, _CH)
    def _(c):
        fire(c)
        drain()

    drain()
    drain()
    drain()
    pltpu.sync_copy(rows_v, out_hbm.at[pl.ds(base, _B_PER_W)])


@functools.cache
def _sc_gather():
    return pl.kernel(
        _sc_gather_body,
        mesh=plsc.VectorSubcoreMesh(core_axis_name="c", subcore_axis_name="s"),
        out_type=jax.ShapeDtypeStruct((NTOK, FACTOR), jnp.float32),
        scratch_types=[
            pltpu.VMEM((_B_PER_W,), jnp.int32),
            pltpu.VMEM((_B_PER_W, FACTOR), jnp.float32),
            pltpu.SemaphoreType.DMA,
        ],
    )


def _leaky(x):
    return jnp.where(x >= 0, x, 0.2 * x)


def _tc_body(g_ref, pe_ref, ww_ref, wp_ref, bias_ref, gamma_ref, beta_ref, o_ref):
    w = _leaky(g_ref[...])
    p = _leaky(pe_ref[...])
    x = jnp.dot(w, ww_ref[...], preferred_element_type=jnp.float32)
    x = x + jnp.dot(p, wp_ref[...], preferred_element_type=jnp.float32)
    x = x + bias_ref[...]
    mean = jnp.mean(x, axis=-1, keepdims=True)
    xc = x - mean
    var = jnp.mean(xc * xc, axis=-1, keepdims=True)
    inv = lax.rsqrt(var + 1e-12)
    o_ref[0] = gamma_ref[...] * (xc * inv) + beta_ref[...]


S_BLK = 1024
_SB = SEQ // S_BLK


def _tc_call(gathered, pe, Ww, Wp, bias, gamma, beta):
    return pl.pallas_call(
        _tc_body,
        grid=(_SB, BATCH),
        in_specs=[
            pl.BlockSpec((S_BLK, FACTOR), lambda s, b: (b * _SB + s, 0)),
            pl.BlockSpec((S_BLK, FACTOR), lambda s, b: (s, 0)),
            pl.BlockSpec((FACTOR, HIDDEN), lambda s, b: (0, 0)),
            pl.BlockSpec((FACTOR, HIDDEN), lambda s, b: (0, 0)),
            pl.BlockSpec((1, HIDDEN), lambda s, b: (0, 0)),
            pl.BlockSpec((1, HIDDEN), lambda s, b: (0, 0)),
            pl.BlockSpec((1, HIDDEN), lambda s, b: (0, 0)),
        ],
        out_specs=pl.BlockSpec((1, S_BLK, HIDDEN), lambda s, b: (b, s, 0)),
        out_shape=jax.ShapeDtypeStruct((BATCH, SEQ, HIDDEN), jnp.float32),
    )(gathered, pe, Ww, Wp, bias, gamma, beta)


def kernel(input_tokens, emb_table, Ww, bw, Wp, bp, gamma, beta):
    idx = input_tokens.astype(jnp.int32)
    gathered = _sc_gather()(idx, emb_table)
    pe = jnp.asarray(_sinusoidal_pe(SEQ, FACTOR))
    bias = (bw + bp).reshape(1, HIDDEN)
    return _tc_call(gathered, pe, Ww, Wp, bias,
                    gamma.reshape(1, HIDDEN), beta.reshape(1, HIDDEN))

# --- scband reference (transcript-rebuilt; emitter-appended) ---
"""Pipeline reference for scband-carbon-embeddings-80290118631784 (READ-ONLY COPY).

The authoritative reference and input builder live on the scoring server;
editing this copy changes nothing except your own understanding.
"""

import jax, jax.numpy as jnp
import numpy as np

VOCAB = 100000
FACTOR = 64
HIDDEN = 768
BATCH = 4
SEQ = 2048


def sinusoidal_pe(seq_len, dim):
    pos = np.arange(seq_len)[:, None].astype(np.float32)
    i = np.arange(dim)[None, :].astype(np.float32)
    angle = pos / np.power(10000.0, (2.0 * np.floor(i / 2.0)) / dim)
    pe = np.zeros((seq_len, dim), dtype=np.float32)
    pe[:, 0::2] = np.sin(angle[:, 0::2])
    pe[:, 1::2] = np.cos(angle[:, 1::2])
    return jnp.asarray(pe)


def setup_inputs(seed: int = 0) -> dict:
    key = jax.random.key(seed)
    k1, k2, k3, k4 = jax.random.split(key, 4)
    input_tokens = jax.random.randint(k1, (BATCH, SEQ), 0, VOCAB, dtype=jnp.int64 if jax.config.jax_enable_x64 else jnp.int32)
    emb_table = jax.random.normal(k2, (VOCAB, FACTOR), dtype=jnp.float32) * 0.02
    Ww = jax.random.normal(k3, (FACTOR, HIDDEN), dtype=jnp.float32) * (1.0 / np.sqrt(FACTOR))
    bw = jnp.zeros((HIDDEN,), dtype=jnp.float32)
    Wp = jax.random.normal(k4, (FACTOR, HIDDEN), dtype=jnp.float32) * (1.0 / np.sqrt(FACTOR))
    bp = jnp.zeros((HIDDEN,), dtype=jnp.float32)
    gamma = jnp.ones((HIDDEN,), dtype=jnp.float32)
    beta = jnp.zeros((HIDDEN,), dtype=jnp.float32)
    return {"input_tokens": input_tokens, "emb_table": emb_table, "Ww": Ww, "bw": bw, "Wp": Wp, "bp": bp, "gamma": gamma, "beta": beta}


def _leaky_relu(x, slope=0.2):
    return jnp.where(x >= 0, x, slope * x)


def _layer_norm(x, gamma, beta, eps=1e-12):
    mean = jnp.mean(x, axis=-1, keepdims=True)
    var = jnp.mean((x - mean) ** 2, axis=-1, keepdims=True)
    return gamma * (x - mean) / jnp.sqrt(var + eps) + beta


def reference(input_tokens, emb_table, Ww, bw, Wp, bp, gamma, beta):
    # word embedding lookup (gather)
    word_vec = jnp.take(emb_table, input_tokens, axis=0)          # [B, S, FACTOR]
    word_vec = _leaky_relu(word_vec, 0.2) @ Ww + bw                # [B, S, HIDDEN]
    # sinusoidal positional embedding (depends only on position)
    pe = sinusoidal_pe(input_tokens.shape[1], emb_table.shape[1])  # [S, FACTOR]
    pos_vec = jnp.broadcast_to(pe[None, :, :], (input_tokens.shape[0], pe.shape[0], pe.shape[1]))
    pos_vec = _leaky_relu(pos_vec, 0.2) @ Wp + bp                  # [B, S, HIDDEN]
    out = _layer_norm(word_vec + pos_vec, gamma, beta)
    return out

if __name__ == "__main__":
    import jax
    _d = setup_inputs()
    print(jax.jit(kernel)(*tuple(_d.values())))

</pallas_src>

<mosaic_0001>
#map = affine_map<(d0, d1) -> (0, 0)>
module attributes {stable_mosaic.version = 14 : i64} {
  func.func @_sc_gather_body(%arg0: i32, %arg1: i32, %arg2: memref<4x2048xi32, #tpu.memory_space<hbm>>, %arg3: memref<100000x64xf32, #tpu.memory_space<hbm>>, %arg4: memref<8192x64xf32, #tpu.memory_space<hbm>>, %arg5: memref<256xi32, #tpu.memory_space<vmem>>, %arg6: memref<256x64xf32, #tpu.memory_space<vmem>>, %arg7: memref<!tpu.dma_semaphore, #tpu.memory_space<semaphore_mem>>) attributes {dimension_semantics = [#tpu.dimension_semantics<core_parallel>, #tpu.dimension_semantics<subcore_parallel>], iteration_bounds = array<i64: 2, 16>, scalar_prefetch = 0 : i64, scratch_operands = 3 : i64, tpu.core_type = #tpu.core_type<sc_vector_subcore>, window_params = [{transform_indices = #map}, {transform_indices = #map}, {transform_indices = #map}]} {
    %mul3A = arith.constant 2 : i32
    %mul3A_0 = arith.muli %arg1, %mul3A : i32
    %add3A = arith.addi %mul3A_0, %arg0 : i32
    %jit3A = arith.constant 8 : i32
    %div3A = arith.divsi %add3A, %jit3A : i32
    %sign3A = arith.constant 0 : i32
    %sign3A_1 = arith.cmpi sgt, %add3A, %sign3A : i32
    %sign3A_2 = arith.extui %sign3A_1 : i1 to i32
    %sign3A_3 = arith.constant 0 : i32
    %sign3A_4 = arith.cmpi slt, %add3A, %sign3A_3 : i32
    %sign3A_5 = arith.extui %sign3A_4 : i1 to i32
    %sign3A_6 = arith.subi %sign3A_2, %sign3A_5 : i32
    %sign3A_7 = arith.constant 0 : i32
    %sign3A_8 = arith.cmpi sgt, %jit3A, %sign3A_7 : i32
    %sign3A_9 = arith.extui %sign3A_8 : i1 to i32
    %sign3A_10 = arith.constant 0 : i32
    %sign3A_11 = arith.cmpi slt, %jit3A, %sign3A_10 : i32
    %sign3A_12 = arith.extui %sign3A_11 : i1 to i32
    %sign3A_13 = arith.subi %sign3A_9, %sign3A_12 : i32
    %ne3A = arith.cmpi ne, %sign3A_6, %sign3A_13 : i32
    %rem3A = arith.remsi %add3A, %jit3A : i32
    %ne3A_14 = arith.constant 0 : i32
    %ne3A_15 = arith.cmpi ne, %rem3A, %ne3A_14 : i32
    %and3A = arith.andi %ne3A, %ne3A_15 : i1
    %sub3A = arith.constant 1 : i32
    %sub3A_16 = arith.subi %div3A, %sub3A : i32
    %select_n3A = arith.select %and3A, %sub3A_16, %div3A : i32
    %jit3A_17 = arith.constant 8 : i32
    %eq3A = arith.constant 0 : i32
    %eq3A_18 = arith.cmpi eq, %jit3A_17, %eq3A : i32
    %jit3A_19 = arith.constant 1 : i32
    %select_n3A_20 = arith.select %eq3A_18, %jit3A_19, %jit3A_17 : i32
    %rem3A_21 = arith.remsi %add3A, %select_n3A_20 : i32
    %ne3A_22 = arith.constant 0 : i32
    %ne3A_23 = arith.cmpi ne, %rem3A_21, %ne3A_22 : i32
    %lt3A = arith.constant 0 : i32
    %lt3A_24 = arith.cmpi slt, %rem3A_21, %lt3A : i32
    %lt3A_25 = arith.constant 0 : i32
    %lt3A_26 = arith.cmpi slt, %select_n3A_20, %lt3A_25 : i32
    %ne3A_27 = arith.xori %lt3A_24, %lt3A_26 : i1
    %and3A_28 = arith.andi %ne3A_27, %ne3A_23 : i1
    %add3A_29 = arith.addi %rem3A_21, %select_n3A_20 : i32
    %select_n3A_30 = arith.select %and3A_28, %add3A_29, %rem3A_21 : i32
    %mul3A_31 = arith.constant 256 : i32
    %mul3A_32 = arith.muli %select_n3A_30, %mul3A_31 : i32
    %mul3A_33 = arith.constant 256 : i32
    %mul3A_34 = arith.muli %add3A, %mul3A_33 : i32
    "tpu.region"() ({
      %run_scoped3A = tpu.sem_alloc : memref<!tpu.dma_semaphore, #tpu.memory_space<semaphore_mem>>
      %dma_start3A_1195 = tpu.memref_slice %arg2[%select_n3A, %mul3A_32] : memref<4x2048xi32, #tpu.memory_space<hbm>> -> memref<1x256xi32, #tpu.memory_space<hbm>>
      %dma_start3A_1196 = tpu.memref_squeeze %dma_start3A_1195 : memref<1x256xi32, #tpu.memory_space<hbm>> -> memref<256xi32, #tpu.memory_space<hbm>>
      %dma_start3A_1197 = tpu.memref_slice %arg2[%select_n3A, %mul3A_32] : memref<4x2048xi32, #tpu.memory_space<hbm>> -> memref<1x256xi32, #tpu.memory_space<hbm>>
      %dma_start3A_1198 = tpu.memref_squeeze %dma_start3A_1197 : memref<1x256xi32, #tpu.memory_space<hbm>> -> memref<256xi32, #tpu.memory_space<hbm>>
      tpu.enqueue_dma source(%dma_start3A_1198 : memref<256xi32, #tpu.memory_space<hbm>>) target(%arg5 : memref<256xi32, #tpu.memory_space<vmem>>) target_semaphore(%run_scoped3A : memref<!tpu.dma_semaphore, #tpu.memory_space<semaphore_mem>>)
      %dma_wait3A_1199 = tpu.memref_slice %arg2[%select_n3A, %mul3A_32] : memref<4x2048xi32, #tpu.memory_space<hbm>> -> memref<1x256xi32, #tpu.memory_space<hbm>>
      %dma_wait3A_1200 = tpu.memref_squeeze %dma_wait3A_1199 : memref<1x256xi32, #tpu.memory_space<hbm>> -> memref<256xi32, #tpu.memory_space<hbm>>
      %dma_wait3A_1201 = tpu.memref_slice %arg2[%select_n3A, %mul3A_32] : memref<4x2048xi32, #tpu.memory_space<hbm>> -> memref<1x256xi32, #tpu.memory_space<hbm>>
      %dma_wait3A_1202 = tpu.memref_squeeze %dma_wait3A_1201 : memref<1x256xi32, #tpu.memory_space<hbm>> -> memref<256xi32, #tpu.memory_space<hbm>>
      tpu.wait_dma2 semaphore(%run_scoped3A : memref<!tpu.dma_semaphore, #tpu.memory_space<semaphore_mem>>) src(%dma_wait3A_1202 : memref<256xi32, #tpu.memory_space<hbm>>) dst(%arg5 : memref<256xi32, #tpu.memory_space<vmem>>)
      tpu.yield
    }) : () -> ()
    %get3A = arith.constant 0 : index
    %get3A_35 = tpu.vector_load %arg5[%get3A] {strides = array<i32>} : memref<256xi32, #tpu.memory_space<vmem>>, vector<16xi32>,
    %get3A_36 = vector.shape_cast %get3A_35 : vector<16xi32> to vector<16xi32>
    %slice3A = vector.extract_strided_slice %get3A_36 {offsets = [0], sizes = [1], strides = [1]} : vector<16xi32> to vector<1xi32>
    %squeeze3A = vector.extract %slice3A[0] : i32 from vector<1xi32>
    %dma_start3A = arith.constant 0 : i32
    %dma_start3A_37 = arith.constant 0 : i32
    %dma_start3A_38 = tpu.memref_slice %arg6[%dma_start3A, %dma_start3A_37] : memref<256x64xf32, #tpu.memory_space<vmem>> -> memref<1x64xf32, #tpu.memory_space<vmem>>
    %dma_start3A_39 = arith.constant 0 : i32
    %dma_start3A_40 = tpu.memref_slice %arg3[%squeeze3A, %dma_start3A_39] : memref<100000x64xf32, #tpu.memory_space<hbm>> -> memref<1x64xf32, #tpu.memory_space<hbm>>
    %dma_start3A_41 = arith.constant 0 : i32
    %dma_start3A_42 = arith.constant 0 : i32
    %dma_start3A_43 = tpu.memref_slice %arg6[%dma_start3A_41, %dma_start3A_42] : memref<256x64xf32, #tpu.memory_space<vmem>> -> memref<1x64xf32, #tpu.memory_space<vmem>>
    %dma_start3A_44 = arith.constant 0 : i32
    %dma_start3A_45 = tpu.memref_slice %arg3[%squeeze3A, %dma_start3A_44] : memref<100000x64xf32, #tpu.memory_space<hbm>> -> memref<1x64xf32, #tpu.memory_space<hbm>>
    tpu.enqueue_dma source(%dma_start3A_45 : memref<1x64xf32, #tpu.memory_space<hbm>>) target(%dma_start3A_43 : memref<1x64xf32, #tpu.memory_space<vmem>>) target_semaphore(%arg7 : memref<!tpu.dma_semaphore, #tpu.memory_space<semaphore_mem>>)
    %slice3A_46 = vector.extract_strided_slice %get3A_36 {offsets = [1], sizes = [1], strides = [1]} : vector<16xi32> to vector<1xi32>
    %squeeze3A_47 = vector.extract %slice3A_46[0] : i32 from vector<1xi32>
    %dma_start3A_48 = arith.constant 1 : i32
    %dma_start3A_49 = arith.constant 0 : i32
    %dma_start3A_50 = tpu.memref_slice %arg6[%dma_start3A_48, %dma_start3A_49] : memref<256x64xf32, #tpu.memory_space<vmem>> -> memref<1x64xf32, #tpu.memory_space<vmem>>
    %dma_start3A_51 = arith.constant 0 : i32
    %dma_start3A_52 = tpu.memref_slice %arg3[%squeeze3A_47, %dma_start3A_51] : memref<100000x64xf32, #tpu.memory_space<hbm>> -> memref<1x64xf32, #tpu.memory_space<hbm>>
    %dma_start3A_53 = arith.constant 1 : i32
    %dma_start3A_54 = arith.constant 0 : i32
    %dma_start3A_55 = tpu.memref_slice %arg6[%dma_start3A_53, %dma_start3A_54] : memref<256x64xf32, #tpu.memory_space<vmem>> -> memref<1x64xf32, #tpu.memory_space<vmem>>
    %dma_start3A_56 = arith.constant 0 : i32
    %dma_start3A_57 = tpu.memref_slice %arg3[%squeeze3A_47, %dma_start3A_56] : memref<100000x64xf32, #tpu.memory_space<hbm>> -> memref<1x64xf32, #tpu.memory_space<hbm>>
    tpu.enqueue_dma source(%dma_start3A_57 : memref<1x64xf32, #tpu.memory_space<hbm>>) target(%dma_start3A_55 : memref<1x64xf32, #tpu.memory_space<vmem>>) target_semaphore(%arg7 : memref<!tpu.dma_semaphore, #tpu.memory_space<semaphore_mem>>)
    %slice3A_58 = vector.extract_strided_slice %get3A_36 {offsets = [2], sizes = [1], strides = [1]} : vector<16xi32> to vector<1xi32>
    %squeeze3A_59 = vector.extract %slice3A_58[0] : i32 from vector<1xi32>
    %dma_start3A_60 = arith.constant 2 : i32
    %dma_start3A_61 = arith.constant 0 : i32
    %dma_start3A_62 = tpu.memref_slice %arg6[%dma_start3A_60, %dma_start3A_61] : memref<256x64xf32, #tpu.memory_space<vmem>> -> memref<1x64xf32, #tpu.memory_space<vmem>>
    %dma_start3A_63 = arith.constant 0 : i32
    %dma_start3A_64 = tpu.memref_slice %arg3[%squeeze3A_59, %dma_start3A_63] : memref<100000x64xf32, #tpu.memory_space<hbm>> -> memref<1x64xf32, #tpu.memory_space<hbm>>
    %dma_start3A_65 = arith.constant 2 : i32
    %dma_start3A_66 = arith.constant 0 : i32
    %dma_start3A_67 = tpu.memref_slice %arg6[%dma_start3A_65, %dma_start3A_66] : memref<256x64xf32, #tpu.memory_space<vmem>> -> memref<1x64xf32, #tpu.memory_space<vmem>>
    %dma_start3A_68 = arith.constant 0 : i32
    %dma_start3A_69 = tpu.memref_slice %arg3[%squeeze3A_59, %dma_start3A_68] : memref<100000x64xf32, #tpu.memory_space<hbm>> -> memref<1x64xf32, #tpu.memory_space<hbm>>
    tpu.enqueue_dma source(%dma_start3A_69 : memref<1x64xf32, #tpu.memory_space<hbm>>) target(%dma_start3A_67 : memref<1x64xf32, #tpu.memory_space<vmem>>) target_semaphore(%arg7 : memref<!tpu.dma_semaphore, #tpu.memory_space<semaphore_mem>>)
    %slice3A_70 = vector.extract_strided_slice %get3A_36 {offsets = [3], sizes = [1], strides = [1]} : vector<16xi32> to vector<1xi32>
    %squeeze3A_71 = vector.extract %slice3A_70[0] : i32 from vector<1xi32>
    %dma_start3A_72 = arith.constant 3 : i32
    %dma_start3A_73 = arith.constant 0 : i32
    %dma_start3A_74 = tpu.memref_slice %arg6[%dma_start3A_72, %dma_start3A_73] : memref<256x64xf32, #tpu.memory_space<vmem>> -> memref<1x64xf32, #tpu.memory_space<vmem>>
    %dma_start3A_75 = arith.constant 0 : i32
    %dma_start3A_76 = tpu.memref_slice %arg3[%squeeze3A_71, %dma_start3A_75] : memref<100000x64xf32, #tpu.memory_space<hbm>> -> memref<1x64xf32, #tpu.memory_space<hbm>>
    %dma_start3A_77 = arith.constant 3 : i32
    %dma_start3A_78 = arith.constant 0 : i32
    %dma_start3A_79 = tpu.memref_slice %arg6[%dma_start3A_77, %dma_start3A_78] : memref<256x64xf32, #tpu.memory_space<vmem>> -> memref<1x64xf32, #tpu.memory_space<vmem>>
    %dma_start3A_80 = arith.constant 0 : i32
    %dma_start3A_81 = tpu.memref_slice %arg3[%squeeze3A_71, %dma_start3A_80] : memref<100000x64xf32, #tpu.memory_space<hbm>> -> memref<1x64xf32, #tpu.memory_space<hbm>>
    tpu.enqueue_dma source(%dma_start3A_81 : memref<1x64xf32, #tpu.memory_space<hbm>>) target(%dma_start3A_79 : memref<1x64xf32, #tpu.memory_space<vmem>>) target_semaphore(%arg7 : memref<!tpu.dma_semaphore, #tpu.memory_space<semaphore_mem>>)
    %slice3A_82 = vector.extract_strided_slice %get3A_36 {offsets = [4], sizes = [1], strides = [1]} : vector<16xi32> to vector<1xi32>
    %squeeze3A_83 = vector.extract %slice3A_82[0] : i32 from vector<1xi32>
    %dma_start3A_84 = arith.constant 4 : i32
    %dma_start3A_85 = arith.constant 0 : i32
    %dma_start3A_86 = tpu.memref_slice %arg6[%dma_start3A_84, %dma_start3A_85] : memref<256x64xf32, #tpu.memory_space<vmem>> -> memref<1x64xf32, #tpu.memory_space<vmem>>
    %dma_start3A_87 = arith.constant 0 : i32
    %dma_start3A_88 = tpu.memref_slice %arg3[%squeeze3A_83, %dma_start3A_87] : memref<100000x64xf32, #tpu.memory_space<hbm>> -> memref<1x64xf32, #tpu.memory_space<hbm>>
    %dma_start3A_89 = arith.constant 4 : i32
    %dma_start3A_90 = arith.constant 0 : i32
    %dma_start3A_91 = tpu.memref_slice %arg6[%dma_start3A_89, %dma_start3A_90] : memref<256x64xf32, #tpu.memory_space<vmem>> -> memref<1x64xf32, #tpu.memory_space<vmem>>
    %dma_start3A_92 = arith.constant 0 : i32
    %dma_start3A_93 = tpu.memref_slice %arg3[%squeeze3A_83, %dma_start3A_92] : memref<100000x64xf32, #tpu.memory_space<hbm>> -> memref<1x64xf32, #tpu.memory_space<hbm>>
    tpu.enqueue_dma source(%dma_start3A_93 : memref<1x64xf32, #tpu.memory_space<hbm>>) target(%dma_start3A_91 : memref<1x64xf32, #tpu.memory_space<vmem>>) target_semaphore(%arg7 : memref<!tpu.dma_semaphore, #tpu.memory_space<semaphore_mem>>)
    %slice3A_94 = vector.extract_strided_slice %get3A_36 {offsets = [5], sizes = [1], strides = [1]} : vector<16xi32> to vector<1xi32>
    %squeeze3A_95 = vector.extract %slice3A_94[0] : i32 from vector<1xi32>
    %dma_start3A_96 = arith.constant 5 : i32
    %dma_start3A_97 = arith.constant 0 : i32
    %dma_start3A_98 = tpu.memref_slice %arg6[%dma_start3A_96, %dma_start3A_97] : memref<256x64xf32, #tpu.memory_space<vmem>> -> memref<1x64xf32, #tpu.memory_space<vmem>>
    %dma_start3A_99 = arith.constant 0 : i32
    %dma_start3A_100 = tpu.memref_slice %arg3[%squeeze3A_95, %dma_start3A_99] : memref<100000x64xf32, #tpu.memory_space<hbm>> -> memref<1x64xf32, #tpu.memory_space<hbm>>
    %dma_start3A_101 = arith.constant 5 : i32
    %dma_start3A_102 = arith.constant 0 : i32
    %dma_start3A_103 = tpu.memref_slice %arg6[%dma_start3A_101, %dma_start3A_102] : memref<256x64xf32, #tpu.memory_space<vmem>> -> memref<1x64xf32, #tpu.memory_space<vmem>>
    %dma_start3A_104 = arith.constant 0 : i32
    %dma_start3A_105 = tpu.memref_slice %arg3[%squeeze3A_95, %dma_start3A_104] : memref<100000x64xf32, #tpu.memory_space<hbm>> -> memref<1x64xf32, #tpu.memory_space<hbm>>
    tpu.enqueue_dma source(%dma_start3A_105 : memref<1x64xf32, #tpu.memory_space<hbm>>) target(%dma_start3A_103 : memref<1x64xf32, #tpu.memory_space<vmem>>) target_semaphore(%arg7 : memref<!tpu.dma_semaphore, #tpu.memory_space<semaphore_mem>>)
    %slice3A_106 = vector.extract_strided_slice %get3A_36 {offsets = [6], sizes = [1], strides = [1]} : vector<16xi32> to vector<1xi32>
    %squeeze3A_107 = vector.extract %slice3A_106[0] : i32 from vector<1xi32>
    %dma_start3A_108 = arith.constant 6 : i32
    %dma_start3A_109 = arith.constant 0 : i32
    %dma_start3A_110 = tpu.memref_slice %arg6[%dma_start3A_108, %dma_start3A_109] : memref<256x64xf32, #tpu.memory_space<vmem>> -> memref<1x64xf32, #tpu.memory_space<vmem>>
    %dma_start3A_111 = arith.constant 0 : i32
    %dma_start3A_112 = tpu.memref_slice %arg3[%squeeze3A_107, %dma_start3A_111] : memref<100000x64xf32, #tpu.memory_space<hbm>> -> memref<1x64xf32, #tpu.memory_space<hbm>>
    %dma_start3A_113 = arith.constant 6 : i32
    %dma_start3A_114 = arith.constant 0 : i32
    %dma_start3A_115 = tpu.memref_slice %arg6[%dma_start3A_113, %dma_start3A_114] : memref<256x64xf32, #tpu.memory_space<vmem>> -> memref<1x64xf32, #tpu.memory_space<vmem>>
    %dma_start3A_116 = arith.constant 0 : i32
    %dma_start3A_117 = tpu.memref_slice %arg3[%squeeze3A_107, %dma_start3A_116] : memref<100000x64xf32, #tpu.memory_space<hbm>> -> memref<1x64xf32, #tpu.memory_space<hbm>>
    tpu.enqueue_dma source(%dma_start3A_117 : memref<1x64xf32, #tpu.memory_space<hbm>>) target(%dma_start3A_115 : memref<1x64xf32, #tpu.memory_space<vmem>>) target_semaphore(%arg7 : memref<!tpu.dma_semaphore, #tpu.memory_space<semaphore_mem>>)
    %slice3A_118 = vector.extract_strided_slice %get3A_36 {offsets = [7], sizes = [1], strides = [1]} : vector<16xi32> to vector<1xi32>
    %squeeze3A_119 = vector.extract %slice3A_118[0] : i32 from vector<1xi32>
    %dma_start3A_120 = arith.constant 7 : i32
    %dma_start3A_121 = arith.constant 0 : i32
    %dma_start3A_122 = tpu.memref_slice %arg6[%dma_start3A_120, %dma_start3A_121] : memref<256x64xf32, #tpu.memory_space<vmem>> -> memref<1x64xf32, #tpu.memory_space<vmem>>
    %dma_start3A_123 = arith.constant 0 : i32
    %dma_start3A_124 = tpu.memref_slice %arg3[%squeeze3A_119, %dma_start3A_123] : memref<100000x64xf32, #tpu.memory_space<hbm>> -> memref<1x64xf32, #tpu.memory_space<hbm>>
    %dma_start3A_125 = arith.constant 7 : i32
    %dma_start3A_126 = arith.constant 0 : i32
    %dma_start3A_127 = tpu.memref_slice %arg6[%dma_start3A_125, %dma_start3A_126] : memref<256x64xf32, #tpu.memory_space<vmem>> -> memref<1x64xf32, #tpu.memory_space<vmem>>
    %dma_start3A_128 = arith.constant 0 : i32
    %dma_start3A_129 = tpu.memref_slice %arg3[%squeeze3A_119, %dma_start3A_128] : memref<100000x64xf32, #tpu.memory_space<hbm>> -> memref<1x64xf32, #tpu.memory_space<hbm>>
    tpu.enqueue_dma source(%dma_start3A_129 : memref<1x64xf32, #tpu.memory_space<hbm>>) target(%dma_start3A_127 : memref<1x64xf32, #tpu.memory_space<vmem>>) target_semaphore(%arg7 : memref<!tpu.dma_semaphore, #tpu.memory_space<semaphore_mem>>)
    %slice3A_130 = vector.extract_strided_slice %get3A_36 {offsets = [8], sizes = [1], strides = [1]} : vector<16xi32> to vector<1xi32>
    %squeeze3A_131 = vector.extract %slice3A_130[0] : i32 from vector<1xi32>
    %dma_start3A_132 = arith.constant 8 : i32
    %dma_start3A_133 = arith.constant 0 : i32
    %dma_start3A_134 = tpu.memref_slice %arg6[%dma_start3A_132, %dma_start3A_133] : memref<256x64xf32, #tpu.memory_space<vmem>> -> memref<1x64xf32, #tpu.memory_space<vmem>>
    %dma_start3A_135 = arith.constant 0 : i32
    %dma_start3A_136 = tpu.memref_slice %arg3[%squeeze3A_131, %dma_start3A_135] : memref<100000x64xf32, #tpu.memory_space<hbm>> -> memref<1x64xf32, #tpu.memory_space<hbm>>
    %dma_start3A_137 = arith.constant 8 : i32
    %dma_start3A_138 = arith.constant 0 : i32
    %dma_start3A_139 = tpu.memref_slice %arg6[%dma_start3A_137, %dma_start3A_138] : memref<256x64xf32, #tpu.memory_space<vmem>> -> memref<1x64xf32, #tpu.memory_space<vmem>>
    %dma_start3A_140 = arith.constant 0 : i32
    %dma_start3A_141 = tpu.memref_slice %arg3[%squeeze3A_131, %dma_start3A_140] : memref<100000x64xf32, #tpu.memory_space<hbm>> -> memref<1x64xf32, #tpu.memory_space<hbm>>
    tpu.enqueue_dma source(%dma_start3A_141 : memref<1x64xf32, #tpu.memory_space<hbm>>) target(%dma_start3A_139 : memref<1x64xf32, #tpu.memory_space<vmem>>) target_semaphore(%arg7 : memref<!tpu.dma_semaphore, #tpu.memory_space<semaphore_mem>>)
    %slice3A_142 = vector.extract_strided_slice %get3A_36 {offsets = [9], sizes = [1], strides = [1]} : vector<16xi32> to vector<1xi32>
    %squeeze3A_143 = vector.extract %slice3A_142[0] : i32 from vector<1xi32>
    %dma_start3A_144 = arith.constant 9 : i32
    %dma_start3A_145 = arith.constant 0 : i32
    %dma_start3A_146 = tpu.memref_slice %arg6[%dma_start3A_144, %dma_start3A_145] : memref<256x64xf32, #tpu.memory_space<vmem>> -> memref<1x64xf32, #tpu.memory_space<vmem>>
    %dma_start3A_147 = arith.constant 0 : i32
    %dma_start3A_148 = tpu.memref_slice %arg3[%squeeze3A_143, %dma_start3A_147] : memref<100000x64xf32, #tpu.memory_space<hbm>> -> memref<1x64xf32, #tpu.memory_space<hbm>>
    %dma_start3A_149 = arith.constant 9 : i32
    %dma_start3A_150 = arith.constant 0 : i32
    %dma_start3A_151 = tpu.memref_slice %arg6[%dma_start3A_149, %dma_start3A_150] : memref<256x64xf32, #tpu.memory_space<vmem>> -> memref<1x64xf32, #tpu.memory_space<vmem>>
    %dma_start3A_152 = arith.constant 0 : i32
    %dma_start3A_153 = tpu.memref_slice %arg3[%squeeze3A_143, %dma_start3A_152] : memref<100000x64xf32, #tpu.memory_space<hbm>> -> memref<1x64xf32, #tpu.memory_space<hbm>>
    tpu.enqueue_dma source(%dma_start3A_153 : memref<1x64xf32, #tpu.memory_space<hbm>>) target(%dma_start3A_151 : memref<1x64xf32, #tpu.memory_space<vmem>>) target_semaphore(%arg7 : memref<!tpu.dma_semaphore, #tpu.memory_space<semaphore_mem>>)
    %slice3A_154 = vector.extract_strided_slice %get3A_36 {offsets = [10], sizes = [1], strides = [1]} : vector<16xi32> to vector<1xi32>
    %squeeze3A_155 = vector.extract %slice3A_154[0] : i32 from vector<1xi32>
    %dma_start3A_156 = arith.constant 10 : i32
    %dma_start3A_157 = arith.constant 0 : i32
    %dma_start3A_158 = tpu.memref_slice %arg6[%dma_start3A_156, %dma_start3A_157] : memref<256x64xf32, #tpu.memory_space<vmem>> -> memref<1x64xf32, #tpu.memory_space<vmem>>
    %dma_start3A_159 = arith.constant 0 : i32
    %dma_start3A_160 = tpu.memref_slice %arg3[%squeeze3A_155, %dma_start3A_159] : memref<100000x64xf32, #tpu.memory_space<hbm>> -> memref<1x64xf32, #tpu.memory_space<hbm>>
    %dma_start3A_161 = arith.constant 10 : i32
    %dma_start3A_162 = arith.constant 0 : i32
    %dma_start3A_163 = tpu.memref_slice %arg6[%dma_start3A_161, %dma_start3A_162] : memref<256x64xf32, #tpu.memory_space<vmem>> -> memref<1x64xf32, #tpu.memory_space<vmem>>
    %dma_start3A_164 = arith.constant 0 : i32
    %dma_start3A_165 = tpu.memref_slice %arg3[%squeeze3A_155, %dma_start3A_164] : memref<100000x64xf32, #tpu.memory_space<hbm>> -> memref<1x64xf32, #tpu.memory_space<hbm>>
    tpu.enqueue_dma source(%dma_start3A_165 : memref<1x64xf32, #tpu.memory_space<hbm>>) target(%dma_start3A_163 : memref<1x64xf32, #tpu.memory_space<vmem>>) target_semaphore(%arg7 : memref<!tpu.dma_semaphore, #tpu.memory_space<semaphore_mem>>)
    %slice3A_166 = vector.extract_strided_slice %get3A_36 {offsets = [11], sizes = [1], strides = [1]} : vector<16xi32> to vector<1xi32>
    %squeeze3A_167 = vector.extract %slice3A_166[0] : i32 from vector<1xi32>
    %dma_start3A_168 = arith.constant 11 : i32
    %dma_start3A_169 = arith.constant 0 : i32
    %dma_start3A_170 = tpu.memref_slice %arg6[%dma_start3A_168, %dma_start3A_169] : memref<256x64xf32, #tpu.memory_space<vmem>> -> memref<1x64xf32, #tpu.memory_space<vmem>>
    %dma_start3A_171 = arith.constant 0 : i32
    %dma_start3A_172 = tpu.memref_slice %arg3[%squeeze3A_167, %dma_start3A_171] : memref<100000x64xf32, #tpu.memory_space<hbm>> -> memref<1x64xf32, #tpu.memory_space<hbm>>
    %dma_start3A_173 = arith.constant 11 : i32
    %dma_start3A_174 = arith.constant 0 : i32
    %dma_start3A_175 = tpu.memref_slice %arg6[%dma_start3A_173, %dma_start3A_174] : memref<256x64xf32, #tpu.memory_space<vmem>> -> memref<1x64xf32, #tpu.memory_space<vmem>>
    %dma_start3A_176 = arith.constant 0 : i32
    %dma_start3A_177 = tpu.memref_slice %arg3[%squeeze3A_167, %dma_start3A_176] : memref<100000x64xf32, #tpu.memory_space<hbm>> -> memref<1x64xf32, #tpu.memory_space<hbm>>
    tpu.enqueue_dma source(%dma_start3A_177 : memref<1x64xf32, #tpu.memory_space<hbm>>) target(%dma_start3A_175 : memref<1x64xf32, #tpu.memory_space<vmem>>) target_semaphore(%arg7 : memref<!tpu.dma_semaphore, #tpu.memory_space<semaphore_mem>>)
    %slice3A_178 = vector.extract_strided_slice %get3A_36 {offsets = [12], sizes = [1], strides = [1]} : vector<16xi32> to vector<1xi32>
    %squeeze3A_179 = vector.extract %slice3A_178[0] : i32 from vector<1xi32>
    %dma_start3A_180 = arith.constant 12 : i32
    %dma_start3A_181 = arith.constant 0 : i32
    %dma_start3A_182 = tpu.memref_slice %arg6[%dma_start3A_180, %dma_start3A_181] : memref<256x64xf32, #tpu.memory_space<vmem>> -> memref<1x64xf32, #tpu.memory_space<vmem>>
    %dma_start3A_183 = arith.constant 0 : i32
    %dma_start3A_184 = tpu.memref_slice %arg3[%squeeze3A_179, %dma_start3A_183] : memref<100000x64xf32, #tpu.memory_space<hbm>> -> memref<1x64xf32, #tpu.memory_space<hbm>>
    %dma_start3A_185 = arith.constant 12 : i32
    %dma_start3A_186 = arith.constant 0 : i32
    %dma_start3A_187 = tpu.memref_slice %arg6[%dma_start3A_185, %dma_start3A_186] : memref<256x64xf32, #tpu.memory_space<vmem>> -> memref<1x64xf32, #tpu.memory_space<vmem>>
    %dma_start3A_188 = arith.constant 0 : i32
    %dma_start3A_189 = tpu.memref_slice %arg3[%squeeze3A_179, %dma_start3A_188] : memref<100000x64xf32, #tpu.memory_space<hbm>> -> memref<1x64xf32, #tpu.memory_space<hbm>>
    tpu.enqueue_dma source(%dma_start3A_189 : memref<1x64xf32, #tpu.memory_space<hbm>>) target(%dma_start3A_187 : memref<1x64xf32, #tpu.memory_space<vmem>>) target_semaphore(%arg7 : memref<!tpu.dma_semaphore, #tpu.memory_space<semaphore_mem>>)
    %slice3A_190 = vector.extract_strided_slice %get3A_36 {offsets = [13], sizes = [1], strides = [1]} : vector<16xi32> to vector<1xi32>
    %squeeze3A_191 = vector.extract %slice3A_190[0] : i32 from vector<1xi32>
    %dma_start3A_192 = arith.constant 13 : i32
    %dma_start3A_193 = arith.constant 0 : i32
    %dma_start3A_194 = tpu.memref_slice %arg6[%dma_start3A_192, %dma_start3A_193] : memref<256x64xf32, #tpu.memory_space<vmem>> -> memref<1x64xf32, #tpu.memory_space<vmem>>
    %dma_start3A_195 = arith.constant 0 : i32
    %dma_start3A_196 = tpu.memref_slice %arg3[%squeeze3A_191, %dma_start3A_195] : memref<100000x64xf32, #tpu.memory_space<hbm>> -> memref<1x64xf32, #tpu.memory_space<hbm>>
    %dma_start3A_197 = arith.constant 13 : i32
    %dma_start3A_198 = arith.constant 0 : i32
    %dma_start3A_199 = tpu.memref_slice %arg6[%dma_start3A_197, %dma_start3A_198] : memref<256x64xf32, #tpu.memory_space<vmem>> -> memref<1x64xf32, #tpu.memory_space<vmem>>
    %dma_start3A_200 = arith.constant 0 : i32
    %dma_start3A_201 = tpu.memref_slice %arg3[%squeeze3A_191, %dma_start3A_200] : memref<100000x64xf32, #tpu.memory_space<hbm>> -> memref<1x64xf32, #tpu.memory_space<hbm>>
    tpu.enqueue_dma source(%dma_start3A_201 : memref<1x64xf32, #tpu.memory_space<hbm>>) target(%dma_start3A_199 : memref<1x64xf32, #tpu.memory_space<vmem>>) target_semaphore(%arg7 : memref<!tpu.dma_semaphore, #tpu.memory_space<semaphore_mem>>)
    %slice3A_202 = vector.extract_strided_slice %get3A_36 {offsets = [14], sizes = [1], strides = [1]} : vector<16xi32> to vector<1xi32>
    %squeeze3A_203 = vector.extract %slice3A_202[0] : i32 from vector<1xi32>
    %dma_start3A_204 = arith.constant 14 : i32
    %dma_start3A_205 = arith.constant 0 : i32
    %dma_start3A_206 = tpu.memref_slice %arg6[%dma_start3A_204, %dma_start3A_205] : memref<256x64xf32, #tpu.memory_space<vmem>> -> memref<1x64xf32, #tpu.memory_space<vmem>>
    %dma_start3A_207 = arith.constant 0 : i32
    %dma_start3A_208 = tpu.memref_slice %arg3[%squeeze3A_203, %dma_start3A_207] : memref<100000x64xf32, #tpu.memory_space<hbm>> -> memref<1x64xf32, #tpu.memory_space<hbm>>
    %dma_start3A_209 = arith.constant 14 : i32
    %dma_start3A_210 = arith.constant 0 : i32
    %dma_start3A_211 = tpu.memref_slice %arg6[%dma_start3A_209, %dma_start3A_210] : memref<256x64xf32, #tpu.memory_space<vmem>> -> memref<1x64xf32, #tpu.memory_space<vmem>>
    %dma_start3A_212 = arith.constant 0 : i32
    %dma_start3A_213 = tpu.memref_slice %arg3[%squeeze3A_203, %dma_start3A_212] : memref<100000x64xf32, #tpu.memory_space<hbm>> -> memref<1x64xf32, #tpu.memory_space<hbm>>
    tpu.enqueue_dma source(%dma_start3A_213 : memref<1x64xf32, #tpu.memory_space<hbm>>) target(%dma_start3A_211 : memref<1x64xf32, #tpu.memory_space<vmem>>) target_semaphore(%arg7 : memref<!tpu.dma_semaphore, #tpu.memory_space<semaphore_mem>>)
    %slice3A_214 = vector.extract_strided_slice %get3A_36 {offsets = [15], sizes = [1], strides = [1]} : vector<16xi32> to vector<1xi32>
    %squeeze3A_215 = vector.extract %slice3A_214[0] : i32 from vector<1xi32>
    %dma_start3A_216 = arith.constant 15 : i32
    %dma_start3A_217 = arith.constant 0 : i32
    %dma_start3A_218 = tpu.memref_slice %arg6[%dma_start3A_216, %dma_start3A_217] : memref<256x64xf32, #tpu.memory_space<vmem>> -> memref<1x64xf32, #tpu.memory_space<vmem>>
    %dma_start3A_219 = arith.constant 0 : i32
    %dma_start3A_220 = tpu.memref_slice %arg3[%squeeze3A_215, %dma_start3A_219] : memref<100000x64xf32, #tpu.memory_space<hbm>> -> memref<1x64xf32, #tpu.memory_space<hbm>>
    %dma_start3A_221 = arith.constant 15 : i32
    %dma_start3A_222 = arith.constant 0 : i32
    %dma_start3A_223 = tpu.memref_slice %arg6[%dma_start3A_221, %dma_start3A_222] : memref<256x64xf32, #tpu.memory_space<vmem>> -> memref<1x64xf32, #tpu.memory_space<vmem>>
    %dma_start3A_224 = arith.constant 0 : i32
    %dma_start3A_225 = tpu.memref_slice %arg3[%squeeze3A_215, %dma_start3A_224] : memref<100000x64xf32, #tpu.memory_space<hbm>> -> memref<1x64xf32, #tpu.memory_space<hbm>>
    tpu.enqueue_dma source(%dma_start3A_225 : memref<1x64xf32, #tpu.memory_space<hbm>>) target(%dma_start3A_223 : memref<1x64xf32, #tpu.memory_space<vmem>>) target_semaphore(%arg7 : memref<!tpu.dma_semaphore, #tpu.memory_space<semaphore_mem>>)
    %get3A_226 = arith.constant 16 : index
    %get3A_227 = tpu.vector_load %arg5[%get3A_226] {strides = array<i32>} : memref<256xi32, #tpu.memory_space<vmem>>, vector<16xi32>,
    %get3A_228 = vector.shape_cast %get3A_227 : vector<16xi32> to vector<16xi32>
    %slice3A_229 = vector.extract_strided_slice %get3A_228 {offsets = [0], sizes = [1], strides = [1]} : vector<16xi32> to vector<1xi32>
    %squeeze3A_230 = vector.extract %slice3A_229[0] : i32 from vector<1xi32>
    %dma_start3A_231 = arith.constant 16 : i32
    %dma_start3A_232 = arith.constant 0 : i32
    %dma_start3A_233 = tpu.memref_slice %arg6[%dma_start3A_231, %dma_start3A_232] : memref<256x64xf32, #tpu.memory_space<vmem>> -> memref<1x64xf32, #tpu.memory_space<vmem>>
    %dma_start3A_234 = arith.constant 0 : i32
    %dma_start3A_235 = tpu.memref_slice %arg3[%squeeze3A_230, %dma_start3A_234] : memref<100000x64xf32, #tpu.memory_space<hbm>> -> memref<1x64xf32, #tpu.memory_space<hbm>>
    %dma_start3A_236 = arith.constant 16 : i32
    %dma_start3A_237 = arith.constant 0 : i32
    %dma_start3A_238 = tpu.memref_slice %arg6[%dma_start3A_236, %dma_start3A_237] : memref<256x64xf32, #tpu.memory_space<vmem>> -> memref<1x64xf32, #tpu.memory_space<vmem>>
    %dma_start3A_239 = arith.constant 0 : i32
    %dma_start3A_240 = tpu.memref_slice %arg3[%squeeze3A_230, %dma_start3A_239] : memref<100000x64xf32, #tpu.memory_space<hbm>> -> memref<1x64xf32, #tpu.memory_space<hbm>>
    tpu.enqueue_dma source(%dma_start3A_240 : memref<1x64xf32, #tpu.memory_space<hbm>>) target(%dma_start3A_238 : memref<1x64xf32, #tpu.memory_space<vmem>>) target_semaphore(%arg7 : memref<!tpu.dma_semaphore, #tpu.memory_space<semaphore_mem>>)
    %slice3A_241 = vector.extract_strided_slice %get3A_228 {offsets = [1], sizes = [1], strides = [1]} : vector<16xi32> to vector<1xi32>
    %squeeze3A_242 = vector.extract %slice3A_241[0] : i32 from vector<1xi32>
    %dma_start3A_243 = arith.constant 17 : i32
    %dma_start3A_244 = arith.constant 0 : i32
    %dma_start3A_245 = tpu.memref_slice %arg6[%dma_start3A_243, %dma_start3A_244] : memref<256x64xf32, #tpu.memory_space<vmem>> -> memref<1x64xf32, #tpu.memory_space<vmem>>
    %dma_start3A_246 = arith.constant 0 : i32
    %dma_start3A_247 = tpu.memref_slice %arg3[%squeeze3A_242, %dma_start3A_246] : memref<100000x64xf32, #tpu.memory_space<hbm>> -> memref<1x64xf32, #tpu.memory_space<hbm>>
    %dma_start3A_248 = arith.constant 17 : i32
    %dma_start3A_249 = arith.constant 0 : i32
    %dma_start3A_250 = tpu.memref_slice %arg6[%dma_start3A_248, %dma_start3A_249] : memref<256x64xf32, #tpu.memory_space<vmem>> -> memref<1x64xf32, #tpu.memory_space<vmem>>
    %dma_start3A_251 = arith.constant 0 : i32
    %dma_start3A_252 = tpu.memref_slice %arg3[%squeeze3A_242, %dma_start3A_251] : memref<100000x64xf32, #tpu.memory_space<hbm>> -> memref<1x64xf32, #tpu.memory_space<hbm>>
    tpu.enqueue_dma source(%dma_start3A_252 : memref<1x64xf32, #tpu.memory_space<hbm>>) target(%dma_start3A_250 : memref<1x64xf32, #tpu.memory_space<vmem>>) target_semaphore(%arg7 : memref<!tpu.dma_semaphore, #tpu.memory_space<semaphore_mem>>)
    %slice3A_253 = vector.extract_strided_slice %get3A_228 {offsets = [2], sizes = [1], strides = [1]} : vector<16xi32> to vector<1xi32>
    %squeeze3A_254 = vector.extract %slice3A_253[0] : i32 from vector<1xi32>
    %dma_start3A_255 = arith.constant 18 : i32
    %dma_start3A_256 = arith.constant 0 : i32
    %dma_start3A_257 = tpu.memref_slice %arg6[%dma_start3A_255, %dma_start3A_256] : memref<256x64xf32, #tpu.memory_space<vmem>> -> memref<1x64xf32, #tpu.memory_space<vmem>>
    %dma_start3A_258 = arith.constant 0 : i32
    %dma_start3A_259 = tpu.memref_slice %arg3[%squeeze3A_254, %dma_start3A_258] : memref<100000x64xf32, #tpu.memory_space<hbm>> -> memref<1x64xf32, #tpu.memory_space<hbm>>
    %dma_start3A_260 = arith.constant 18 : i32
    %dma_start3A_261 = arith.constant 0 : i32
    %dma_start3A_262 = tpu.memref_slice %arg6[%dma_start3A_260, %dma_start3A_261] : memref<256x64xf32, #tpu.memory_space<vmem>> -> memref<1x64xf32, #tpu.memory_space<vmem>>
    %dma_start3A_263 = arith.constant 0 : i32
    %dma_start3A_264 = tpu.memref_slice %arg3[%squeeze3A_254, %dma_start3A_263] : memref<100000x64xf32, #tpu.memory_space<hbm>> -> memref<1x64xf32, #tpu.memory_space<hbm>>
    tpu.enqueue_dma source(%dma_start3A_264 : memref<1x64xf32, #tpu.memory_space<hbm>>) target(%dma_start3A_262 : memref<1x64xf32, #tpu.memory_space<vmem>>) target_semaphore(%arg7 : memref<!tpu.dma_semaphore, #tpu.memory_space<semaphore_mem>>)
    %slice3A_265 = vector.extract_strided_slice %get3A_228 {offsets = [3], sizes = [1], strides = [1]} : vector<16xi32> to vector<1xi32>
    %squeeze3A_266 = vector.extract %slice3A_265[0] : i32 from vector<1xi32>
    %dma_start3A_267 = arith.constant 19 : i32
    %dma_start3A_268 = arith.constant 0 : i32
    %dma_start3A_269 = tpu.memref_slice %arg6[%dma_start3A_267, %dma_start3A_268] : memref<256x64xf32, #tpu.memory_space<vmem>> -> memref<1x64xf32, #tpu.memory_space<vmem>>
    %dma_start3A_270 = arith.constant 0 : i32
    %dma_start3A_271 = tpu.memref_slice %arg3[%squeeze3A_266, %dma_start3A_270] : memref<100000x64xf32, #tpu.memory_space<hbm>> -> memref<1x64xf32, #tpu.memory_space<hbm>>
    %dma_start3A_272 = arith.constant 19 : i32
    %dma_start3A_273 = arith.constant 0 : i32
    %dma_start3A_274 = tpu.memref_slice %arg6[%dma_start3A_272, %dma_start3A_273] : memref<256x64xf32, #tpu.memory_space<vmem>> -> memref<1x64xf32, #tpu.memory_space<vmem>>
    %dma_start3A_275 = arith.constant 0 : i32
    %dma_start3A_276 = tpu.memref_slice %arg3[%squeeze3A_266, %dma_start3A_275] : memref<100000x64xf32, #tpu.memory_space<hbm>> -> memref<1x64xf32, #tpu.memory_space<hbm>>
    tpu.enqueue_dma source(%dma_start3A_276 : memref<1x64xf32, #tpu.memory_space<hbm>>) target(%dma_start3A_274 : memref<1x64xf32, #tpu.memory_space<vmem>>) target_semaphore(%arg7 : memref<!tpu.dma_semaphore, #tpu.memory_space<semaphore_mem>>)
    %slice3A_277 = vector.extract_strided_slice %get3A_228 {offsets = [4], sizes = [1], strides = [1]} : vector<16xi32> to vector<1xi32>
    %squeeze3A_278 = vector.extract %slice3A_277[0] : i32 from vector<1xi32>
    %dma_start3A_279 = arith.constant 20 : i32
    %dma_start3A_280 = arith.constant 0 : i32
    %dma_start3A_281 = tpu.memref_slice %arg6[%dma_start3A_279, %dma_start3A_280] : memref<256x64xf32, #tpu.memory_space<vmem>> -> memref<1x64xf32, #tpu.memory_space<vmem>>
    %dma_start3A_282 = arith.constant 0 : i32
    %dma_start3A_283 = tpu.memref_slice %arg3[%squeeze3A_278, %dma_start3A_282] : memref<100000x64xf32, #tpu.memory_space<hbm>> -> memref<1x64xf32, #tpu.memory_space<hbm>>
    %dma_start3A_284 = arith.constant 20 : i32
    %dma_start3A_285 = arith.constant 0 : i32
    %dma_start3A_286 = tpu.memref_slice %arg6[%dma_start3A_284, %dma_start3A_285] : memref<256x64xf32, #tpu.memory_space<vmem>> -> memref<1x64xf32, #tpu.memory_space<vmem>>
    %dma_start3A_287 = arith.constant 0 : i32
    %dma_start3A_288 = tpu.memref_slice %arg3[%squeeze3A_278, %dma_start3A_287] : memref<100000x64xf32, #tpu.memory_space<hbm>> -> memref<1x64xf32, #tpu.memory_space<hbm>>
    tpu.enqueue_dma source(%dma_start3A_288 : memref<1x64xf32, #tpu.memory_space<hbm>>) target(%dma_start3A_286 : memref<1x64xf32, #tpu.memory_space<vmem>>) target_semaphore(%arg7 : memref<!tpu.dma_semaphore, #tpu.memory_space<semaphore_mem>>)
    %slice3A_289 = vector.extract_strided_slice %get3A_228 {offsets = [5], sizes = [1], strides = [1]} : vector<16xi32> to vector<1xi32>
    %squeeze3A_290 = vector.extract %slice3A_289[0] : i32 from vector<1xi32>
    %dma_start3A_291 = arith.constant 21 : i32
    %dma_start3A_292 = arith.constant 0 : i32
    %dma_start3A_293 = tpu.memref_slice %arg6[%dma_start3A_291, %dma_start3A_292] : memref<256x64xf32, #tpu.memory_space<vmem>> -> memref<1x64xf32, #tpu.memory_space<vmem>>
    %dma_start3A_294 = arith.constant 0 : i32
    %dma_start3A_295 = tpu.memref_slice %arg3[%squeeze3A_290, %dma_start3A_294] : memref<100000x64xf32, #tpu.memory_space<hbm>> -> memref<1x64xf32, #tpu.memory_space<hbm>>
    %dma_start3A_296 = arith.constant 21 : i32
    %dma_start3A_297 = arith.constant 0 : i32
    %dma_start3A_298 = tpu.memref_slice %arg6[%dma_start3A_296, %dma_start3A_297] : memref<256x64xf32, #tpu.memory_space<vmem>> -> memref<1x64xf32, #tpu.memory_space<vmem>>
    %dma_start3A_299 = arith.constant 0 : i32
    %dma_start3A_300 = tpu.memref_slice %arg3[%squeeze3A_290, %dma_start3A_299] : memref<100000x64xf32, #tpu.memory_space<hbm>> -> memref<1x64xf32, #tpu.memory_space<hbm>>
    tpu.enqueue_dma source(%dma_start3A_300 : memref<1x64xf32, #tpu.memory_space<hbm>>) target(%dma_start3A_298 : memref<1x64xf32, #tpu.memory_space<vmem>>) target_semaphore(%arg7 : memref<!tpu.dma_semaphore, #tpu.memory_space<semaphore_mem>>)
    %slice3A_301 = vector.extract_strided_slice %get3A_228 {offsets = [6], sizes = [1], strides = [1]} : vector<16xi32> to vector<1xi32>
    %squeeze3A_302 = vector.extract %slice3A_301[0] : i32 from vector<1xi32>
    %dma_start3A_303 = arith.constant 22 : i32
    %dma_start3A_304 = arith.constant 0 : i32
    %dma_start3A_305 = tpu.memref_slice %arg6[%dma_start3A_303, %dma_start3A_304] : memref<256x64xf32, #tpu.memory_space<vmem>> -> memref<1x64xf32, #tpu.memory_space<vmem>>
    %dma_start3A_306 = arith.constant 0 : i32
    %dma_start3A_307 = tpu.memref_slice %arg3[%squeeze3A_302, %dma_start3A_306] : memref<100000x64xf32, #tpu.memory_space<hbm>> -> memref<1x64xf32, #tpu.memory_space<hbm>>
    %dma_start3A_308 = arith.constant 22 : i32
    %dma_start3A_309 = arith.constant 0 : i32
    %dma_start3A_310 = tpu.memref_slice %arg6[%dma_start3A_308, %dma_start3A_309] : memref<256x64xf32, #tpu.memory_space<vmem>> -> memref<1x64xf32, #tpu.memory_space<vmem>>
    %dma_start3A_311 = arith.constant 0 : i32
    %dma_start3A_312 = tpu.memref_slice %arg3[%squeeze3A_302, %dma_start3A_311] : memref<100000x64xf32, #tpu.memory_space<hbm>> -> memref<1x64xf32, #tpu.memory_space<hbm>>
    tpu.enqueue_dma source(%dma_start3A_312 : memref<1x64xf32, #tpu.memory_space<hbm>>) target(%dma_start3A_310 : memref<1x64xf32, #tpu.memory_space<vmem>>) target_semaphore(%arg7 : memref<!tpu.dma_semaphore, #tpu.memory_space<semaphore_mem>>)
    %slice3A_313 = vector.extract_strided_slice %get3A_228 {offsets = [7], sizes = [1], strides = [1]} : vector<16xi32> to vector<1xi32>
    %squeeze3A_314 = vector.extract %slice3A_313[0] : i32 from vector<1xi32>
    %dma_start3A_315 = arith.constant 23 : i32
    %dma_start3A_316 = arith.constant 0 : i32
    %dma_start3A_317 = tpu.memref_slice %arg6[%dma_start3A_315, %dma_start3A_316] : memref<256x64xf32, #tpu.memory_space<vmem>> -> memref<1x64xf32, #tpu.memory_space<vmem>>
    %dma_start3A_318 = arith.constant 0 : i32
    %dma_start3A_319 = tpu.memref_slice %arg3[%squeeze3A_314, %dma_start3A_318] : memref<100000x64xf32, #tpu.memory_space<hbm>> -> memref<1x64xf32, #tpu.memory_space<hbm>>
    %dma_start3A_320 = arith.constant 23 : i32
    %dma_start3A_321 = arith.constant 0 : i32
    %dma_start3A_322 = tpu.memref_slice %arg6[%dma_start3A_320, %dma_start3A_321] : memref<256x64xf32, #tpu.memory_space<vmem>> -> memref<1x64xf32, #tpu.memory_space<vmem>>
    %dma_start3A_323 = arith.constant 0 : i32
    %dma_start3A_324 = tpu.memref_slice %arg3[%squeeze3A_314, %dma_start3A_323] : memref<100000x64xf32, #tpu.memory_space<hbm>> -> memref<1x64xf32, #tpu.memory_space<hbm>>
    tpu.enqueue_dma source(%dma_start3A_324 : memref<1x64xf32, #tpu.memory_space<hbm>>) target(%dma_start3A_322 : memref<1x64xf32, #tpu.memory_space<vmem>>) target_semaphore(%arg7 : memref<!tpu.dma_semaphore, #tpu.memory_space<semaphore_mem>>)
    %slice3A_325 = vector.extract_strided_slice %get3A_228 {offsets = [8], sizes = [1], strides = [1]} : vector<16xi32> to vector<1xi32>
    %squeeze3A_326 = vector.extract %slice3A_325[0] : i32 from vector<1xi32>
    %dma_start3A_327 = arith.constant 24 : i32
    %dma_start3A_328 = arith.constant 0 : i32
    %dma_start3A_329 = tpu.memref_slice %arg6[%dma_start3A_327, %dma_start3A_328] : memref<256x64xf32, #tpu.memory_space<vmem>> -> memref<1x64xf32, #tpu.memory_space<vmem>>
    %dma_start3A_330 = arith.constant 0 : i32
    %dma_start3A_331 = tpu.memref_slice %arg3[%squeeze3A_326, %dma_start3A_330] : memref<100000x64xf32, #tpu.memory_space<hbm>> -> memref<1x64xf32, #tpu.memory_space<hbm>>
    %dma_start3A_332 = arith.constant 24 : i32
    %dma_start3A_333 = arith.constant 0 : i32
    %dma_start3A_334 = tpu.memref_slice %arg6[%dma_start3A_332, %dma_start3A_333] : memref<256x64xf32, #tpu.memory_space<vmem>> -> memref<1x64xf32, #tpu.memory_space<vmem>>
    %dma_start3A_335 = arith.constant 0 : i32
    %dma_start3A_336 = tpu.memref_slice %arg3[%squeeze3A_326, %dma_start3A_335] : memref<100000x64xf32, #tpu.memory_space<hbm>> -> memref<1x64xf32, #tpu.memory_space<hbm>>
    tpu.enqueue_dma source(%dma_start3A_336 : memref<1x64xf32, #tpu.memory_space<hbm>>) target(%dma_start3A_334 : memref<1x64xf32, #tpu.memory_space<vmem>>) target_semaphore(%arg7 : memref<!tpu.dma_semaphore, #tpu.memory_space<semaphore_mem>>)
    %slice3A_337 = vector.extract_strided_slice %get3A_228 {offsets = [9], sizes = [1], strides = [1]} : vector<16xi32> to vector<1xi32>
    %squeeze3A_338 = vector.extract %slice3A_337[0] : i32 from vector<1xi32>
    %dma_start3A_339 = arith.constant 25 : i32
    %dma_start3A_340 = arith.constant 0 : i32
    %dma_start3A_341 = tpu.memref_slice %arg6[%dma_start3A_339, %dma_start3A_340] : memref<256x64xf32, #tpu.memory_space<vmem>> -> memref<1x64xf32, #tpu.memory_space<vmem>>
    %dma_start3A_342 = arith.constant 0 : i32
    %dma_start3A_343 = tpu.memref_slice %arg3[%squeeze3A_338, %dma_start3A_342] : memref<100000x64xf32, #tpu.memory_space<hbm>> -> memref<1x64xf32, #tpu.memory_space<hbm>>
    %dma_start3A_344 = arith.constant 25 : i32
    %dma_start3A_345 = arith.constant 0 : i32
    %dma_start3A_346 = tpu.memref_slice %arg6[%dma_start3A_344, %dma_start3A_345] : memref<256x64xf32, #tpu.memory_space<vmem>> -> memref<1x64xf32, #tpu.memory_space<vmem>>
    %dma_start3A_347 = arith.constant 0 : i32
    %dma_start3A_348 = tpu.memref_slice %arg3[%squeeze3A_338, %dma_start3A_347] : memref<100000x64xf32, #tpu.memory_space<hbm>> -> memref<1x64xf32, #tpu.memory_space<hbm>>
    tpu.enqueue_dma source(%dma_start3A_348 : memref<1x64xf32, #tpu.memory_space<hbm>>) target(%dma_start3A_346 : memref<1x64xf32, #tpu.memory_space<vmem>>) target_semaphore(%arg7 : memref<!tpu.dma_semaphore, #tpu.memory_space<semaphore_mem>>)
    %slice3A_349 = vector.extract_strided_slice %get3A_228 {offsets = [10], sizes = [1], strides = [1]} : vector<16xi32> to vector<1xi32>
    %squeeze3A_350 = vector.extract %slice3A_349[0] : i32 from vector<1xi32>
    %dma_start3A_351 = arith.constant 26 : i32
    %dma_start3A_352 = arith.constant 0 : i32
    %dma_start3A_353 = tpu.memref_slice %arg6[%dma_start3A_351, %dma_start3A_352] : memref<256x64xf32, #tpu.memory_space<vmem>> -> memref<1x64xf32, #tpu.memory_space<vmem>>
    %dma_start3A_354 = arith.constant 0 : i32
    %dma_start3A_355 = tpu.memref_slice %arg3[%squeeze3A_350, %dma_start3A_354] : memref<100000x64xf32, #tpu.memory_space<hbm>> -> memref<1x64xf32, #tpu.memory_space<hbm>>
    %dma_start3A_356 = arith.constant 26 : i32
    %dma_start3A_357 = arith.constant 0 : i32
    %dma_start3A_358 = tpu.memref_slice %arg6[%dma_start3A_356, %dma_start3A_357] : memref<256x64xf32, #tpu.memory_space<vmem>> -> memref<1x64xf32, #tpu.memory_space<vmem>>
    %dma_start3A_359 = arith.constant 0 : i32
    %dma_start3A_360 = tpu.memref_slice %arg3[%squeeze3A_350, %dma_start3A_359] : memref<100000x64xf32, #tpu.memory_space<hbm>> -> memref<1x64xf32, #tpu.memory_space<hbm>>
    tpu.enqueue_dma source(%dma_start3A_360 : memref<1x64xf32, #tpu.memory_space<hbm>>) target(%dma_start3A_358 : memref<1x64xf32, #tpu.memory_space<vmem>>) target_semaphore(%arg7 : memref<!tpu.dma_semaphore, #tpu.memory_space<semaphore_mem>>)
    %slice3A_361 = vector.extract_strided_slice %get3A_228 {offsets = [11], sizes = [1], strides = [1]} : vector<16xi32> to vector<1xi32>
    %squeeze3A_362 = vector.extract %slice3A_361[0] : i32 from vector<1xi32>
    %dma_start3A_363 = arith.constant 27 : i32
    %dma_start3A_364 = arith.constant 0 : i32
    %dma_start3A_365 = tpu.memref_slice %arg6[%dma_start3A_363, %dma_start3A_364] : memref<256x64xf32, #tpu.memory_space<vmem>> -> memref<1x64xf32, #tpu.memory_space<vmem>>
    %dma_start3A_366 = arith.constant 0 : i32
    %dma_start3A_367 = tpu.memref_slice %arg3[%squeeze3A_362, %dma_start3A_366] : memref<100000x64xf32, #tpu.memory_space<hbm>> -> memref<1x64xf32, #tpu.memory_space<hbm>>
    %dma_start3A_368 = arith.constant 27 : i32
    %dma_start3A_369 = arith.constant 0 : i32
    %dma_start3A_370 = tpu.memref_slice %arg6[%dma_start3A_368, %dma_start3A_369] : memref<256x64xf32, #tpu.memory_space<vmem>> -> memref<1x64xf32, #tpu.memory_space<vmem>>
    %dma_start3A_371 = arith.constant 0 : i32
    %dma_start3A_372 = tpu.memref_slice %arg3[%squeeze3A_362, %dma_start3A_371] : memref<100000x64xf32, #tpu.memory_space<hbm>> -> memref<1x64xf32, #tpu.memory_space<hbm>>
    tpu.enqueue_dma source(%dma_start3A_372 : memref<1x64xf32, #tpu.memory_space<hbm>>) target(%dma_start3A_370 : memref<1x64xf32, #tpu.memory_space<vmem>>) target_semaphore(%arg7 : memref<!tpu.dma_semaphore, #tpu.memory_space<semaphore_mem>>)
    %slice3A_373 = vector.extract_strided_slice %get3A_228 {offsets = [12], sizes = [1], strides = [1]} : vector<16xi32> to vector<1xi32>
    %squeeze3A_374 = vector.extract %slice3A_373[0] : i32 from vector<1xi32>
    %dma_start3A_375 = arith.constant 28 : i32
    %dma_start3A_376 = arith.constant 0 : i32
    %dma_start3A_377 = tpu.memref_slice %arg6[%dma_start3A_375, %dma_start3A_376] : memref<256x64xf32, #tpu.memory_space<vmem>> -> memref<1x64xf32, #tpu.memory_space<vmem>>
    %dma_start3A_378 = arith.constant 0 : i32
    %dma_start3A_379 = tpu.memref_slice %arg3[%squeeze3A_374, %dma_start3A_378] : memref<100000x64xf32, #tpu.memory_space<hbm>> -> memref<1x64xf32, #tpu.memory_space<hbm>>
    %dma_start3A_380 = arith.constant 28 : i32
    %dma_start3A_381 = arith.constant 0 : i32
    %dma_start3A_382 = tpu.memref_slice %arg6[%dma_start3A_380, %dma_start3A_381] : memref<256x64xf32, #tpu.memory_space<vmem>> -> memref<1x64xf32, #tpu.memory_space<vmem>>
    %dma_start3A_383 = arith.constant 0 : i32
    %dma_start3A_384 = tpu.memref_slice %arg3[%squeeze3A_374, %dma_start3A_383] : memref<100000x64xf32, #tpu.memory_space<hbm>> -> memref<1x64xf32, #tpu.memory_space<hbm>>
    tpu.enqueue_dma source(%dma_start3A_384 : memref<1x64xf32, #tpu.memory_space<hbm>>) target(%dma_start3A_382 : memref<1x64xf32, #tpu.memory_space<vmem>>) target_semaphore(%arg7 : memref<!tpu.dma_semaphore, #tpu.memory_space<semaphore_mem>>)
    %slice3A_385 = vector.extract_strided_slice %get3A_228 {offsets = [13], sizes = [1], strides = [1]} : vector<16xi32> to vector<1xi32>
    %squeeze3A_386 = vector.extract %slice3A_385[0] : i32 from vector<1xi32>
    %dma_start3A_387 = arith.constant 29 : i32
    %dma_start3A_388 = arith.constant 0 : i32
    %dma_start3A_389 = tpu.memref_slice %arg6[%dma_start3A_387, %dma_start3A_388] : memref<256x64xf32, #tpu.memory_space<vmem>> -> memref<1x64xf32, #tpu.memory_space<vmem>>
    %dma_start3A_390 = arith.constant 0 : i32
    %dma_start3A_391 = tpu.memref_slice %arg3[%squeeze3A_386, %dma_start3A_390] : memref<100000x64xf32, #tpu.memory_space<hbm>> -> memref<1x64xf32, #tpu.memory_space<hbm>>
    %dma_start3A_392 = arith.constant 29 : i32
    %dma_start3A_393 = arith.constant 0 : i32
    %dma_start3A_394 = tpu.memref_slice %arg6[%dma_start3A_392, %dma_start3A_393] : memref<256x64xf32, #tpu.memory_space<vmem>> -> memref<1x64xf32, #tpu.memory_space<vmem>>
    %dma_start3A_395 = arith.constant 0 : i32
    %dma_start3A_396 = tpu.memref_slice %arg3[%squeeze3A_386, %dma_start3A_395] : memref<100000x64xf32, #tpu.memory_space<hbm>> -> memref<1x64xf32, #tpu.memory_space<hbm>>
    tpu.enqueue_dma source(%dma_start3A_396 : memref<1x64xf32, #tpu.memory_space<hbm>>) target(%dma_start3A_394 : memref<1x64xf32, #tpu.memory_space<vmem>>) target_semaphore(%arg7 : memref<!tpu.dma_semaphore, #tpu.memory_space<semaphore_mem>>)
    %slice3A_397 = vector.extract_strided_slice %get3A_228 {offsets = [14], sizes = [1], strides = [1]} : vector<16xi32> to vector<1xi32>
    %squeeze3A_398 = vector.extract %slice3A_397[0] : i32 from vector<1xi32>
    %dma_start3A_399 = arith.constant 30 : i32
    %dma_start3A_400 = arith.constant 0 : i32
    %dma_start3A_401 = tpu.memref_slice %arg6[%dma_start3A_399, %dma_start3A_400] : memref<256x64xf32, #tpu.memory_space<vmem>> -> memref<1x64xf32, #tpu.memory_space<vmem>>
    %dma_start3A_402 = arith.constant 0 : i32
    %dma_start3A_403 = tpu.memref_slice %arg3[%squeeze3A_398, %dma_start3A_402] : memref<100000x64xf32, #tpu.memory_space<hbm>> -> memref<1x64xf32, #tpu.memory_space<hbm>>
    %dma_start3A_404 = arith.constant 30 : i32
    %dma_start3A_405 = arith.constant 0 : i32
    %dma_start3A_406 = tpu.memref_slice %arg6[%dma_start3A_404, %dma_start3A_405] : memref<256x64xf32, #tpu.memory_space<vmem>> -> memref<1x64xf32, #tpu.memory_space<vmem>>
    %dma_start3A_407 = arith.constant 0 : i32
    %dma_start3A_408 = tpu.memref_slice %arg3[%squeeze3A_398, %dma_start3A_407] : memref<100000x64xf32, #tpu.memory_space<hbm>> -> memref<1x64xf32, #tpu.memory_space<hbm>>
    tpu.enqueue_dma source(%dma_start3A_408 : memref<1x64xf32, #tpu.memory_space<hbm>>) target(%dma_start3A_406 : memref<1x64xf32, #tpu.memory_space<vmem>>) target_semaphore(%arg7 : memref<!tpu.dma_semaphore, #tpu.memory_space<semaphore_mem>>)
    %slice3A_409 = vector.extract_strided_slice %get3A_228 {offsets = [15], sizes = [1], strides = [1]} : vector<16xi32> to vector<1xi32>
    %squeeze3A_410 = vector.extract %slice3A_409[0] : i32 from vector<1xi32>
    %dma_start3A_411 = arith.constant 31 : i32
    %dma_start3A_412 = arith.constant 0 : i32
    %dma_start3A_413 = tpu.memref_slice %arg6[%dma_start3A_411, %dma_start3A_412] : memref<256x64xf32, #tpu.memory_space<vmem>> -> memref<1x64xf32, #tpu.memory_space<vmem>>
    %dma_start3A_414 = arith.constant 0 : i32
    %dma_start3A_415 = tpu.memref_slice %arg3[%squeeze3A_410, %dma_start3A_414] : memref<100000x64xf32, #tpu.memory_space<hbm>> -> memref<1x64xf32, #tpu.memory_space<hbm>>
    %dma_start3A_416 = arith.constant 31 : i32
    %dma_start3A_417 = arith.constant 0 : i32
    %dma_start3A_418 = tpu.memref_slice %arg6[%dma_start3A_416, %dma_start3A_417] : memref<256x64xf32, #tpu.memory_space<vmem>> -> memref<1x64xf32, #tpu.memory_space<vmem>>
    %dma_start3A_419 = arith.constant 0 : i32
    %dma_start3A_420 = tpu.memref_slice %arg3[%squeeze3A_410, %dma_start3A_419] : memref<100000x64xf32, #tpu.memory_space<hbm>> -> memref<1x64xf32, #tpu.memory_space<hbm>>
    tpu.enqueue_dma source(%dma_start3A_420 : memref<1x64xf32, #tpu.memory_space<hbm>>) target(%dma_start3A_418 : memref<1x64xf32, #tpu.memory_space<vmem>>) target_semaphore(%arg7 : memref<!tpu.dma_semaphore, #tpu.memory_space<semaphore_mem>>)
    %get3A_421 = arith.constant 32 : index
    %get3A_422 = tpu.vector_load %arg5[%get3A_421] {strides = array<i32>} : memref<256xi32, #tpu.memory_space<vmem>>, vector<16xi32>,
    %get3A_423 = vector.shape_cast %get3A_422 : vector<16xi32> to vector<16xi32>
    %slice3A_424 = vector.extract_strided_slice %get3A_423 {offsets = [0], sizes = [1], strides = [1]} : vector<16xi32> to vector<1xi32>
    %squeeze3A_425 = vector.extract %slice3A_424[0] : i32 from vector<1xi32>
    %dma_start3A_426 = arith.constant 32 : i32
    %dma_start3A_427 = arith.constant 0 : i32
    %dma_start3A_428 = tpu.memref_slice %arg6[%dma_start3A_426, %dma_start3A_427] : memref<256x64xf32, #tpu.memory_space<vmem>> -> memref<1x64xf32, #tpu.memory_space<vmem>>
    %dma_start3A_429 = arith.constant 0 : i32
    %dma_start3A_430 = tpu.memref_slice %arg3[%squeeze3A_425, %dma_start3A_429] : memref<100000x64xf32, #tpu.memory_space<hbm>> -> memref<1x64xf32, #tpu.memory_space<hbm>>
    %dma_start3A_431 = arith.constant 32 : i32
    %dma_start3A_432 = arith.constant 0 : i32
    %dma_start3A_433 = tpu.memref_slice %arg6[%dma_start3A_431, %dma_start3A_432] : memref<256x64xf32, #tpu.memory_space<vmem>> -> memref<1x64xf32, #tpu.memory_space<vmem>>
    %dma_start3A_434 = arith.constant 0 : i32
    %dma_start3A_435 = tpu.memref_slice %arg3[%squeeze3A_425, %dma_start3A_434] : memref<100000x64xf32, #tpu.memory_space<hbm>> -> memref<1x64xf32, #tpu.memory_space<hbm>>
    tpu.enqueue_dma source(%dma_start3A_435 : memref<1x64xf32, #tpu.memory_space<hbm>>) target(%dma_start3A_433 : memref<1x64xf32, #tpu.memory_space<vmem>>) target_semaphore(%arg7 : memref<!tpu.dma_semaphore, #tpu.memory_space<semaphore_mem>>)
    %slice3A_436 = vector.extract_strided_slice %get3A_423 {offsets = [1], sizes = [1], strides = [1]} : vector<16xi32> to vector<1xi32>
    %squeeze3A_437 = vector.extract %slice3A_436[0] : i32 from vector<1xi32>
    %dma_start3A_438 = arith.constant 33 : i32
    %dma_start3A_439 = arith.constant 0 : i32
    %dma_start3A_440 = tpu.memref_slice %arg6[%dma_start3A_438, %dma_start3A_439] : memref<256x64xf32, #tpu.memory_space<vmem>> -> memref<1x64xf32, #tpu.memory_space<vmem>>
    %dma_start3A_441 = arith.constant 0 : i32
    %dma_start3A_442 = tpu.memref_slice %arg3[%squeeze3A_437, %dma_start3A_441] : memref<100000x64xf32, #tpu.memory_space<hbm>> -> memref<1x64xf32, #tpu.memory_space<hbm>>
    %dma_start3A_443 = arith.constant 33 : i32
    %dma_start3A_444 = arith.constant 0 : i32
    %dma_start3A_445 = tpu.memref_slice %arg6[%dma_start3A_443, %dma_start3A_444] : memref<256x64xf32, #tpu.memory_space<vmem>> -> memref<1x64xf32, #tpu.memory_space<vmem>>
    %dma_start3A_446 = arith.constant 0 : i32
    %dma_start3A_447 = tpu.memref_slice %arg3[%squeeze3A_437, %dma_start3A_446] : memref<100000x64xf32, #tpu.memory_space<hbm>> -> memref<1x64xf32, #tpu.memory_space<hbm>>
    tpu.enqueue_dma source(%dma_start3A_447 : memref<1x64xf32, #tpu.memory_space<hbm>>) target(%dma_start3A_445 : memref<1x64xf32, #tpu.memory_space<vmem>>) target_semaphore(%arg7 : memref<!tpu.dma_semaphore, #tpu.memory_space<semaphore_mem>>)
    %slice3A_448 = vector.extract_strided_slice %get3A_423 {offsets = [2], sizes = [1], strides = [1]} : vector<16xi32> to vector<1xi32>
    %squeeze3A_449 = vector.extract %slice3A_448[0] : i32 from vector<1xi32>
    %dma_start3A_450 = arith.constant 34 : i32
    %dma_start3A_451 = arith.constant 0 : i32
    %dma_start3A_452 = tpu.memref_slice %arg6[%dma_start3A_450, %dma_start3A_451] : memref<256x64xf32, #tpu.memory_space<vmem>> -> memref<1x64xf32, #tpu.memory_space<vmem>>
    %dma_start3A_453 = arith.constant 0 : i32
    %dma_start3A_454 = tpu.memref_slice %arg3[%squeeze3A_449, %dma_start3A_453] : memref<100000x64xf32, #tpu.memory_space<hbm>> -> memref<1x64xf32, #tpu.memory_space<hbm>>
    %dma_start3A_455 = arith.constant 34 : i32
    %dma_start3A_456 = arith.constant 0 : i32
    %dma_start3A_457 = tpu.memref_slice %arg6[%dma_start3A_455, %dma_start3A_456] : memref<256x64xf32, #tpu.memory_space<vmem>> -> memref<1x64xf32, #tpu.memory_space<vmem>>
    %dma_start3A_458 = arith.constant 0 : i32
    %dma_start3A_459 = tpu.memref_slice %arg3[%squeeze3A_449, %dma_start3A_458] : memref<100000x64xf32, #tpu.memory_space<hbm>> -> memref<1x64xf32, #tpu.memory_space<hbm>>
    tpu.enqueue_dma source(%dma_start3A_459 : memref<1x64xf32, #tpu.memory_space<hbm>>) target(%dma_start3A_457 : memref<1x64xf32, #tpu.memory_space<vmem>>) target_semaphore(%arg7 : memref<!tpu.dma_semaphore, #tpu.memory_space<semaphore_mem>>)
    %slice3A_460 = vector.extract_strided_slice %get3A_423 {offsets = [3], sizes = [1], strides = [1]} : vector<16xi32> to vector<1xi32>
    %squeeze3A_461 = vector.extract %slice3A_460[0] : i32 from vector<1xi32>
    %dma_start3A_462 = arith.constant 35 : i32
    %dma_start3A_463 = arith.constant 0 : i32
    %dma_start3A_464 = tpu.memref_slice %arg6[%dma_start3A_462, %dma_start3A_463] : memref<256x64xf32, #tpu.memory_space<vmem>> -> memref<1x64xf32, #tpu.memory_space<vmem>>
    %dma_start3A_465 = arith.constant 0 : i32
    %dma_start3A_466 = tpu.memref_slice %arg3[%squeeze3A_461, %dma_start3A_465] : memref<100000x64xf32, #tpu.memory_space<hbm>> -> memref<1x64xf32, #tpu.memory_space<hbm>>
    %dma_start3A_467 = arith.constant 35 : i32
    %dma_start3A_468 = arith.constant 0 : i32
    %dma_start3A_469 = tpu.memref_slice %arg6[%dma_start3A_467, %dma_start3A_468] : memref<256x64xf32, #tpu.memory_space<vmem>> -> memref<1x64xf32, #tpu.memory_space<vmem>>
    %dma_start3A_470 = arith.constant 0 : i32
    %dma_start3A_471 = tpu.memref_slice %arg3[%squeeze3A_461, %dma_start3A_470] : memref<100000x64xf32, #tpu.memory_space<hbm>> -> memref<1x64xf32, #tpu.memory_space<hbm>>
    tpu.enqueue_dma source(%dma_start3A_471 : memref<1x64xf32, #tpu.memory_space<hbm>>) target(%dma_start3A_469 : memref<1x64xf32, #tpu.memory_space<vmem>>) target_semaphore(%arg7 : memref<!tpu.dma_semaphore, #tpu.memory_space<semaphore_mem>>)
    %slice3A_472 = vector.extract_strided_slice %get3A_423 {offsets = [4], sizes = [1], strides = [1]} : vector<16xi32> to vector<1xi32>
    %squeeze3A_473 = vector.extract %slice3A_472[0] : i32 from vector<1xi32>
    %dma_start3A_474 = arith.constant 36 : i32
    %dma_start3A_475 = arith.constant 0 : i32
    %dma_start3A_476 = tpu.memref_slice %arg6[%dma_start3A_474, %dma_start3A_475] : memref<256x64xf32, #tpu.memory_space<vmem>> -> memref<1x64xf32, #tpu.memory_space<vmem>>
    %dma_start3A_477 = arith.constant 0 : i32
    %dma_start3A_478 = tpu.memref_slice %arg3[%squeeze3A_473, %dma_start3A_477] : memref<100000x64xf32, #tpu.memory_space<hbm>> -> memref<1x64xf32, #tpu.memory_space<hbm>>
    %dma_start3A_479 = arith.constant 36 : i32
    %dma_start3A_480 = arith.constant 0 : i32
    %dma_start3A_481 = tpu.memref_slice %arg6[%dma_start3A_479, %dma_start3A_480] : memref<256x64xf32, #tpu.memory_space<vmem>> -> memref<1x64xf32, #tpu.memory_space<vmem>>
    %dma_start3A_482 = arith.constant 0 : i32
    %dma_start3A_483 = tpu.memref_slice %arg3[%squeeze3A_473, %dma_start3A_482] : memref<100000x64xf32, #tpu.memory_space<hbm>> -> memref<1x64xf32, #tpu.memory_space<hbm>>
    tpu.enqueue_dma source(%dma_start3A_483 : memref<1x64xf32, #tpu.memory_space<hbm>>) target(%dma_start3A_481 : memref<1x64xf32, #tpu.memory_space<vmem>>) target_semaphore(%arg7 : memref<!tpu.dma_semaphore, #tpu.memory_space<semaphore_mem>>)
    %slice3A_484 = vector.extract_strided_slice %get3A_423 {offsets = [5], sizes = [1], strides = [1]} : vector<16xi32> to vector<1xi32>
    %squeeze3A_485 = vector.extract %slice3A_484[0] : i32 from vector<1xi32>
    %dma_start3A_486 = arith.constant 37 : i32
    %dma_start3A_487 = arith.constant 0 : i32
    %dma_start3A_488 = tpu.memref_slice %arg6[%dma_start3A_486, %dma_start3A_487] : memref<256x64xf32, #tpu.memory_space<vmem>> -> memref<1x64xf32, #tpu.memory_space<vmem>>
    %dma_start3A_489 = arith.constant 0 : i32
    %dma_start3A_490 = tpu.memref_slice %arg3[%squeeze3A_485, %dma_start3A_489] : memref<100000x64xf32, #tpu.memory_space<hbm>> -> memref<1x64xf32, #tpu.memory_space<hbm>>
    %dma_start3A_491 = arith.constant 37 : i32
    %dma_start3A_492 = arith.constant 0 : i32
    %dma_start3A_493 = tpu.memref_slice %arg6[%dma_start3A_491, %dma_start3A_492] : memref<256x64xf32, #tpu.memory_space<vmem>> -> memref<1x64xf32, #tpu.memory_space<vmem>>
    %dma_start3A_494 = arith.constant 0 : i32
    %dma_start3A_495 = tpu.memref_slice %arg3[%squeeze3A_485, %dma_start3A_494] : memref<100000x64xf32, #tpu.memory_space<hbm>> -> memref<1x64xf32, #tpu.memory_space<hbm>>
    tpu.enqueue_dma source(%dma_start3A_495 : memref<1x64xf32, #tpu.memory_space<hbm>>) target(%dma_start3A_493 : memref<1x64xf32, #tpu.memory_space<vmem>>) target_semaphore(%arg7 : memref<!tpu.dma_semaphore, #tpu.memory_space<semaphore_mem>>)
    %slice3A_496 = vector.extract_strided_slice %get3A_423 {offsets = [6], sizes = [1], strides = [1]} : vector<16xi32> to vector<1xi32>
    %squeeze3A_497 = vector.extract %slice3A_496[0] : i32 from vector<1xi32>
    %dma_start3A_498 = arith.constant 38 : i32
    %dma_start3A_499 = arith.constant 0 : i32
    %dma_start3A_500 = tpu.memref_slice %arg6[%dma_start3A_498, %dma_start3A_499] : memref<256x64xf32, #tpu.memory_space<vmem>> -> memref<1x64xf32, #tpu.memory_space<vmem>>
    %dma_start3A_501 = arith.constant 0 : i32
    %dma_start3A_502 = tpu.memref_slice %arg3[%squeeze3A_497, %dma_start3A_501] : memref<100000x64xf32, #tpu.memory_space<hbm>> -> memref<1x64xf32, #tpu.memory_space<hbm>>
    %dma_start3A_503 = arith.constant 38 : i32
    %dma_start3A_504 = arith.constant 0 : i32
    %dma_start3A_505 = tpu.memref_slice %arg6[%dma_start3A_503, %dma_start3A_504] : memref<256x64xf32, #tpu.memory_space<vmem>> -> memref<1x64xf32, #tpu.memory_space<vmem>>
    %dma_start3A_506 = arith.constant 0 : i32
    %dma_start3A_507 = tpu.memref_slice %arg3[%squeeze3A_497, %dma_start3A_506] : memref<100000x64xf32, #tpu.memory_space<hbm>> -> memref<1x64xf32, #tpu.memory_space<hbm>>
    tpu.enqueue_dma source(%dma_start3A_507 : memref<1x64xf32, #tpu.memory_space<hbm>>) target(%dma_start3A_505 : memref<1x64xf32, #tpu.memory_space<vmem>>) target_semaphore(%arg7 : memref<!tpu.dma_semaphore, #tpu.memory_space<semaphore_mem>>)
    %slice3A_508 = vector.extract_strided_slice %get3A_423 {offsets = [7], sizes = [1], strides = [1]} : vector<16xi32> to vector<1xi32>
    %squeeze3A_509 = vector.extract %slice3A_508[0] : i32 from vector<1xi32>
    %dma_start3A_510 = arith.constant 39 : i32
    %dma_start3A_511 = arith.constant 0 : i32
    %dma_start3A_512 = tpu.memref_slice %arg6[%dma_start3A_510, %dma_start3A_511] : memref<256x64xf32, #tpu.memory_space<vmem>> -> memref<1x64xf32, #tpu.memory_space<vmem>>
    %dma_start3A_513 = arith.constant 0 : i32
    %dma_start3A_514 = tpu.memref_slice %arg3[%squeeze3A_509, %dma_start3A_513] : memref<100000x64xf32, #tpu.memory_space<hbm>> -> memref<1x64xf32, #tpu.memory_space<hbm>>
    %dma_start3A_515 = arith.constant 39 : i32
    %dma_start3A_516 = arith.constant 0 : i32
    %dma_start3A_517 = tpu.memref_slice %arg6[%dma_start3A_515, %dma_start3A_516] : memref<256x64xf32, #tpu.memory_space<vmem>> -> memref<1x64xf32, #tpu.memory_space<vmem>>
    %dma_start3A_518 = arith.constant 0 : i32
    %dma_start3A_519 = tpu.memref_slice %arg3[%squeeze3A_509, %dma_start3A_518] : memref<100000x64xf32, #tpu.memory_space<hbm>> -> memref<1x64xf32, #tpu.memory_space<hbm>>
    tpu.enqueue_dma source(%dma_start3A_519 : memref<1x64xf32, #tpu.memory_space<hbm>>) target(%dma_start3A_517 : memref<1x64xf32, #tpu.memory_space<vmem>>) target_semaphore(%arg7 : memref<!tpu.dma_semaphore, #tpu.memory_space<semaphore_mem>>)
    %slice3A_520 = vector.extract_strided_slice %get3A_423 {offsets = [8], sizes = [1], strides = [1]} : vector<16xi32> to vector<1xi32>
    %squeeze3A_521 = vector.extract %slice3A_520[0] : i32 from vector<1xi32>
    %dma_start3A_522 = arith.constant 40 : i32
    %dma_start3A_523 = arith.constant 0 : i32
    %dma_start3A_524 = tpu.memref_slice %arg6[%dma_start3A_522, %dma_start3A_523] : memref<256x64xf32, #tpu.memory_space<vmem>> -> memref<1x64xf32, #tpu.memory_space<vmem>>
    %dma_start3A_525 = arith.constant 0 : i32
    %dma_start3A_526 = tpu.memref_slice %arg3[%squeeze3A_521, %dma_start3A_525] : memref<100000x64xf32, #tpu.memory_space<hbm>> -> memref<1x64xf32, #tpu.memory_space<hbm>>
    %dma_start3A_527 = arith.constant 40 : i32
    %dma_start3A_528 = arith.constant 0 : i32
    %dma_start3A_529 = tpu.memref_slice %arg6[%dma_start3A_527, %dma_start3A_528] : memref<256x64xf32, #tpu.memory_space<vmem>> -> memref<1x64xf32, #tpu.memory_space<vmem>>
    %dma_start3A_530 = arith.constant 0 : i32
    %dma_start3A_531 = tpu.memref_slice %arg3[%squeeze3A_521, %dma_start3A_530] : memref<100000x64xf32, #tpu.memory_space<hbm>> -> memref<1x64xf32, #tpu.memory_space<hbm>>
    tpu.enqueue_dma source(%dma_start3A_531 : memref<1x64xf32, #tpu.memory_space<hbm>>) target(%dma_start3A_529 : memref<1x64xf32, #tpu.memory_space<vmem>>) target_semaphore(%arg7 : memref<!tpu.dma_semaphore, #tpu.memory_space<semaphore_mem>>)
    %slice3A_532 = vector.extract_strided_slice %get3A_423 {offsets = [9], sizes = [1], strides = [1]} : vector<16xi32> to vector<1xi32>
    %squeeze3A_533 = vector.extract %slice3A_532[0] : i32 from vector<1xi32>
    %dma_start3A_534 = arith.constant 41 : i32
    %dma_start3A_535 = arith.constant 0 : i32
    %dma_start3A_536 = tpu.memref_slice %arg6[%dma_start3A_534, %dma_start3A_535] : memref<256x64xf32, #tpu.memory_space<vmem>> -> memref<1x64xf32, #tpu.memory_space<vmem>>
    %dma_start3A_537 = arith.constant 0 : i32
    %dma_start3A_538 = tpu.memref_slice %arg3[%squeeze3A_533, %dma_start3A_537] : memref<100000x64xf32, #tpu.memory_space<hbm>> -> memref<1x64xf32, #tpu.memory_space<hbm>>
    %dma_start3A_539 = arith.constant 41 : i32
    %dma_start3A_540 = arith.constant 0 : i32
    %dma_start3A_541 = tpu.memref_slice %arg6[%dma_start3A_539, %dma_start3A_540] : memref<256x64xf32, #tpu.memory_space<vmem>> -> memref<1x64xf32, #tpu.memory_space<vmem>>
    %dma_start3A_542 = arith.constant 0 : i32
    %dma_start3A_543 = tpu.memref_slice %arg3[%squeeze3A_533, %dma_start3A_542] : memref<100000x64xf32, #tpu.memory_space<hbm>> -> memref<1x64xf32, #tpu.memory_space<hbm>>
    tpu.enqueue_dma source(%dma_start3A_543 : memref<1x64xf32, #tpu.memory_space<hbm>>) target(%dma_start3A_541 : memref<1x64xf32, #tpu.memory_space<vmem>>) target_semaphore(%arg7 : memref<!tpu.dma_semaphore, #tpu.memory_space<semaphore_mem>>)
    %slice3A_544 = vector.extract_strided_slice %get3A_423 {offsets = [10], sizes = [1], strides = [1]} : vector<16xi32> to vector<1xi32>
    %squeeze3A_545 = vector.extract %slice3A_544[0] : i32 from vector<1xi32>
    %dma_start3A_546 = arith.constant 42 : i32
    %dma_start3A_547 = arith.constant 0 : i32
    %dma_start3A_548 = tpu.memref_slice %arg6[%dma_start3A_546, %dma_start3A_547] : memref<256x64xf32, #tpu.memory_space<vmem>> -> memref<1x64xf32, #tpu.memory_space<vmem>>
    %dma_start3A_549 = arith.constant 0 : i32
    %dma_start3A_550 = tpu.memref_slice %arg3[%squeeze3A_545, %dma_start3A_549] : memref<100000x64xf32, #tpu.memory_space<hbm>> -> memref<1x64xf32, #tpu.memory_space<hbm>>
    %dma_start3A_551 = arith.constant 42 : i32
    %dma_start3A_552 = arith.constant 0 : i32
    %dma_start3A_553 = tpu.memref_slice %arg6[%dma_start3A_551, %dma_start3A_552] : memref<256x64xf32, #tpu.memory_space<vmem>> -> memref<1x64xf32, #tpu.memory_space<vmem>>
    %dma_start3A_554 = arith.constant 0 : i32
    %dma_start3A_555 = tpu.memref_slice %arg3[%squeeze3A_545, %dma_start3A_554] : memref<100000x64xf32, #tpu.memory_space<hbm>> -> memref<1x64xf32, #tpu.memory_space<hbm>>
    tpu.enqueue_dma source(%dma_start3A_555 : memref<1x64xf32, #tpu.memory_space<hbm>>) target(%dma_start3A_553 : memref<1x64xf32, #tpu.memory_space<vmem>>) target_semaphore(%arg7 : memref<!tpu.dma_semaphore, #tpu.memory_space<semaphore_mem>>)
    %slice3A_556 = vector.extract_strided_slice %get3A_423 {offsets = [11], sizes = [1], strides = [1]} : vector<16xi32> to vector<1xi32>
    %squeeze3A_557 = vector.extract %slice3A_556[0] : i32 from vector<1xi32>
    %dma_start3A_558 = arith.constant 43 : i32
    %dma_start3A_559 = arith.constant 0 : i32
    %dma_start3A_560 = tpu.memref_slice %arg6[%dma_start3A_558, %dma_start3A_559] : memref<256x64xf32, #tpu.memory_space<vmem>> -> memref<1x64xf32, #tpu.memory_space<vmem>>
    %dma_start3A_561 = arith.constant 0 : i32
    %dma_start3A_562 = tpu.memref_slice %arg3[%squeeze3A_557, %dma_start3A_561] : memref<100000x64xf32, #tpu.memory_space<hbm>> -> memref<1x64xf32, #tpu.memory_space<hbm>>
    %dma_start3A_563 = arith.constant 43 : i32
    %dma_start3A_564 = arith.constant 0 : i32
    %dma_start3A_565 = tpu.memref_slice %arg6[%dma_start3A_563, %dma_start3A_564] : memref<256x64xf32, #tpu.memory_space<vmem>> -> memref<1x64xf32, #tpu.memory_space<vmem>>
    %dma_start3A_566 = arith.constant 0 : i32
    %dma_start3A_567 = tpu.memref_slice %arg3[%squeeze3A_557, %dma_start3A_566] : memref<100000x64xf32, #tpu.memory_space<hbm>> -> memref<1x64xf32, #tpu.memory_space<hbm>>
    tpu.enqueue_dma source(%dma_start3A_567 : memref<1x64xf32, #tpu.memory_space<hbm>>) target(%dma_start3A_565 : memref<1x64xf32, #tpu.memory_space<vmem>>) target_semaphore(%arg7 : memref<!tpu.dma_semaphore, #tpu.memory_space<semaphore_mem>>)
    %slice3A_568 = vector.extract_strided_slice %get3A_423 {offsets = [12], sizes = [1], strides = [1]} : vector<16xi32> to vector<1xi32>
    %squeeze3A_569 = vector.extract %slice3A_568[0] : i32 from vector<1xi32>
    %dma_start3A_570 = arith.constant 44 : i32
    %dma_start3A_571 = arith.constant 0 : i32
    %dma_start3A_572 = tpu.memref_slice %arg6[%dma_start3A_570, %dma_start3A_571] : memref<256x64xf32, #tpu.memory_space<vmem>> -> memref<1x64xf32, #tpu.memory_space<vmem>>
    %dma_start3A_573 = arith.constant 0 : i32
    %dma_start3A_574 = tpu.memref_slice %arg3[%squeeze3A_569, %dma_start3A_573] : memref<100000x64xf32, #tpu.memory_space<hbm>> -> memref<1x64xf32, #tpu.memory_space<hbm>>
    %dma_start3A_575 = arith.constant 44 : i32
    %dma_start3A_576 = arith.constant 0 : i32
    %dma_start3A_577 = tpu.memref_slice %arg6[%dma_start3A_575, %dma_start3A_576] : memref<256x64xf32, #tpu.memory_space<vmem>> -> memref<1x64xf32, #tpu.memory_space<vmem>>
    %dma_start3A_578 = arith.constant 0 : i32
    %dma_start3A_579 = tpu.memref_slice %arg3[%squeeze3A_569, %dma_start3A_578] : memref<100000x64xf32, #tpu.memory_space<hbm>> -> memref<1x64xf32, #tpu.memory_space<hbm>>
    tpu.enqueue_dma source(%dma_start3A_579 : memref<1x64xf32, #tpu.memory_space<hbm>>) target(%dma_start3A_577 : memref<1x64xf32, #tpu.memory_space<vmem>>) target_semaphore(%arg7 : memref<!tpu.dma_semaphore, #tpu.memory_space<semaphore_mem>>)
    %slice3A_580 = vector.extract_strided_slice %get3A_423 {offsets = [13], sizes = [1], strides = [1]} : vector<16xi32> to vector<1xi32>
    %squeeze3A_581 = vector.extract %slice3A_580[0] : i32 from vector<1xi32>
    %dma_start3A_582 = arith.constant 45 : i32
    %dma_start3A_583 = arith.constant 0 : i32
    %dma_start3A_584 = tpu.memref_slice %arg6[%dma_start3A_582, %dma_start3A_583] : memref<256x64xf32, #tpu.memory_space<vmem>> -> memref<1x64xf32, #tpu.memory_space<vmem>>
    %dma_start3A_585 = arith.constant 0 : i32
    %dma_start3A_586 = tpu.memref_slice %arg3[%squeeze3A_581, %dma_start3A_585] : memref<100000x64xf32, #tpu.memory_space<hbm>> -> memref<1x64xf32, #tpu.memory_space<hbm>>
    %dma_start3A_587 = arith.constant 45 : i32
    %dma_start3A_588 = arith.constant 0 : i32
    %dma_start3A_589 = tpu.memref_slice %arg6[%dma_start3A_587, %dma_start3A_588] : memref<256x64xf32, #tpu.memory_space<vmem>> -> memref<1x64xf32, #tpu.memory_space<vmem>>
    %dma_start3A_590 = arith.constant 0 : i32
    %dma_start3A_591 = tpu.memref_slice %arg3[%squeeze3A_581, %dma_start3A_590] : memref<100000x64xf32, #tpu.memory_space<hbm>> -> memref<1x64xf32, #tpu.memory_space<hbm>>
    tpu.enqueue_dma source(%dma_start3A_591 : memref<1x64xf32, #tpu.memory_space<hbm>>) target(%dma_start3A_589 : memref<1x64xf32, #tpu.memory_space<vmem>>) target_semaphore(%arg7 : memref<!tpu.dma_semaphore, #tpu.memory_space<semaphore_mem>>)
    %slice3A_592 = vector.extract_strided_slice %get3A_423 {offsets = [14], sizes = [1], strides = [1]} : vector<16xi32> to vector<1xi32>
    %squeeze3A_593 = vector.extract %slice3A_592[0] : i32 from vector<1xi32>
    %dma_start3A_594 = arith.constant 46 : i32
    %dma_start3A_595 = arith.constant 0 : i32
    %dma_start3A_596 = tpu.memref_slice %arg6[%dma_start3A_594, %dma_start3A_595] : memref<256x64xf32, #tpu.memory_space<vmem>> -> memref<1x64xf32, #tpu.memory_space<vmem>>
    %dma_start3A_597 = arith.constant 0 : i32
    %dma_start3A_598 = tpu.memref_slice %arg3[%squeeze3A_593, %dma_start3A_597] : memref<100000x64xf32, #tpu.memory_space<hbm>> -> memref<1x64xf32, #tpu.memory_space<hbm>>
    %dma_start3A_599 = arith.constant 46 : i32
    %dma_start3A_600 = arith.constant 0 : i32
    %dma_start3A_601 = tpu.memref_slice %arg6[%dma_start3A_599, %dma_start3A_600] : memref<256x64xf32, #tpu.memory_space<vmem>> -> memref<1x64xf32, #tpu.memory_space<vmem>>
    %dma_start3A_602 = arith.constant 0 : i32
    %dma_start3A_603 = tpu.memref_slice %arg3[%squeeze3A_593, %dma_start3A_602] : memref<100000x64xf32, #tpu.memory_space<hbm>> -> memref<1x64xf32, #tpu.memory_space<hbm>>
    tpu.enqueue_dma source(%dma_start3A_603 : memref<1x64xf32, #tpu.memory_space<hbm>>) target(%dma_start3A_601 : memref<1x64xf32, #tpu.memory_space<vmem>>) target_semaphore(%arg7 : memref<!tpu.dma_semaphore, #tpu.memory_space<semaphore_mem>>)
    %slice3A_604 = vector.extract_strided_slice %get3A_423 {offsets = [15], sizes = [1], strides = [1]} : vector<16xi32> to vector<1xi32>
    %squeeze3A_605 = vector.extract %slice3A_604[0] : i32 from vector<1xi32>
    %dma_start3A_606 = arith.constant 47 : i32
    %dma_start3A_607 = arith.constant 0 : i32
    %dma_start3A_608 = tpu.memref_slice %arg6[%dma_start3A_606, %dma_start3A_607] : memref<256x64xf32, #tpu.memory_space<vmem>> -> memref<1x64xf32, #tpu.memory_space<vmem>>
    %dma_start3A_609 = arith.constant 0 : i32
    %dma_start3A_610 = tpu.memref_slice %arg3[%squeeze3A_605, %dma_start3A_609] : memref<100000x64xf32, #tpu.memory_space<hbm>> -> memref<1x64xf32, #tpu.memory_space<hbm>>
    %dma_start3A_611 = arith.constant 47 : i32
    %dma_start3A_612 = arith.constant 0 : i32
    %dma_start3A_613 = tpu.memref_slice %arg6[%dma_start3A_611, %dma_start3A_612] : memref<256x64xf32, #tpu.memory_space<vmem>> -> memref<1x64xf32, #tpu.memory_space<vmem>>
    %dma_start3A_614 = arith.constant 0 : i32
    %dma_start3A_615 = tpu.memref_slice %arg3[%squeeze3A_605, %dma_start3A_614] : memref<100000x64xf32, #tpu.memory_space<hbm>> -> memref<1x64xf32, #tpu.memory_space<hbm>>
    tpu.enqueue_dma source(%dma_start3A_615 : memref<1x64xf32, #tpu.memory_space<hbm>>) target(%dma_start3A_613 : memref<1x64xf32, #tpu.memory_space<vmem>>) target_semaphore(%arg7 : memref<!tpu.dma_semaphore, #tpu.memory_space<semaphore_mem>>)
    %scan3A = arith.constant 0 : i32
    %scan3A_616 = arith.constant 13 : i32
    %scan3A_617 = arith.addi %scan3A, %scan3A_616 : i32
    %scan3A_618 = arith.constant 1 : i32
    scf.for %scan3A_1195 = %scan3A to %scan3A_617 step %scan3A_618  : i32 {
      %mul3A_1196 = arith.constant 1 : i32
      %mul3A_1197 = arith.muli %scan3A_1195, %mul3A_1196 : i32
      %add3A_1198 = arith.constant 3 : i32
      %add3A_1199 = arith.addi %add3A_1198, %mul3A_1197 : i32
      %mul3A_1200 = arith.constant 16 : i32
      %mul3A_1201 = arith.muli %add3A_1199, %mul3A_1200 : i32
      %get3A_1202 = arith.index_cast %mul3A_1201 : i32 to index
      %get3A_1203 = tpu.vector_load %arg5[%get3A_1202] {strides = array<i32>} : memref<256xi32, #tpu.memory_space<vmem>>, vector<16xi32>,
      %get3A_1204 = vector.shape_cast %get3A_1203 : vector<16xi32> to vector<16xi32>
      %slice3A_1205 = vector.extract_strided_slice %get3A_1204 {offsets = [0], sizes = [1], strides = [1]} : vector<16xi32> to vector<1xi32>
      %squeeze3A_1206 = vector.extract %slice3A_1205[0] : i32 from vector<1xi32>
      %add3A_1207 = arith.constant 0 : i32
      %add3A_1208 = arith.addi %mul3A_1201, %add3A_1207 : i32
      %dma_start3A_1209 = arith.constant 0 : i32
      %dma_start3A_1210 = tpu.memref_slice %arg6[%add3A_1208, %dma_start3A_1209] : memref<256x64xf32, #tpu.memory_space<vmem>> -> memref<1x64xf32, #tpu.memory_space<vmem>>
      %dma_start3A_1211 = arith.constant 0 : i32
      %dma_start3A_1212 = tpu.memref_slice %arg3[%squeeze3A_1206, %dma_start3A_1211] : memref<100000x64xf32, #tpu.memory_space<hbm>> -> memref<1x64xf32, #tpu.memory_space<hbm>>
      %dma_start3A_1213 = arith.constant 0 : i32
      %dma_start3A_1214 = tpu.memref_slice %arg6[%add3A_1208, %dma_start3A_1213] : memref<256x64xf32, #tpu.memory_space<vmem>> -> memref<1x64xf32, #tpu.memory_space<vmem>>
      %dma_start3A_1215 = arith.constant 0 : i32
      %dma_start3A_1216 = tpu.memref_slice %arg3[%squeeze3A_1206, %dma_start3A_1215] : memref<100000x64xf32, #tpu.memory_space<hbm>> -> memref<1x64xf32, #tpu.memory_space<hbm>>
      tpu.enqueue_dma source(%dma_start3A_1216 : memref<1x64xf32, #tpu.memory_space<hbm>>) target(%dma_start3A_1214 : memref<1x64xf32, #tpu.memory_space<vmem>>) target_semaphore(%arg7 : memref<!tpu.dma_semaphore, #tpu.memory_space<semaphore_mem>>)
      %slice3A_1217 = vector.extract_strided_slice %get3A_1204 {offsets = [1], sizes = [1], strides = [1]} : vector<16xi32> to vector<1xi32>
      %squeeze3A_1218 = vector.extract %slice3A_1217[0] : i32 from vector<1xi32>
      %add3A_1219 = arith.constant 1 : i32
      %add3A_1220 = arith.addi %mul3A_1201, %add3A_1219 : i32
      %dma_start3A_1221 = arith.constant 0 : i32
      %dma_start3A_1222 = tpu.memref_slice %arg6[%add3A_1220, %dma_start3A_1221] : memref<256x64xf32, #tpu.memory_space<vmem>> -> memref<1x64xf32, #tpu.memory_space<vmem>>
      %dma_start3A_1223 = arith.constant 0 : i32
      %dma_start3A_1224 = tpu.memref_slice %arg3[%squeeze3A_1218, %dma_start3A_1223] : memref<100000x64xf32, #tpu.memory_space<hbm>> -> memref<1x64xf32, #tpu.memory_space<hbm>>
      %dma_start3A_1225 = arith.constant 0 : i32
      %dma_start3A_1226 = tpu.memref_slice %arg6[%add3A_1220, %dma_start3A_1225] : memref<256x64xf32, #tpu.memory_space<vmem>> -> memref<1x64xf32, #tpu.memory_space<vmem>>
      %dma_start3A_1227 = arith.constant 0 : i32
      %dma_start3A_1228 = tpu.memref_slice %arg3[%squeeze3A_1218, %dma_start3A_1227] : memref<100000x64xf32, #tpu.memory_space<hbm>> -> memref<1x64xf32, #tpu.memory_space<hbm>>
      tpu.enqueue_dma source(%dma_start3A_1228 : memref<1x64xf32, #tpu.memory_space<hbm>>) target(%dma_start3A_1226 : memref<1x64xf32, #tpu.memory_space<vmem>>) target_semaphore(%arg7 : memref<!tpu.dma_semaphore, #tpu.memory_space<semaphore_mem>>)
      %slice3A_1229 = vector.extract_strided_slice %get3A_1204 {offsets = [2], sizes = [1], strides = [1]} : vector<16xi32> to vector<1xi32>
      %squeeze3A_1230 = vector.extract %slice3A_1229[0] : i32 from vector<1xi32>
      %add3A_1231 = arith.constant 2 : i32
      %add3A_1232 = arith.addi %mul3A_1201, %add3A_1231 : i32
      %dma_start3A_1233 = arith.constant 0 : i32
      %dma_start3A_1234 = tpu.memref_slice %arg6[%add3A_1232, %dma_start3A_1233] : memref<256x64xf32, #tpu.memory_space<vmem>> -> memref<1x64xf32, #tpu.memory_space<vmem>>
      %dma_start3A_1235 = arith.constant 0 : i32
      %dma_start3A_1236 = tpu.memref_slice %arg3[%squeeze3A_1230, %dma_start3A_1235] : memref<100000x64xf32, #tpu.memory_space<hbm>> -> memref<1x64xf32, #tpu.memory_space<hbm>>
      %dma_start3A_1237 = arith.constant 0 : i32
      %dma_start3A_1238 = tpu.memref_slice %arg6[%add3A_1232, %dma_start3A_1237] : memref<256x64xf32, #tpu.memory_space<vmem>> -> memref<1x64xf32, #tpu.memory_space<vmem>>
      %dma_start3A_1239 = arith.constant 0 : i32
      %dma_start3A_1240 = tpu.memref_slice %arg3[%squeeze3A_1230, %dma_start3A_1239] : memref<100000x64xf32, #tpu.memory_space<hbm>> -> memref<1x64xf32, #tpu.memory_space<hbm>>
      tpu.enqueue_dma source(%dma_start3A_1240 : memref<1x64xf32, #tpu.memory_space<hbm>>) target(%dma_start3A_1238 : memref<1x64xf32, #tpu.memory_space<vmem>>) target_semaphore(%arg7 : memref<!tpu.dma_semaphore, #tpu.memory_space<semaphore_mem>>)
      %slice3A_1241 = vector.extract_strided_slice %get3A_1204 {offsets = [3], sizes = [1], strides = [1]} : vector<16xi32> to vector<1xi32>
      %squeeze3A_1242 = vector.extract %slice3A_1241[0] : i32 from vector<1xi32>
      %add3A_1243 = arith.constant 3 : i32
      %add3A_1244 = arith.addi %mul3A_1201, %add3A_1243 : i32
      %dma_start3A_1245 = arith.constant 0 : i32
      %dma_start3A_1246 = tpu.memref_slice %arg6[%add3A_1244, %dma_start3A_1245] : memref<256x64xf32, #tpu.memory_space<vmem>> -> memref<1x64xf32, #tpu.memory_space<vmem>>
      %dma_start3A_1247 = arith.constant 0 : i32
      %dma_start3A_1248 = tpu.memref_slice %arg3[%squeeze3A_1242, %dma_start3A_1247] : memref<100000x64xf32, #tpu.memory_space<hbm>> -> memref<1x64xf32, #tpu.memory_space<hbm>>
      %dma_start3A_1249 = arith.constant 0 : i32
      %dma_start3A_1250 = tpu.memref_slice %arg6[%add3A_1244, %dma_start3A_1249] : memref<256x64xf32, #tpu.memory_space<vmem>> -> memref<1x64xf32, #tpu.memory_space<vmem>>
      %dma_start3A_1251 = arith.constant 0 : i32
      %dma_start3A_1252 = tpu.memref_slice %arg3[%squeeze3A_1242, %dma_start3A_1251] : memref<100000x64xf32, #tpu.memory_space<hbm>> -> memref<1x64xf32, #tpu.memory_space<hbm>>
      tpu.enqueue_dma source(%dma_start3A_1252 : memref<1x64xf32, #tpu.memory_space<hbm>>) target(%dma_start3A_1250 : memref<1x64xf32, #tpu.memory_space<vmem>>) target_semaphore(%arg7 : memref<!tpu.dma_semaphore, #tpu.memory_space<semaphore_mem>>)
      %slice3A_1253 = vector.extract_strided_slice %get3A_1204 {offsets = [4], sizes = [1], strides = [1]} : vector<16xi32> to vector<1xi32>
      %squeeze3A_1254 = vector.extract %slice3A_1253[0] : i32 from vector<1xi32>
      %add3A_1255 = arith.constant 4 : i32
      %add3A_1256 = arith.addi %mul3A_1201, %add3A_1255 : i32
      %dma_start3A_1257 = arith.constant 0 : i32
      %dma_start3A_1258 = tpu.memref_slice %arg6[%add3A_1256, %dma_start3A_1257] : memref<256x64xf32, #tpu.memory_space<vmem>> -> memref<1x64xf32, #tpu.memory_space<vmem>>
      %dma_start3A_1259 = arith.constant 0 : i32
      %dma_start3A_1260 = tpu.memref_slice %arg3[%squeeze3A_1254, %dma_start3A_1259] : memref<100000x64xf32, #tpu.memory_space<hbm>> -> memref<1x64xf32, #tpu.memory_space<hbm>>
      %dma_start3A_1261 = arith.constant 0 : i32
      %dma_start3A_1262 = tpu.memref_slice %arg6[%add3A_1256, %dma_start3A_1261] : memref<256x64xf32, #tpu.memory_space<vmem>> -> memref<1x64xf32, #tpu.memory_space<vmem>>
      %dma_start3A_1263 = arith.constant 0 : i32
      %dma_start3A_1264 = tpu.memref_slice %arg3[%squeeze3A_1254, %dma_start3A_1263] : memref<100000x64xf32, #tpu.memory_space<hbm>> -> memref<1x64xf32, #tpu.memory_space<hbm>>
      tpu.enqueue_dma source(%dma_start3A_1264 : memref<1x64xf32, #tpu.memory_space<hbm>>) target(%dma_start3A_1262 : memref<1x64xf32, #tpu.memory_space<vmem>>) target_semaphore(%arg7 : memref<!tpu.dma_semaphore, #tpu.memory_space<semaphore_mem>>)
      %slice3A_1265 = vector.extract_strided_slice %get3A_1204 {offsets = [5], sizes = [1], strides = [1]} : vector<16xi32> to vector<1xi32>
      %squeeze3A_1266 = vector.extract %slice3A_1265[0] : i32 from vector<1xi32>
      %add3A_1267 = arith.constant 5 : i32
      %add3A_1268 = arith.addi %mul3A_1201, %add3A_1267 : i32
      %dma_start3A_1269 = arith.constant 0 : i32
      %dma_start3A_1270 = tpu.memref_slice %arg6[%add3A_1268, %dma_start3A_1269] : memref<256x64xf32, #tpu.memory_space<vmem>> -> memref<1x64xf32, #tpu.memory_space<vmem>>
      %dma_start3A_1271 = arith.constant 0 : i32
      %dma_start3A_1272 = tpu.memref_slice %arg3[%squeeze3A_1266, %dma_start3A_1271] : memref<100000x64xf32, #tpu.memory_space<hbm>> -> memref<1x64xf32, #tpu.memory_space<hbm>>
      %dma_start3A_1273 = arith.constant 0 : i32
      %dma_start3A_1274 = tpu.memref_slice %arg6[%add3A_1268, %dma_start3A_1273] : memref<256x64xf32, #tpu.memory_space<vmem>> -> memref<1x64xf32, #tpu.memory_space<vmem>>
      %dma_start3A_1275 = arith.constant 0 : i32
      %dma_start3A_1276 = tpu.memref_slice %arg3[%squeeze3A_1266, %dma_start3A_1275] : memref<100000x64xf32, #tpu.memory_space<hbm>> -> memref<1x64xf32, #tpu.memory_space<hbm>>
      tpu.enqueue_dma source(%dma_start3A_1276 : memref<1x64xf32, #tpu.memory_space<hbm>>) target(%dma_start3A_1274 : memref<1x64xf32, #tpu.memory_space<vmem>>) target_semaphore(%arg7 : memref<!tpu.dma_semaphore, #tpu.memory_space<semaphore_mem>>)
      %slice3A_1277 = vector.extract_strided_slice %get3A_1204 {offsets = [6], sizes = [1], strides = [1]} : vector<16xi32> to vector<1xi32>
      %squeeze3A_1278 = vector.extract %slice3A_1277[0] : i32 from vector<1xi32>
      %add3A_1279 = arith.constant 6 : i32
      %add3A_1280 = arith.addi %mul3A_1201, %add3A_1279 : i32
      %dma_start3A_1281 = arith.constant 0 : i32
      %dma_start3A_1282 = tpu.memref_slice %arg6[%add3A_1280, %dma_start3A_1281] : memref<256x64xf32, #tpu.memory_space<vmem>> -> memref<1x64xf32, #tpu.memory_space<vmem>>
      %dma_start3A_1283 = arith.constant 0 : i32
      %dma_start3A_1284 = tpu.memref_slice %arg3[%squeeze3A_1278, %dma_start3A_1283] : memref<100000x64xf32, #tpu.memory_space<hbm>> -> memref<1x64xf32, #tpu.memory_space<hbm>>
      %dma_start3A_1285 = arith.constant 0 : i32
      %dma_start3A_1286 = tpu.memref_slice %arg6[%add3A_1280, %dma_start3A_1285] : memref<256x64xf32, #tpu.memory_space<vmem>> -> memref<1x64xf32, #tpu.memory_space<vmem>>
      %dma_start3A_1287 = arith.constant 0 : i32
      %dma_start3A_1288 = tpu.memref_slice %arg3[%squeeze3A_1278, %dma_start3A_1287] : memref<100000x64xf32, #tpu.memory_space<hbm>> -> memref<1x64xf32, #tpu.memory_space<hbm>>
      tpu.enqueue_dma source(%dma_start3A_1288 : memref<1x64xf32, #tpu.memory_space<hbm>>) target(%dma_start3A_1286 : memref<1x64xf32, #tpu.memory_space<vmem>>) target_semaphore(%arg7 : memref<!tpu.dma_semaphore, #tpu.memory_space<semaphore_mem>>)
      %slice3A_1289 = vector.extract_strided_slice %get3A_1204 {offsets = [7], sizes = [1], strides = [1]} : vector<16xi32> to vector<1xi32>
      %squeeze3A_1290 = vector.extract %slice3A_1289[0] : i32 from vector<1xi32>
      %add3A_1291 = arith.constant 7 : i32
      %add3A_1292 = arith.addi %mul3A_1201, %add3A_1291 : i32
      %dma_start3A_1293 = arith.constant 0 : i32
      %dma_start3A_1294 = tpu.memref_slice %arg6[%add3A_1292, %dma_start3A_1293] : memref<256x64xf32, #tpu.memory_space<vmem>> -> memref<1x64xf32, #tpu.memory_space<vmem>>
      %dma_start3A_1295 = arith.constant 0 : i32
      %dma_start3A_1296 = tpu.memref_slice %arg3[%squeeze3A_1290, %dma_start3A_1295] : memref<100000x64xf32, #tpu.memory_space<hbm>> -> memref<1x64xf32, #tpu.memory_space<hbm>>
      %dma_start3A_1297 = arith.constant 0 : i32
      %dma_start3A_1298 = tpu.memref_slice %arg6[%add3A_1292, %dma_start3A_1297] : memref<256x64xf32, #tpu.memory_space<vmem>> -> memref<1x64xf32, #tpu.memory_space<vmem>>
      %dma_start3A_1299 = arith.constant 0 : i32
      %dma_start3A_1300 = tpu.memref_slice %arg3[%squeeze3A_1290, %dma_start3A_1299] : memref<100000x64xf32, #tpu.memory_space<hbm>> -> memref<1x64xf32, #tpu.memory_space<hbm>>
      tpu.enqueue_dma source(%dma_start3A_1300 : memref<1x64xf32, #tpu.memory_space<hbm>>) target(%dma_start3A_1298 : memref<1x64xf32, #tpu.memory_space<vmem>>) target_semaphore(%arg7 : memref<!tpu.dma_semaphore, #tpu.memory_space<semaphore_mem>>)
      %slice3A_1301 = vector.extract_strided_slice %get3A_1204 {offsets = [8], sizes = [1], strides = [1]} : vector<16xi32> to vector<1xi32>
      %squeeze3A_1302 = vector.extract %slice3A_1301[0] : i32 from vector<1xi32>
      %add3A_1303 = arith.constant 8 : i32
      %add3A_1304 = arith.addi %mul3A_1201, %add3A_1303 : i32
      %dma_start3A_1305 = arith.constant 0 : i32
      %dma_start3A_1306 = tpu.memref_slice %arg6[%add3A_1304, %dma_start3A_1305] : memref<256x64xf32, #tpu.memory_space<vmem>> -> memref<1x64xf32, #tpu.memory_space<vmem>>
      %dma_start3A_1307 = arith.constant 0 : i32
      %dma_start3A_1308 = tpu.memref_slice %arg3[%squeeze3A_1302, %dma_start3A_1307] : memref<100000x64xf32, #tpu.memory_space<hbm>> -> memref<1x64xf32, #tpu.memory_space<hbm>>
      %dma_start3A_1309 = arith.constant 0 : i32
      %dma_start3A_1310 = tpu.memref_slice %arg6[%add3A_1304, %dma_start3A_1309] : memref<256x64xf32, #tpu.memory_space<vmem>> -> memref<1x64xf32, #tpu.memory_space<vmem>>
      %dma_start3A_1311 = arith.constant 0 : i32
      %dma_start3A_1312 = tpu.memref_slice %arg3[%squeeze3A_1302, %dma_start3A_1311] : memref<100000x64xf32, #tpu.memory_space<hbm>> -> memref<1x64xf32, #tpu.memory_space<hbm>>
      tpu.enqueue_dma source(%dma_start3A_1312 : memref<1x64xf32, #tpu.memory_space<hbm>>) target(%dma_start3A_1310 : memref<1x64xf32, #tpu.memory_space<vmem>>) target_semaphore(%arg7 : memref<!tpu.dma_semaphore, #tpu.memory_space<semaphore_mem>>)
      %slice3A_1313 = vector.extract_strided_slice %get3A_1204 {offsets = [9], sizes = [1], strides = [1]} : vector<16xi32> to vector<1xi32>
      %squeeze3A_1314 = vector.extract %slice3A_1313[0] : i32 from vector<1xi32>
      %add3A_1315 = arith.constant 9 : i32
      %add3A_1316 = arith.addi %mul3A_1201, %add3A_1315 : i32
      %dma_start3A_1317 = arith.constant 0 : i32
      %dma_start3A_1318 = tpu.memref_slice %arg6[%add3A_1316, %dma_start3A_1317] : memref<256x64xf32, #tpu.memory_space<vmem>> -> memref<1x64xf32, #tpu.memory_space<vmem>>
      %dma_start3A_1319 = arith.constant 0 : i32
      %dma_start3A_1320 = tpu.memref_slice %arg3[%squeeze3A_1314, %dma_start3A_1319] : memref<100000x64xf32, #tpu.memory_space<hbm>> -> memref<1x64xf32, #tpu.memory_space<hbm>>
      %dma_start3A_1321 = arith.constant 0 : i32
      %dma_start3A_1322 = tpu.memref_slice %arg6[%add3A_1316, %dma_start3A_1321] : memref<256x64xf32, #tpu.memory_space<vmem>> -> memref<1x64xf32, #tpu.memory_space<vmem>>
      %dma_start3A_1323 = arith.constant 0 : i32
      %dma_start3A_1324 = tpu.memref_slice %arg3[%squeeze3A_1314, %dma_start3A_1323] : memref<100000x64xf32, #tpu.memory_space<hbm>> -> memref<1x64xf32, #tpu.memory_space<hbm>>
      tpu.enqueue_dma source(%dma_start3A_1324 : memref<1x64xf32, #tpu.memory_space<hbm>>) target(%dma_start3A_1322 : memref<1x64xf32, #tpu.memory_space<vmem>>) target_semaphore(%arg7 : memref<!tpu.dma_semaphore, #tpu.memory_space<semaphore_mem>>)
      %slice3A_1325 = vector.extract_strided_slice %get3A_1204 {offsets = [10], sizes = [1], strides = [1]} : vector<16xi32> to vector<1xi32>
      %squeeze3A_1326 = vector.extract %slice3A_1325[0] : i32 from vector<1xi32>
      %add3A_1327 = arith.constant 10 : i32
      %add3A_1328 = arith.addi %mul3A_1201, %add3A_1327 : i32
      %dma_start3A_1329 = arith.constant 0 : i32
      %dma_start3A_1330 = tpu.memref_slice %arg6[%add3A_1328, %dma_start3A_1329] : memref<256x64xf32, #tpu.memory_space<vmem>> -> memref<1x64xf32, #tpu.memory_space<vmem>>
      %dma_start3A_1331 = arith.constant 0 : i32
      %dma_start3A_1332 = tpu.memref_slice %arg3[%squeeze3A_1326, %dma_start3A_1331] : memref<100000x64xf32, #tpu.memory_space<hbm>> -> memref<1x64xf32, #tpu.memory_space<hbm>>
      %dma_start3A_1333 = arith.constant 0 : i32
      %dma_start3A_1334 = tpu.memref_slice %arg6[%add3A_1328, %dma_start3A_1333] : memref<256x64xf32, #tpu.memory_space<vmem>> -> memref<1x64xf32, #tpu.memory_space<vmem>>
      %dma_start3A_1335 = arith.constant 0 : i32
      %dma_start3A_1336 = tpu.memref_slice %arg3[%squeeze3A_1326, %dma_start3A_1335] : memref<100000x64xf32, #tpu.memory_space<hbm>> -> memref<1x64xf32, #tpu.memory_space<hbm>>
      tpu.enqueue_dma source(%dma_start3A_1336 : memref<1x64xf32, #tpu.memory_space<hbm>>) target(%dma_start3A_1334 : memref<1x64xf32, #tpu.memory_space<vmem>>) target_semaphore(%arg7 : memref<!tpu.dma_semaphore, #tpu.memory_space<semaphore_mem>>)
      %slice3A_1337 = vector.extract_strided_slice %get3A_1204 {offsets = [11], sizes = [1], strides = [1]} : vector<16xi32> to vector<1xi32>
      %squeeze3A_1338 = vector.extract %slice3A_1337[0] : i32 from vector<1xi32>
      %add3A_1339 = arith.constant 11 : i32
      %add3A_1340 = arith.addi %mul3A_1201, %add3A_1339 : i32
      %dma_start3A_1341 = arith.constant 0 : i32
      %dma_start3A_1342 = tpu.memref_slice %arg6[%add3A_1340, %dma_start3A_1341] : memref<256x64xf32, #tpu.memory_space<vmem>> -> memref<1x64xf32, #tpu.memory_space<vmem>>
      %dma_start3A_1343 = arith.constant 0 : i32
      %dma_start3A_1344 = tpu.memref_slice %arg3[%squeeze3A_1338, %dma_start3A_1343] : memref<100000x64xf32, #tpu.memory_space<hbm>> -> memref<1x64xf32, #tpu.memory_space<hbm>>
      %dma_start3A_1345 = arith.constant 0 : i32
      %dma_start3A_1346 = tpu.memref_slice %arg6[%add3A_1340, %dma_start3A_1345] : memref<256x64xf32, #tpu.memory_space<vmem>> -> memref<1x64xf32, #tpu.memory_space<vmem>>
      %dma_start3A_1347 = arith.constant 0 : i32
      %dma_start3A_1348 = tpu.memref_slice %arg3[%squeeze3A_1338, %dma_start3A_1347] : memref<100000x64xf32, #tpu.memory_space<hbm>> -> memref<1x64xf32, #tpu.memory_space<hbm>>
      tpu.enqueue_dma source(%dma_start3A_1348 : memref<1x64xf32, #tpu.memory_space<hbm>>) target(%dma_start3A_1346 : memref<1x64xf32, #tpu.memory_space<vmem>>) target_semaphore(%arg7 : memref<!tpu.dma_semaphore, #tpu.memory_space<semaphore_mem>>)
      %slice3A_1349 = vector.extract_strided_slice %get3A_1204 {offsets = [12], sizes = [1], strides = [1]} : vector<16xi32> to vector<1xi32>
      %squeeze3A_1350 = vector.extract %slice3A_1349[0] : i32 from vector<1xi32>
      %add3A_1351 = arith.constant 12 : i32
      %add3A_1352 = arith.addi %mul3A_1201, %add3A_1351 : i32
      %dma_start3A_1353 = arith.constant 0 : i32
      %dma_start3A_1354 = tpu.memref_slice %arg6[%add3A_1352, %dma_start3A_1353] : memref<256x64xf32, #tpu.memory_space<vmem>> -> memref<1x64xf32, #tpu.memory_space<vmem>>
      %dma_start3A_1355 = arith.constant 0 : i32
      %dma_start3A_1356 = tpu.memref_slice %arg3[%squeeze3A_1350, %dma_start3A_1355] : memref<100000x64xf32, #tpu.memory_space<hbm>> -> memref<1x64xf32, #tpu.memory_space<hbm>>
      %dma_start3A_1357 = arith.constant 0 : i32
      %dma_start3A_1358 = tpu.memref_slice %arg6[%add3A_1352, %dma_start3A_1357] : memref<256x64xf32, #tpu.memory_space<vmem>> -> memref<1x64xf32, #tpu.memory_space<vmem>>
      %dma_start3A_1359 = arith.constant 0 : i32
      %dma_start3A_1360 = tpu.memref_slice %arg3[%squeeze3A_1350, %dma_start3A_1359] : memref<100000x64xf32, #tpu.memory_space<hbm>> -> memref<1x64xf32, #tpu.memory_space<hbm>>
      tpu.enqueue_dma source(%dma_start3A_1360 : memref<1x64xf32, #tpu.memory_space<hbm>>) target(%dma_start3A_1358 : memref<1x64xf32, #tpu.memory_space<vmem>>) target_semaphore(%arg7 : memref<!tpu.dma_semaphore, #tpu.memory_space<semaphore_mem>>)
      %slice3A_1361 = vector.extract_strided_slice %get3A_1204 {offsets = [13], sizes = [1], strides = [1]} : vector<16xi32> to vector<1xi32>
      %squeeze3A_1362 = vector.extract %slice3A_1361[0] : i32 from vector<1xi32>
      %add3A_1363 = arith.constant 13 : i32
      %add3A_1364 = arith.addi %mul3A_1201, %add3A_1363 : i32
      %dma_start3A_1365 = arith.constant 0 : i32
      %dma_start3A_1366 = tpu.memref_slice %arg6[%add3A_1364, %dma_start3A_1365] : memref<256x64xf32, #tpu.memory_space<vmem>> -> memref<1x64xf32, #tpu.memory_space<vmem>>
      %dma_start3A_1367 = arith.constant 0 : i32
      %dma_start3A_1368 = tpu.memref_slice %arg3[%squeeze3A_1362, %dma_start3A_1367] : memref<100000x64xf32, #tpu.memory_space<hbm>> -> memref<1x64xf32, #tpu.memory_space<hbm>>
      %dma_start3A_1369 = arith.constant 0 : i32
      %dma_start3A_1370 = tpu.memref_slice %arg6[%add3A_1364, %dma_start3A_1369] : memref<256x64xf32, #tpu.memory_space<vmem>> -> memref<1x64xf32, #tpu.memory_space<vmem>>
      %dma_start3A_1371 = arith.constant 0 : i32
      %dma_start3A_1372 = tpu.memref_slice %arg3[%squeeze3A_1362, %dma_start3A_1371] : memref<100000x64xf32, #tpu.memory_space<hbm>> -> memref<1x64xf32, #tpu.memory_space<hbm>>
      tpu.enqueue_dma source(%dma_start3A_1372 : memref<1x64xf32, #tpu.memory_space<hbm>>) target(%dma_start3A_1370 : memref<1x64xf32, #tpu.memory_space<vmem>>) target_semaphore(%arg7 : memref<!tpu.dma_semaphore, #tpu.memory_space<semaphore_mem>>)
      %slice3A_1373 = vector.extract_strided_slice %get3A_1204 {offsets = [14], sizes = [1], strides = [1]} : vector<16xi32> to vector<1xi32>
      %squeeze3A_1374 = vector.extract %slice3A_1373[0] : i32 from vector<1xi32>
      %add3A_1375 = arith.constant 14 : i32
      %add3A_1376 = arith.addi %mul3A_1201, %add3A_1375 : i32
      %dma_start3A_1377 = arith.constant 0 : i32
      %dma_start3A_1378 = tpu.memref_slice %arg6[%add3A_1376, %dma_start3A_1377] : memref<256x64xf32, #tpu.memory_space<vmem>> -> memref<1x64xf32, #tpu.memory_space<vmem>>
      %dma_start3A_1379 = arith.constant 0 : i32
      %dma_start3A_1380 = tpu.memref_slice %arg3[%squeeze3A_1374, %dma_start3A_1379] : memref<100000x64xf32, #tpu.memory_space<hbm>> -> memref<1x64xf32, #tpu.memory_space<hbm>>
      %dma_start3A_1381 = arith.constant 0 : i32
      %dma_start3A_1382 = tpu.memref_slice %arg6[%add3A_1376, %dma_start3A_1381] : memref<256x64xf32, #tpu.memory_space<vmem>> -> memref<1x64xf32, #tpu.memory_space<vmem>>
      %dma_start3A_1383 = arith.constant 0 : i32
      %dma_start3A_1384 = tpu.memref_slice %arg3[%squeeze3A_1374, %dma_start3A_1383] : memref<100000x64xf32, #tpu.memory_space<hbm>> -> memref<1x64xf32, #tpu.memory_space<hbm>>
      tpu.enqueue_dma source(%dma_start3A_1384 : memref<1x64xf32, #tpu.memory_space<hbm>>) target(%dma_start3A_1382 : memref<1x64xf32, #tpu.memory_space<vmem>>) target_semaphore(%arg7 : memref<!tpu.dma_semaphore, #tpu.memory_space<semaphore_mem>>)
      %slice3A_1385 = vector.extract_strided_slice %get3A_1204 {offsets = [15], sizes = [1], strides = [1]} : vector<16xi32> to vector<1xi32>
      %squeeze3A_1386 = vector.extract %slice3A_1385[0] : i32 from vector<1xi32>
      %add3A_1387 = arith.constant 15 : i32
      %add3A_1388 = arith.addi %mul3A_1201, %add3A_1387 : i32
      %dma_start3A_1389 = arith.constant 0 : i32
      %dma_start3A_1390 = tpu.memref_slice %arg6[%add3A_1388, %dma_start3A_1389] : memref<256x64xf32, #tpu.memory_space<vmem>> -> memref<1x64xf32, #tpu.memory_space<vmem>>
      %dma_start3A_1391 = arith.constant 0 : i32
      %dma_start3A_1392 = tpu.memref_slice %arg3[%squeeze3A_1386, %dma_start3A_1391] : memref<100000x64xf32, #tpu.memory_space<hbm>> -> memref<1x64xf32, #tpu.memory_space<hbm>>
      %dma_start3A_1393 = arith.constant 0 : i32
      %dma_start3A_1394 = tpu.memref_slice %arg6[%add3A_1388, %dma_start3A_1393] : memref<256x64xf32, #tpu.memory_space<vmem>> -> memref<1x64xf32, #tpu.memory_space<vmem>>
      %dma_start3A_1395 = arith.constant 0 : i32
      %dma_start3A_1396 = tpu.memref_slice %arg3[%squeeze3A_1386, %dma_start3A_1395] : memref<100000x64xf32, #tpu.memory_space<hbm>> -> memref<1x64xf32, #tpu.memory_space<hbm>>
      tpu.enqueue_dma source(%dma_start3A_1396 : memref<1x64xf32, #tpu.memory_space<hbm>>) target(%dma_start3A_1394 : memref<1x64xf32, #tpu.memory_space<vmem>>) target_semaphore(%arg7 : memref<!tpu.dma_semaphore, #tpu.memory_space<semaphore_mem>>)
      %dma_wait3A_1397 = arith.constant 0 : i32
      %dma_wait3A_1398 = arith.constant 0 : i32
      %dma_wait3A_1399 = tpu.memref_slice %arg6[%dma_wait3A_1397, %dma_wait3A_1398] : memref<256x64xf32, #tpu.memory_space<vmem>> -> memref<1x64xf32, #tpu.memory_space<vmem>>
      %dma_wait3A_1400 = arith.constant 0 : i32
      %dma_wait3A_1401 = arith.constant 0 : i32
      %dma_wait3A_1402 = tpu.memref_slice %arg3[%dma_wait3A_1400, %dma_wait3A_1401] : memref<100000x64xf32, #tpu.memory_space<hbm>> -> memref<1x64xf32, #tpu.memory_space<hbm>>
      %dma_wait3A_1403 = arith.constant 0 : i32
      %dma_wait3A_1404 = arith.constant 0 : i32
      %dma_wait3A_1405 = tpu.memref_slice %arg6[%dma_wait3A_1403, %dma_wait3A_1404] : memref<256x64xf32, #tpu.memory_space<vmem>> -> memref<1x64xf32, #tpu.memory_space<vmem>>
      %dma_wait3A_1406 = arith.constant 0 : i32
      %dma_wait3A_1407 = arith.constant 0 : i32
      %dma_wait3A_1408 = tpu.memref_slice %arg3[%dma_wait3A_1406, %dma_wait3A_1407] : memref<100000x64xf32, #tpu.memory_space<hbm>> -> memref<1x64xf32, #tpu.memory_space<hbm>>
      tpu.wait_dma2 semaphore(%arg7 : memref<!tpu.dma_semaphore, #tpu.memory_space<semaphore_mem>>) src(%dma_wait3A_1408 : memref<1x64xf32, #tpu.memory_space<hbm>>) dst(%dma_wait3A_1405 : memref<1x64xf32, #tpu.memory_space<vmem>>)
      %dma_wait3A_1409 = arith.constant 0 : i32
      %dma_wait3A_1410 = arith.constant 0 : i32
      %dma_wait3A_1411 = tpu.memref_slice %arg6[%dma_wait3A_1409, %dma_wait3A_1410] : memref<256x64xf32, #tpu.memory_space<vmem>> -> memref<1x64xf32, #tpu.memory_space<vmem>>
      %dma_wait3A_1412 = arith.constant 0 : i32
      %dma_wait3A_1413 = arith.constant 0 : i32
      %dma_wait3A_1414 = tpu.memref_slice %arg3[%dma_wait3A_1412, %dma_wait3A_1413] : memref<100000x64xf32, #tpu.memory_space<hbm>> -> memref<1x64xf32, #tpu.memory_space<hbm>>
      %dma_wait3A_1415 = arith.constant 0 : i32
      %dma_wait3A_1416 = arith.constant 0 : i32
      %dma_wait3A_1417 = tpu.memref_slice %arg6[%dma_wait3A_1415, %dma_wait3A_1416] : memref<256x64xf32, #tpu.memory_space<vmem>> -> memref<1x64xf32, #tpu.memory_space<vmem>>
      %dma_wait3A_1418 = arith.constant 0 : i32
      %dma_wait3A_1419 = arith.constant 0 : i32
      %dma_wait3A_1420 = tpu.memref_slice %arg3[%dma_wait3A_1418, %dma_wait3A_1419] : memref<100000x64xf32, #tpu.memory_space<hbm>> -> memref<1x64xf32, #tpu.memory_space<hbm>>
      tpu.wait_dma2 semaphore(%arg7 : memref<!tpu.dma_semaphore, #tpu.memory_space<semaphore_mem>>) src(%dma_wait3A_1420 : memref<1x64xf32, #tpu.memory_space<hbm>>) dst(%dma_wait3A_1417 : memref<1x64xf32, #tpu.memory_space<vmem>>)
      %dma_wait3A_1421 = arith.constant 0 : i32
      %dma_wait3A_1422 = arith.constant 0 : i32
      %dma_wait3A_1423 = tpu.memref_slice %arg6[%dma_wait3A_1421, %dma_wait3A_1422] : memref<256x64xf32, #tpu.memory_space<vmem>> -> memref<1x64xf32, #tpu.memory_space<vmem>>
      %dma_wait3A_1424 = arith.constant 0 : i32
      %dma_wait3A_1425 = arith.constant 0 : i32
      %dma_wait3A_1426 = tpu.memref_slice %arg3[%dma_wait3A_1424, %dma_wait3A_1425] : memref<100000x64xf32, #tpu.memory_space<hbm>> -> memref<1x64xf32, #tpu.memory_space<hbm>>
      %dma_wait3A_1427 = arith.constant 0 : i32
      %dma_wait3A_1428 = arith.constant 0 : i32
      %dma_wait3A_1429 = tpu.memref_slice %arg6[%dma_wait3A_1427, %dma_wait3A_1428] : memref<256x64xf32, #tpu.memory_space<vmem>> -> memref<1x64xf32, #tpu.memory_space<vmem>>
      %dma_wait3A_1430 = arith.constant 0 : i32
      %dma_wait3A_1431 = arith.constant 0 : i32
      %dma_wait3A_1432 = tpu.memref_slice %arg3[%dma_wait3A_1430, %dma_wait3A_1431] : memref<100000x64xf32, #tpu.memory_space<hbm>> -> memref<1x64xf32, #tpu.memory_space<hbm>>
      tpu.wait_dma2 semaphore(%arg7 : memref<!tpu.dma_semaphore, #tpu.memory_space<semaphore_mem>>) src(%dma_wait3A_1432 : memref<1x64xf32, #tpu.memory_space<hbm>>) dst(%dma_wait3A_1429 : memref<1x64xf32, #tpu.memory_space<vmem>>)
      %dma_wait3A_1433 = arith.constant 0 : i32
      %dma_wait3A_1434 = arith.constant 0 : i32
      %dma_wait3A_1435 = tpu.memref_slice %arg6[%dma_wait3A_1433, %dma_wait3A_1434] : memref<256x64xf32, #tpu.memory_space<vmem>> -> memref<1x64xf32, #tpu.memory_space<vmem>>
      %dma_wait3A_1436 = arith.constant 0 : i32
      %dma_wait3A_1437 = arith.constant 0 : i32
      %dma_wait3A_1438 = tpu.memref_slice %arg3[%dma_wait3A_1436, %dma_wait3A_1437] : memref<100000x64xf32, #tpu.memory_space<hbm>> -> memref<1x64xf32, #tpu.memory_space<hbm>>
      %dma_wait3A_1439 = arith.constant 0 : i32
      %dma_wait3A_1440 = arith.constant 0 : i32
      %dma_wait3A_1441 = tpu.memref_slice %arg6[%dma_wait3A_1439, %dma_wait3A_1440] : memref<256x64xf32, #tpu.memory_space<vmem>> -> memref<1x64xf32, #tpu.memory_space<vmem>>
      %dma_wait3A_1442 = arith.constant 0 : i32
      %dma_wait3A_1443 = arith.constant 0 : i32
      %dma_wait3A_1444 = tpu.memref_slice %arg3[%dma_wait3A_1442, %dma_wait3A_1443] : memref<100000x64xf32, #tpu.memory_space<hbm>> -> memref<1x64xf32, #tpu.memory_space<hbm>>
      tpu.wait_dma2 semaphore(%arg7 : memref<!tpu.dma_semaphore, #tpu.memory_space<semaphore_mem>>) src(%dma_wait3A_1444 : memref<1x64xf32, #tpu.memory_space<hbm>>) dst(%dma_wait3A_1441 : memref<1x64xf32, #tpu.memory_space<vmem>>)
      %dma_wait3A_1445 = arith.constant 0 : i32
      %dma_wait3A_1446 = arith.constant 0 : i32
      %dma_wait3A_1447 = tpu.memref_slice %arg6[%dma_wait3A_1445, %dma_wait3A_1446] : memref<256x64xf32, #tpu.memory_space<vmem>> -> memref<1x64xf32, #tpu.memory_space<vmem>>
      %dma_wait3A_1448 = arith.constant 0 : i32
      %dma_wait3A_1449 = arith.constant 0 : i32
      %dma_wait3A_1450 = tpu.memref_slice %arg3[%dma_wait3A_1448, %dma_wait3A_1449] : memref<100000x64xf32, #tpu.memory_space<hbm>> -> memref<1x64xf32, #tpu.memory_space<hbm>>
      %dma_wait3A_1451 = arith.constant 0 : i32
      %dma_wait3A_1452 = arith.constant 0 : i32
      %dma_wait3A_1453 = tpu.memref_slice %arg6[%dma_wait3A_1451, %dma_wait3A_1452] : memref<256x64xf32, #tpu.memory_space<vmem>> -> memref<1x64xf32, #tpu.memory_space<vmem>>
      %dma_wait3A_1454 = arith.constant 0 : i32
      %dma_wait3A_1455 = arith.constant 0 : i32
      %dma_wait3A_1456 = tpu.memref_slice %arg3[%dma_wait3A_1454, %dma_wait3A_1455] : memref<100000x64xf32, #tpu.memory_space<hbm>> -> memref<1x64xf32, #tpu.memory_space<hbm>>
      tpu.wait_dma2 semaphore(%arg7 : memref<!tpu.dma_semaphore, #tpu.memory_space<semaphore_mem>>) src(%dma_wait3A_1456 : memref<1x64xf32, #tpu.memory_space<hbm>>) dst(%dma_wait3A_1453 : memref<1x64xf32, #tpu.memory_space<vmem>>)
      %dma_wait3A_1457 = arith.constant 0 : i32
      %dma_wait3A_1458 = arith.constant 0 : i32
      %dma_wait3A_1459 = tpu.memref_slice %arg6[%dma_wait3A_1457, %dma_wait3A_1458] : memref<256x64xf32, #tpu.memory_space<vmem>> -> memref<1x64xf32, #tpu.memory_space<vmem>>
      %dma_wait3A_1460 = arith.constant 0 : i32
      %dma_wait3A_1461 = arith.constant 0 : i32
      %dma_wait3A_1462 = tpu.memref_slice %arg3[%dma_wait3A_1460, %dma_wait3A_1461] : memref<100000x64xf32, #tpu.memory_space<hbm>> -> memref<1x64xf32, #tpu.memory_space<hbm>>
      %dma_wait3A_1463 = arith.constant 0 : i32
      %dma_wait3A_1464 = arith.constant 0 : i32
      %dma_wait3A_1465 = tpu.memref_slice %arg6[%dma_wait3A_1463, %dma_wait3A_1464] : memref<256x64xf32, #tpu.memory_space<vmem>> -> memref<1x64xf32, #tpu.memory_space<vmem>>
      %dma_wait3A_1466 = arith.constant 0 : i32
      %dma_wait3A_1467 = arith.constant 0 : i32
      %dma_wait3A_1468 = tpu.memref_slice %arg3[%dma_wait3A_1466, %dma_wait3A_1467] : memref<100000x64xf32, #tpu.memory_space<hbm>> -> memref<1x64xf32, #tpu.memory_space<hbm>>
      tpu.wait_dma2 semaphore(%arg7 : memref<!tpu.dma_semaphore, #tpu.memory_space<semaphore_mem>>) src(%dma_wait3A_1468 : memref<1x64xf32, #tpu.memory_space<hbm>>) dst(%dma_wait3A_1465 : memref<1x64xf32, #tpu.memory_space<vmem>>)
      %dma_wait3A_1469 = arith.constant 0 : i32
      %dma_wait3A_1470 = arith.constant 0 : i32
      %dma_wait3A_1471 = tpu.memref_slice %arg6[%dma_wait3A_1469, %dma_wait3A_1470] : memref<256x64xf32, #tpu.memory_space<vmem>> -> memref<1x64xf32, #tpu.memory_space<vmem>>
      %dma_wait3A_1472 = arith.constant 0 : i32
      %dma_wait3A_1473 = arith.constant 0 : i32
      %dma_wait3A_1474 = tpu.memref_slice %arg3[%dma_wait3A_1472, %dma_wait3A_1473] : memref<100000x64xf32, #tpu.memory_space<hbm>> -> memref<1x64xf32, #tpu.memory_space<hbm>>
      %dma_wait3A_1475 = arith.constant 0 : i32
      %dma_wait3A_1476 = arith.constant 0 : i32
      %dma_wait3A_1477 = tpu.memref_slice %arg6[%dma_wait3A_1475, %dma_wait3A_1476] : memref<256x64xf32, #tpu.memory_space<vmem>> -> memref<1x64xf32, #tpu.memory_space<vmem>>
      %dma_wait3A_1478 = arith.constant 0 : i32
      %dma_wait3A_1479 = arith.constant 0 : i32
      %dma_wait3A_1480 = tpu.memref_slice %arg3[%dma_wait3A_1478, %dma_wait3A_1479] : memref<100000x64xf32, #tpu.memory_space<hbm>> -> memref<1x64xf32, #tpu.memory_space<hbm>>
      tpu.wait_dma2 semaphore(%arg7 : memref<!tpu.dma_semaphore, #tpu.memory_space<semaphore_mem>>) src(%dma_wait3A_1480 : memref<1x64xf32, #tpu.memory_space<hbm>>) dst(%dma_wait3A_1477 : memref<1x64xf32, #tpu.memory_space<vmem>>)
      %dma_wait3A_1481 = arith.constant 0 : i32
      %dma_wait3A_1482 = arith.constant 0 : i32
      %dma_wait3A_1483 = tpu.memref_slice %arg6[%dma_wait3A_1481, %dma_wait3A_1482] : memref<256x64xf32, #tpu.memory_space<vmem>> -> memref<1x64xf32, #tpu.memory_space<vmem>>
      %dma_wait3A_1484 = arith.constant 0 : i32
      %dma_wait3A_1485 = arith.constant 0 : i32
      %dma_wait3A_1486 = tpu.memref_slice %arg3[%dma_wait3A_1484, %dma_wait3A_1485] : memref<100000x64xf32, #tpu.memory_space<hbm>> -> memref<1x64xf32, #tpu.memory_space<hbm>>
      %dma_wait3A_1487 = arith.constant 0 : i32
      %dma_wait3A_1488 = arith.constant 0 : i32
      %dma_wait3A_1489 = tpu.memref_slice %arg6[%dma_wait3A_1487, %dma_wait3A_1488] : memref<256x64xf32, #tpu.memory_space<vmem>> -> memref<1x64xf32, #tpu.memory_space<vmem>>
      %dma_wait3A_1490 = arith.constant 0 : i32
      %dma_wait3A_1491 = arith.constant 0 : i32
      %dma_wait3A_1492 = tpu.memref_slice %arg3[%dma_wait3A_1490, %dma_wait3A_1491] : memref<100000x64xf32, #tpu.memory_space<hbm>> -> memref<1x64xf32, #tpu.memory_space<hbm>>
      tpu.wait_dma2 semaphore(%arg7 : memref<!tpu.dma_semaphore, #tpu.memory_space<semaphore_mem>>) src(%dma_wait3A_1492 : memref<1x64xf32, #tpu.memory_space<hbm>>) dst(%dma_wait3A_1489 : memref<1x64xf32, #tpu.memory_space<vmem>>)
      %dma_wait3A_1493 = arith.constant 0 : i32
      %dma_wait3A_1494 = arith.constant 0 : i32
      %dma_wait3A_1495 = tpu.memref_slice %arg6[%dma_wait3A_1493, %dma_wait3A_1494] : memref<256x64xf32, #tpu.memory_space<vmem>> -> memref<1x64xf32, #tpu.memory_space<vmem>>
      %dma_wait3A_1496 = arith.constant 0 : i32
      %dma_wait3A_1497 = arith.constant 0 : i32
      %dma_wait3A_1498 = tpu.memref_slice %arg3[%dma_wait3A_1496, %dma_wait3A_1497] : memref<100000x64xf32, #tpu.memory_space<hbm>> -> memref<1x64xf32, #tpu.memory_space<hbm>>
      %dma_wait3A_1499 = arith.constant 0 : i32
      %dma_wait3A_1500 = arith.constant 0 : i32
      %dma_wait3A_1501 = tpu.memref_slice %arg6[%dma_wait3A_1499, %dma_wait3A_1500] : memref<256x64xf32, #tpu.memory_space<vmem>> -> memref<1x64xf32, #tpu.memory_space<vmem>>
      %dma_wait3A_1502 = arith.constant 0 : i32
      %dma_wait3A_1503 = arith.constant 0 : i32
      %dma_wait3A_1504 = tpu.memref_slice %arg3[%dma_wait3A_1502, %dma_wait3A_1503] : memref<100000x64xf32, #tpu.memory_space<hbm>> -> memref<1x64xf32, #tpu.memory_space<hbm>>
      tpu.wait_dma2 semaphore(%arg7 : memref<!tpu.dma_semaphore, #tpu.memory_space<semaphore_mem>>) src(%dma_wait3A_1504 : memref<1x64xf32, #tpu.memory_space<hbm>>) dst(%dma_wait3A_1501 : memref<1x64xf32, #tpu.memory_space<vmem>>)
      %dma_wait3A_1505 = arith.constant 0 : i32
      %dma_wait3A_1506 = arith.constant 0 : i32
      %dma_wait3A_1507 = tpu.memref_slice %arg6[%dma_wait3A_1505, %dma_wait3A_1506] : memref<256x64xf32, #tpu.memory_space<vmem>> -> memref<1x64xf32, #tpu.memory_space<vmem>>
      %dma_wait3A_1508 = arith.constant 0 : i32
      %dma_wait3A_1509 = arith.constant 0 : i32
      %dma_wait3A_1510 = tpu.memref_slice %arg3[%dma_wait3A_1508, %dma_wait3A_1509] : memref<100000x64xf32, #tpu.memory_space<hbm>> -> memref<1x64xf32, #tpu.memory_space<hbm>>
      %dma_wait3A_1511 = arith.constant 0 : i32
      %dma_wait3A_1512 = arith.constant 0 : i32
      %dma_wait3A_1513 = tpu.memref_slice %arg6[%dma_wait3A_1511, %dma_wait3A_1512] : memref<256x64xf32, #tpu.memory_space<vmem>> -> memref<1x64xf32, #tpu.memory_space<vmem>>
      %dma_wait3A_1514 = arith.constant 0 : i32
      %dma_wait3A_1515 = arith.constant 0 : i32
      %dma_wait3A_1516 = tpu.memref_slice %arg3[%dma_wait3A_1514, %dma_wait3A_1515] : memref<100000x64xf32, #tpu.memory_space<hbm>> -> memref<1x64xf32, #tpu.memory_space<hbm>>
      tpu.wait_dma2 semaphore(%arg7 : memref<!tpu.dma_semaphore, #tpu.memory_space<semaphore_mem>>) src(%dma_wait3A_1516 : memref<1x64xf32, #tpu.memory_space<hbm>>) dst(%dma_wait3A_1513 : memref<1x64xf32, #tpu.memory_space<vmem>>)
      %dma_wait3A_1517 = arith.constant 0 : i32
      %dma_wait3A_1518 = arith.constant 0 : i32
      %dma_wait3A_1519 = tpu.memref_slice %arg6[%dma_wait3A_1517, %dma_wait3A_1518] : memref<256x64xf32, #tpu.memory_space<vmem>> -> memref<1x64xf32, #tpu.memory_space<vmem>>
      %dma_wait3A_1520 = arith.constant 0 : i32
      %dma_wait3A_1521 = arith.constant 0 : i32
      %dma_wait3A_1522 = tpu.memref_slice %arg3[%dma_wait3A_1520, %dma_wait3A_1521] : memref<100000x64xf32, #tpu.memory_space<hbm>> -> memref<1x64xf32, #tpu.memory_space<hbm>>
      %dma_wait3A_1523 = arith.constant 0 : i32
      %dma_wait3A_1524 = arith.constant 0 : i32
      %dma_wait3A_1525 = tpu.memref_slice %arg6[%dma_wait3A_1523, %dma_wait3A_1524] : memref<256x64xf32, #tpu.memory_space<vmem>> -> memref<1x64xf32, #tpu.memory_space<vmem>>
      %dma_wait3A_1526 = arith.constant 0 : i32
      %dma_wait3A_1527 = arith.constant 0 : i32
      %dma_wait3A_1528 = tpu.memref_slice %arg3[%dma_wait3A_1526, %dma_wait3A_1527] : memref<100000x64xf32, #tpu.memory_space<hbm>> -> memref<1x64xf32, #tpu.memory_space<hbm>>
      tpu.wait_dma2 semaphore(%arg7 : memref<!tpu.dma_semaphore, #tpu.memory_space<semaphore_mem>>) src(%dma_wait3A_1528 : memref<1x64xf32, #tpu.memory_space<hbm>>) dst(%dma_wait3A_1525 : memref<1x64xf32, #tpu.memory_space<vmem>>)
      %dma_wait3A_1529 = arith.constant 0 : i32
      %dma_wait3A_1530 = arith.constant 0 : i32
      %dma_wait3A_1531 = tpu.memref_slice %arg6[%dma_wait3A_1529, %dma_wait3A_1530] : memref<256x64xf32, #tpu.memory_space<vmem>> -> memref<1x64xf32, #tpu.memory_space<vmem>>
      %dma_wait3A_1532 = arith.constant 0 : i32
      %dma_wait3A_1533 = arith.constant 0 : i32
      %dma_wait3A_1534 = tpu.memref_slice %arg3[%dma_wait3A_1532, %dma_wait3A_1533] : memref<100000x64xf32, #tpu.memory_space<hbm>> -> memref<1x64xf32, #tpu.memory_space<hbm>>
      %dma_wait3A_1535 = arith.constant 0 : i32
      %dma_wait3A_1536 = arith.constant 0 : i32
      %dma_wait3A_1537 = tpu.memref_slice %arg6[%dma_wait3A_1535, %dma_wait3A_1536] : memref<256x64xf32, #tpu.memory_space<vmem>> -> memref<1x64xf32, #tpu.memory_space<vmem>>
      %dma_wait3A_1538 = arith.constant 0 : i32
      %dma_wait3A_1539 = arith.constant 0 : i32
      %dma_wait3A_1540 = tpu.memref_slice %arg3[%dma_wait3A_1538, %dma_wait3A_1539] : memref<100000x64xf32, #tpu.memory_space<hbm>> -> memref<1x64xf32, #tpu.memory_space<hbm>>
      tpu.wait_dma2 semaphore(%arg7 : memref<!tpu.dma_semaphore, #tpu.memory_space<semaphore_mem>>) src(%dma_wait3A_1540 : memref<1x64xf32, #tpu.memory_space<hbm>>) dst(%dma_wait3A_1537 : memref<1x64xf32, #tpu.memory_space<vmem>>)
      %dma_wait3A_1541 = arith.constant 0 : i32
      %dma_wait3A_1542 = arith.constant 0 : i32
      %dma_wait3A_1543 = tpu.memref_slice %arg6[%dma_wait3A_1541, %dma_wait3A_1542] : memref<256x64xf32, #tpu.memory_space<vmem>> -> memref<1x64xf32, #tpu.memory_space<vmem>>
      %dma_wait3A_1544 = arith.constant 0 : i32
      %dma_wait3A_1545 = arith.constant 0 : i32
      %dma_wait3A_1546 = tpu.memref_slice %arg3[%dma_wait3A_1544, %dma_wait3A_1545] : memref<100000x64xf32, #tpu.memory_space<hbm>> -> memref<1x64xf32, #tpu.memory_space<hbm>>
      %dma_wait3A_1547 = arith.constant 0 : i32
      %dma_wait3A_1548 = arith.constant 0 : i32
      %dma_wait3A_1549 = tpu.memref_slice %arg6[%dma_wait3A_1547, %dma_wait3A_1548] : memref<256x64xf32, #tpu.memory_space<vmem>> -> memref<1x64xf32, #tpu.memory_space<vmem>>
      %dma_wait3A_1550 = arith.constant 0 : i32
      %dma_wait3A_1551 = arith.constant 0 : i32
      %dma_wait3A_1552 = tpu.memref_slice %arg3[%dma_wait3A_1550, %dma_wait3A_1551] : memref<100000x64xf32, #tpu.memory_space<hbm>> -> memref<1x64xf32, #tpu.memory_space<hbm>>
      tpu.wait_dma2 semaphore(%arg7 : memref<!tpu.dma_semaphore, #tpu.memory_space<semaphore_mem>>) src(%dma_wait3A_1552 : memref<1x64xf32, #tpu.memory_space<hbm>>) dst(%dma_wait3A_1549 : memref<1x64xf32, #tpu.memory_space<vmem>>)
      %dma_wait3A_1553 = arith.constant 0 : i32
      %dma_wait3A_1554 = arith.constant 0 : i32
      %dma_wait3A_1555 = tpu.memref_slice %arg6[%dma_wait3A_1553, %dma_wait3A_1554] : memref<256x64xf32, #tpu.memory_space<vmem>> -> memref<1x64xf32, #tpu.memory_space<vmem>>
      %dma_wait3A_1556 = arith.constant 0 : i32
      %dma_wait3A_1557 = arith.constant 0 : i32
      %dma_wait3A_1558 = tpu.memref_slice %arg3[%dma_wait3A_1556, %dma_wait3A_1557] : memref<100000x64xf32, #tpu.memory_space<hbm>> -> memref<1x64xf32, #tpu.memory_space<hbm>>
      %dma_wait3A_1559 = arith.constant 0 : i32
      %dma_wait3A_1560 = arith.constant 0 : i32
      %dma_wait3A_1561 = tpu.memref_slice %arg6[%dma_wait3A_1559, %dma_wait3A_1560] : memref<256x64xf32, #tpu.memory_space<vmem>> -> memref<1x64xf32, #tpu.memory_space<vmem>>
      %dma_wait3A_1562 = arith.constant 0 : i32
      %dma_wait3A_1563 = arith.constant 0 : i32
      %dma_wait3A_1564 = tpu.memref_slice %arg3[%dma_wait3A_1562, %dma_wait3A_1563] : memref<100000x64xf32, #tpu.memory_space<hbm>> -> memref<1x64xf32, #tpu.memory_space<hbm>>
      tpu.wait_dma2 semaphore(%arg7 : memref<!tpu.dma_semaphore, #tpu.memory_space<semaphore_mem>>) src(%dma_wait3A_1564 : memref<1x64xf32, #tpu.memory_space<hbm>>) dst(%dma_wait3A_1561 : memref<1x64xf32, #tpu.memory_space<vmem>>)
      %dma_wait3A_1565 = arith.constant 0 : i32
      %dma_wait3A_1566 = arith.constant 0 : i32
      %dma_wait3A_1567 = tpu.memref_slice %arg6[%dma_wait3A_1565, %dma_wait3A_1566] : memref<256x64xf32, #tpu.memory_space<vmem>> -> memref<1x64xf32, #tpu.memory_space<vmem>>
      %dma_wait3A_1568 = arith.constant 0 : i32
      %dma_wait3A_1569 = arith.constant 0 : i32
      %dma_wait3A_1570 = tpu.memref_slice %arg3[%dma_wait3A_1568, %dma_wait3A_1569] : memref<100000x64xf32, #tpu.memory_space<hbm>> -> memref<1x64xf32, #tpu.memory_space<hbm>>
      %dma_wait3A_1571 = arith.constant 0 : i32
      %dma_wait3A_1572 = arith.constant 0 : i32
      %dma_wait3A_1573 = tpu.memref_slice %arg6[%dma_wait3A_1571, %dma_wait3A_1572] : memref<256x64xf32, #tpu.memory_space<vmem>> -> memref<1x64xf32, #tpu.memory_space<vmem>>
      %dma_wait3A_1574 = arith.constant 0 : i32
      %dma_wait3A_1575 = arith.constant 0 : i32
      %dma_wait3A_1576 = tpu.memref_slice %arg3[%dma_wait3A_1574, %dma_wait3A_1575] : memref<100000x64xf32, #tpu.memory_space<hbm>> -> memref<1x64xf32, #tpu.memory_space<hbm>>
      tpu.wait_dma2 semaphore(%arg7 : memref<!tpu.dma_semaphore, #tpu.memory_space<semaphore_mem>>) src(%dma_wait3A_1576 : memref<1x64xf32, #tpu.memory_space<hbm>>) dst(%dma_wait3A_1573 : memref<1x64xf32, #tpu.memory_space<vmem>>)
      %dma_wait3A_1577 = arith.constant 0 : i32
      %dma_wait3A_1578 = arith.constant 0 : i32
      %dma_wait3A_1579 = tpu.memref_slice %arg6[%dma_wait3A_1577, %dma_wait3A_1578] : memref<256x64xf32, #tpu.memory_space<vmem>> -> memref<1x64xf32, #tpu.memory_space<vmem>>
      %dma_wait3A_1580 = arith.constant 0 : i32
      %dma_wait3A_1581 = arith.constant 0 : i32
      %dma_wait3A_1582 = tpu.memref_slice %arg3[%dma_wait3A_1580, %dma_wait3A_1581] : memref<100000x64xf32, #tpu.memory_space<hbm>> -> memref<1x64xf32, #tpu.memory_space<hbm>>
      %dma_wait3A_1583 = arith.constant 0 : i32
      %dma_wait3A_1584 = arith.constant 0 : i32
      %dma_wait3A_1585 = tpu.memref_slice %arg6[%dma_wait3A_1583, %dma_wait3A_1584] : memref<256x64xf32, #tpu.memory_space<vmem>> -> memref<1x64xf32, #tpu.memory_space<vmem>>
      %dma_wait3A_1586 = arith.constant 0 : i32
      %dma_wait3A_1587 = arith.constant 0 : i32
      %dma_wait3A_1588 = tpu.memref_slice %arg3[%dma_wait3A_1586, %dma_wait3A_1587] : memref<100000x64xf32, #tpu.memory_space<hbm>> -> memref<1x64xf32, #tpu.memory_space<hbm>>
      tpu.wait_dma2 semaphore(%arg7 : memref<!tpu.dma_semaphore, #tpu.memory_space<semaphore_mem>>) src(%dma_wait3A_1588 : memref<1x64xf32, #tpu.memory_space<hbm>>) dst(%dma_wait3A_1585 : memref<1x64xf32, #tpu.memory_space<vmem>>)
    }
    %scan3A_619 = arith.constant 13 : i32
    %dma_wait3A = arith.constant 0 : i32
    %dma_wait3A_620 = arith.constant 0 : i32
    %dma_wait3A_621 = tpu.memref_slice %arg6[%dma_wait3A, %dma_wait3A_620] : memref<256x64xf32, #tpu.memory_space<vmem>> -> memref<1x64xf32, #tpu.memory_space<vmem>>
    %dma_wait3A_622 = arith.constant 0 : i32
    %dma_wait3A_623 = arith.constant 0 : i32
    %dma_wait3A_624 = tpu.memref_slice %arg3[%dma_wait3A_622, %dma_wait3A_623] : memref<100000x64xf32, #tpu.memory_space<hbm>> -> memref<1x64xf32, #tpu.memory_space<hbm>>
    %dma_wait3A_625 = arith.constant 0 : i32
    %dma_wait3A_626 = arith.constant 0 : i32
    %dma_wait3A_627 = tpu.memref_slice %arg6[%dma_wait3A_625, %dma_wait3A_626] : memref<256x64xf32, #tpu.memory_space<vmem>> -> memref<1x64xf32, #tpu.memory_space<vmem>>
    %dma_wait3A_628 = arith.constant 0 : i32
    %dma_wait3A_629 = arith.constant 0 : i32
    %dma_wait3A_630 = tpu.memref_slice %arg3[%dma_wait3A_628, %dma_wait3A_629] : memref<100000x64xf32, #tpu.memory_space<hbm>> -> memref<1x64xf32, #tpu.memory_space<hbm>>
    tpu.wait_dma2 semaphore(%arg7 : memref<!tpu.dma_semaphore, #tpu.memory_space<semaphore_mem>>) src(%dma_wait3A_630 : memref<1x64xf32, #tpu.memory_space<hbm>>) dst(%dma_wait3A_627 : memref<1x64xf32, #tpu.memory_space<vmem>>)
    %dma_wait3A_631 = arith.constant 0 : i32
    %dma_wait3A_632 = arith.constant 0 : i32
    %dma_wait3A_633 = tpu.memref_slice %arg6[%dma_wait3A_631, %dma_wait3A_632] : memref<256x64xf32, #tpu.memory_space<vmem>> -> memref<1x64xf32, #tpu.memory_space<vmem>>
    %dma_wait3A_634 = arith.constant 0 : i32
    %dma_wait3A_635 = arith.constant 0 : i32
    %dma_wait3A_636 = tpu.memref_slice %arg3[%dma_wait3A_634, %dma_wait3A_635] : memref<100000x64xf32, #tpu.memory_space<hbm>> -> memref<1x64xf32, #tpu.memory_space<hbm>>
    %dma_wait3A_637 = arith.constant 0 : i32
    %dma_wait3A_638 = arith.constant 0 : i32
    %dma_wait3A_639 = tpu.memref_slice %arg6[%dma_wait3A_637, %dma_wait3A_638] : memref<256x64xf32, #tpu.memory_space<vmem>> -> memref<1x64xf32, #tpu.memory_space<vmem>>
    %dma_wait3A_640 = arith.constant 0 : i32
    %dma_wait3A_641 = arith.constant 0 : i32
    %dma_wait3A_642 = tpu.memref_slice %arg3[%dma_wait3A_640, %dma_wait3A_641] : memref<100000x64xf32, #tpu.memory_space<hbm>> -> memref<1x64xf32, #tpu.memory_space<hbm>>
    tpu.wait_dma2 semaphore(%arg7 : memref<!tpu.dma_semaphore, #tpu.memory_space<semaphore_mem>>) src(%dma_wait3A_642 : memref<1x64xf32, #tpu.memory_space<hbm>>) dst(%dma_wait3A_639 : memref<1x64xf32, #tpu.memory_space<vmem>>)
    %dma_wait3A_643 = arith.constant 0 : i32
    %dma_wait3A_644 = arith.constant 0 : i32
    %dma_wait3A_645 = tpu.memref_slice %arg6[%dma_wait3A_643, %dma_wait3A_644] : memref<256x64xf32, #tpu.memory_space<vmem>> -> memref<1x64xf32, #tpu.memory_space<vmem>>
    %dma_wait3A_646 = arith.constant 0 : i32
    %dma_wait3A_647 = arith.constant 0 : i32
    %dma_wait3A_648 = tpu.memref_slice %arg3[%dma_wait3A_646, %dma_wait3A_647] : memref<100000x64xf32, #tpu.memory_space<hbm>> -> memref<1x64xf32, #tpu.memory_space<hbm>>
    %dma_wait3A_649 = arith.constant 0 : i32
    %dma_wait3A_650 = arith.constant 0 : i32
    %dma_wait3A_651 = tpu.memref_slice %arg6[%dma_wait3A_649, %dma_wait3A_650] : memref<256x64xf32, #tpu.memory_space<vmem>> -> memref<1x64xf32, #tpu.memory_space<vmem>>
    %dma_wait3A_652 = arith.constant 0 : i32
    %dma_wait3A_653 = arith.constant 0 : i32
    %dma_wait3A_654 = tpu.memref_slice %arg3[%dma_wait3A_652, %dma_wait3A_653] : memref<100000x64xf32, #tpu.memory_space<hbm>> -> memref<1x64xf32, #tpu.memory_space<hbm>>
    tpu.wait_dma2 semaphore(%arg7 : memref<!tpu.dma_semaphore, #tpu.memory_space<semaphore_mem>>) src(%dma_wait3A_654 : memref<1x64xf32, #tpu.memory_space<hbm>>) dst(%dma_wait3A_651 : memref<1x64xf32, #tpu.memory_space<vmem>>)
    %dma_wait3A_655 = arith.constant 0 : i32
    %dma_wait3A_656 = arith.constant 0 : i32
    %dma_wait3A_657 = tpu.memref_slice %arg6[%dma_wait3A_655, %dma_wait3A_656] : memref<256x64xf32, #tpu.memory_space<vmem>> -> memref<1x64xf32, #tpu.memory_space<vmem>>
    %dma_wait3A_658 = arith.constant 0 : i32
    %dma_wait3A_659 = arith.constant 0 : i32
    %dma_wait3A_660 = tpu.memref_slice %arg3[%dma_wait3A_658, %dma_wait3A_659] : memref<100000x64xf32, #tpu.memory_space<hbm>> -> memref<1x64xf32, #tpu.memory_space<hbm>>
    %dma_wait3A_661 = arith.constant 0 : i32
    %dma_wait3A_662 = arith.constant 0 : i32
    %dma_wait3A_663 = tpu.memref_slice %arg6[%dma_wait3A_661, %dma_wait3A_662] : memref<256x64xf32, #tpu.memory_space<vmem>> -> memref<1x64xf32, #tpu.memory_space<vmem>>
    %dma_wait3A_664 = arith.constant 0 : i32
    %dma_wait3A_665 = arith.constant 0 : i32
    %dma_wait3A_666 = tpu.memref_slice %arg3[%dma_wait3A_664, %dma_wait3A_665] : memref<100000x64xf32, #tpu.memory_space<hbm>> -> memref<1x64xf32, #tpu.memory_space<hbm>>
    tpu.wait_dma2 semaphore(%arg7 : memref<!tpu.dma_semaphore, #tpu.memory_space<semaphore_mem>>) src(%dma_wait3A_666 : memref<1x64xf32, #tpu.memory_space<hbm>>) dst(%dma_wait3A_663 : memref<1x64xf32, #tpu.memory_space<vmem>>)
    %dma_wait3A_667 = arith.constant 0 : i32
    %dma_wait3A_668 = arith.constant 0 : i32
    %dma_wait3A_669 = tpu.memref_slice %arg6[%dma_wait3A_667, %dma_wait3A_668] : memref<256x64xf32, #tpu.memory_space<vmem>> -> memref<1x64xf32, #tpu.memory_space<vmem>>
    %dma_wait3A_670 = arith.constant 0 : i32
    %dma_wait3A_671 = arith.constant 0 : i32
    %dma_wait3A_672 = tpu.memref_slice %arg3[%dma_wait3A_670, %dma_wait3A_671] : memref<100000x64xf32, #tpu.memory_space<hbm>> -> memref<1x64xf32, #tpu.memory_space<hbm>>
    %dma_wait3A_673 = arith.constant 0 : i32
    %dma_wait3A_674 = arith.constant 0 : i32
    %dma_wait3A_675 = tpu.memref_slice %arg6[%dma_wait3A_673, %dma_wait3A_674] : memref<256x64xf32, #tpu.memory_space<vmem>> -> memref<1x64xf32, #tpu.memory_space<vmem>>
    %dma_wait3A_676 = arith.constant 0 : i32
    %dma_wait3A_677 = arith.constant 0 : i32
    %dma_wait3A_678 = tpu.memref_slice %arg3[%dma_wait3A_676, %dma_wait3A_677] : memref<100000x64xf32, #tpu.memory_space<hbm>> -> memref<1x64xf32, #tpu.memory_space<hbm>>
    tpu.wait_dma2 semaphore(%arg7 : memref<!tpu.dma_semaphore, #tpu.memory_space<semaphore_mem>>) src(%dma_wait3A_678 : memref<1x64xf32, #tpu.memory_space<hbm>>) dst(%dma_wait3A_675 : memref<1x64xf32, #tpu.memory_space<vmem>>)
    %dma_wait3A_679 = arith.constant 0 : i32
    %dma_wait3A_680 = arith.constant 0 : i32
    %dma_wait3A_681 = tpu.memref_slice %arg6[%dma_wait3A_679, %dma_wait3A_680] : memref<256x64xf32, #tpu.memory_space<vmem>> -> memref<1x64xf32, #tpu.memory_space<vmem>>
    %dma_wait3A_682 = arith.constant 0 : i32
    %dma_wait3A_683 = arith.constant 0 : i32
    %dma_wait3A_684 = tpu.memref_slice %arg3[%dma_wait3A_682, %dma_wait3A_683] : memref<100000x64xf32, #tpu.memory_space<hbm>> -> memref<1x64xf32, #tpu.memory_space<hbm>>
    %dma_wait3A_685 = arith.constant 0 : i32
    %dma_wait3A_686 = arith.constant 0 : i32
    %dma_wait3A_687 = tpu.memref_slice %arg6[%dma_wait3A_685, %dma_wait3A_686] : memref<256x64xf32, #tpu.memory_space<vmem>> -> memref<1x64xf32, #tpu.memory_space<vmem>>
    %dma_wait3A_688 = arith.constant 0 : i32
    %dma_wait3A_689 = arith.constant 0 : i32
    %dma_wait3A_690 = tpu.memref_slice %arg3[%dma_wait3A_688, %dma_wait3A_689] : memref<100000x64xf32, #tpu.memory_space<hbm>> -> memref<1x64xf32, #tpu.memory_space<hbm>>
    tpu.wait_dma2 semaphore(%arg7 : memref<!tpu.dma_semaphore, #tpu.memory_space<semaphore_mem>>) src(%dma_wait3A_690 : memref<1x64xf32, #tpu.memory_space<hbm>>) dst(%dma_wait3A_687 : memref<1x64xf32, #tpu.memory_space<vmem>>)
    %dma_wait3A_691 = arith.constant 0 : i32
    %dma_wait3A_692 = arith.constant 0 : i32
    %dma_wait3A_693 = tpu.memref_slice %arg6[%dma_wait3A_691, %dma_wait3A_692] : memref<256x64xf32, #tpu.memory_space<vmem>> -> memref<1x64xf32, #tpu.memory_space<vmem>>
    %dma_wait3A_694 = arith.constant 0 : i32
    %dma_wait3A_695 = arith.constant 0 : i32
    %dma_wait3A_696 = tpu.memref_slice %arg3[%dma_wait3A_694, %dma_wait3A_695] : memref<100000x64xf32, #tpu.memory_space<hbm>> -> memref<1x64xf32, #tpu.memory_space<hbm>>
    %dma_wait3A_697 = arith.constant 0 : i32
    %dma_wait3A_698 = arith.constant 0 : i32
    %dma_wait3A_699 = tpu.memref_slice %arg6[%dma_wait3A_697, %dma_wait3A_698] : memref<256x64xf32, #tpu.memory_space<vmem>> -> memref<1x64xf32, #tpu.memory_space<vmem>>
    %dma_wait3A_700 = arith.constant 0 : i32
    %dma_wait3A_701 = arith.constant 0 : i32
    %dma_wait3A_702 = tpu.memref_slice %arg3[%dma_wait3A_700, %dma_wait3A_701] : memref<100000x64xf32, #tpu.memory_space<hbm>> -> memref<1x64xf32, #tpu.memory_space<hbm>>
    tpu.wait_dma2 semaphore(%arg7 : memref<!tpu.dma_semaphore, #tpu.memory_space<semaphore_mem>>) src(%dma_wait3A_702 : memref<1x64xf32, #tpu.memory_space<hbm>>) dst(%dma_wait3A_699 : memref<1x64xf32, #tpu.memory_space<vmem>>)
    %dma_wait3A_703 = arith.constant 0 : i32
    %dma_wait3A_704 = arith.constant 0 : i32
    %dma_wait3A_705 = tpu.memref_slice %arg6[%dma_wait3A_703, %dma_wait3A_704] : memref<256x64xf32, #tpu.memory_space<vmem>> -> memref<1x64xf32, #tpu.memory_space<vmem>>
    %dma_wait3A_706 = arith.constant 0 : i32
    %dma_wait3A_707 = arith.constant 0 : i32
    %dma_wait3A_708 = tpu.memref_slice %arg3[%dma_wait3A_706, %dma_wait3A_707] : memref<100000x64xf32, #tpu.memory_space<hbm>> -> memref<1x64xf32, #tpu.memory_space<hbm>>
    %dma_wait3A_709 = arith.constant 0 : i32
    %dma_wait3A_710 = arith.constant 0 : i32
    %dma_wait3A_711 = tpu.memref_slice %arg6[%dma_wait3A_709, %dma_wait3A_710] : memref<256x64xf32, #tpu.memory_space<vmem>> -> memref<1x64xf32, #tpu.memory_space<vmem>>
    %dma_wait3A_712 = arith.constant 0 : i32
    %dma_wait3A_713 = arith.constant 0 : i32
    %dma_wait3A_714 = tpu.memref_slice %arg3[%dma_wait3A_712, %dma_wait3A_713] : memref<100000x64xf32, #tpu.memory_space<hbm>> -> memref<1x64xf32, #tpu.memory_space<hbm>>
    tpu.wait_dma2 semaphore(%arg7 : memref<!tpu.dma_semaphore, #tpu.memory_space<semaphore_mem>>) src(%dma_wait3A_714 : memref<1x64xf32, #tpu.memory_space<hbm>>) dst(%dma_wait3A_711 : memref<1x64xf32, #tpu.memory_space<vmem>>)
    %dma_wait3A_715 = arith.constant 0 : i32
    %dma_wait3A_716 = arith.constant 0 : i32
    %dma_wait3A_717 = tpu.memref_slice %arg6[%dma_wait3A_715, %dma_wait3A_716] : memref<256x64xf32, #tpu.memory_space<vmem>> -> memref<1x64xf32, #tpu.memory_space<vmem>>
    %dma_wait3A_718 = arith.constant 0 : i32
    %dma_wait3A_719 = arith.constant 0 : i32
    %dma_wait3A_720 = tpu.memref_slice %arg3[%dma_wait3A_718, %dma_wait3A_719] : memref<100000x64xf32, #tpu.memory_space<hbm>> -> memref<1x64xf32, #tpu.memory_space<hbm>>
    %dma_wait3A_721 = arith.constant 0 : i32
    %dma_wait3A_722 = arith.constant 0 : i32
    %dma_wait3A_723 = tpu.memref_slice %arg6[%dma_wait3A_721, %dma_wait3A_722] : memref<256x64xf32, #tpu.memory_space<vmem>> -> memref<1x64xf32, #tpu.memory_space<vmem>>
    %dma_wait3A_724 = arith.constant 0 : i32
    %dma_wait3A_725 = arith.constant 0 : i32
    %dma_wait3A_726 = tpu.memref_slice %arg3[%dma_wait3A_724, %dma_wait3A_725] : memref<100000x64xf32, #tpu.memory_space<hbm>> -> memref<1x64xf32, #tpu.memory_space<hbm>>
    tpu.wait_dma2 semaphore(%arg7 : memref<!tpu.dma_semaphore, #tpu.memory_space<semaphore_mem>>) src(%dma_wait3A_726 : memref<1x64xf32, #tpu.memory_space<hbm>>) dst(%dma_wait3A_723 : memref<1x64xf32, #tpu.memory_space<vmem>>)
    %dma_wait3A_727 = arith.constant 0 : i32
    %dma_wait3A_728 = arith.constant 0 : i32
    %dma_wait3A_729 = tpu.memref_slice %arg6[%dma_wait3A_727, %dma_wait3A_728] : memref<256x64xf32, #tpu.memory_space<vmem>> -> memref<1x64xf32, #tpu.memory_space<vmem>>
    %dma_wait3A_730 = arith.constant 0 : i32
    %dma_wait3A_731 = arith.constant 0 : i32
    %dma_wait3A_732 = tpu.memref_slice %arg3[%dma_wait3A_730, %dma_wait3A_731] : memref<100000x64xf32, #tpu.memory_space<hbm>> -> memref<1x64xf32, #tpu.memory_space<hbm>>
    %dma_wait3A_733 = arith.constant 0 : i32
    %dma_wait3A_734 = arith.constant 0 : i32
    %dma_wait3A_735 = tpu.memref_slice %arg6[%dma_wait3A_733, %dma_wait3A_734] : memref<256x64xf32, #tpu.memory_space<vmem>> -> memref<1x64xf32, #tpu.memory_space<vmem>>
    %dma_wait3A_736 = arith.constant 0 : i32
    %dma_wait3A_737 = arith.constant 0 : i32
    %dma_wait3A_738 = tpu.memref_slice %arg3[%dma_wait3A_736, %dma_wait3A_737] : memref<100000x64xf32, #tpu.memory_space<hbm>> -> memref<1x64xf32, #tpu.memory_space<hbm>>
    tpu.wait_dma2 semaphore(%arg7 : memref<!tpu.dma_semaphore, #tpu.memory_space<semaphore_mem>>) src(%dma_wait3A_738 : memref<1x64xf32, #tpu.memory_space<hbm>>) dst(%dma_wait3A_735 : memref<1x64xf32, #tpu.memory_space<vmem>>)
    %dma_wait3A_739 = arith.constant 0 : i32
    %dma_wait3A_740 = arith.constant 0 : i32
    %dma_wait3A_741 = tpu.memref_slice %arg6[%dma_wait3A_739, %dma_wait3A_740] : memref<256x64xf32, #tpu.memory_space<vmem>> -> memref<1x64xf32, #tpu.memory_space<vmem>>
    %dma_wait3A_742 = arith.constant 0 : i32
    %dma_wait3A_743 = arith.constant 0 : i32
    %dma_wait3A_744 = tpu.memref_slice %arg3[%dma_wait3A_742, %dma_wait3A_743] : memref<100000x64xf32, #tpu.memory_space<hbm>> -> memref<1x64xf32, #tpu.memory_space<hbm>>
    %dma_wait3A_745 = arith.constant 0 : i32
    %dma_wait3A_746 = arith.constant 0 : i32
    %dma_wait3A_747 = tpu.memref_slice %arg6[%dma_wait3A_745, %dma_wait3A_746] : memref<256x64xf32, #tpu.memory_space<vmem>> -> memref<1x64xf32, #tpu.memory_space<vmem>>
    %dma_wait3A_748 = arith.constant 0 : i32
    %dma_wait3A_749 = arith.constant 0 : i32
    %dma_wait3A_750 = tpu.memref_slice %arg3[%dma_wait3A_748, %dma_wait3A_749] : memref<100000x64xf32, #tpu.memory_space<hbm>> -> memref<1x64xf32, #tpu.memory_space<hbm>>
    tpu.wait_dma2 semaphore(%arg7 : memref<!tpu.dma_semaphore, #tpu.memory_space<semaphore_mem>>) src(%dma_wait3A_750 : memref<1x64xf32, #tpu.memory_space<hbm>>) dst(%dma_wait3A_747 : memref<1x64xf32, #tpu.memory_space<vmem>>)
    %dma_wait3A_751 = arith.constant 0 : i32
    %dma_wait3A_752 = arith.constant 0 : i32
    %dma_wait3A_753 = tpu.memref_slice %arg6[%dma_wait3A_751, %dma_wait3A_752] : memref<256x64xf32, #tpu.memory_space<vmem>> -> memref<1x64xf32, #tpu.memory_space<vmem>>
    %dma_wait3A_754 = arith.constant 0 : i32
    %dma_wait3A_755 = arith.constant 0 : i32
    %dma_wait3A_756 = tpu.memref_slice %arg3[%dma_wait3A_754, %dma_wait3A_755] : memref<100000x64xf32, #tpu.memory_space<hbm>> -> memref<1x64xf32, #tpu.memory_space<hbm>>
    %dma_wait3A_757 = arith.constant 0 : i32
    %dma_wait3A_758 = arith.constant 0 : i32
    %dma_wait3A_759 = tpu.memref_slice %arg6[%dma_wait3A_757, %dma_wait3A_758] : memref<256x64xf32, #tpu.memory_space<vmem>> -> memref<1x64xf32, #tpu.memory_space<vmem>>
    %dma_wait3A_760 = arith.constant 0 : i32
    %dma_wait3A_761 = arith.constant 0 : i32
    %dma_wait3A_762 = tpu.memref_slice %arg3[%dma_wait3A_760, %dma_wait3A_761] : memref<100000x64xf32, #tpu.memory_space<hbm>> -> memref<1x64xf32, #tpu.memory_space<hbm>>
    tpu.wait_dma2 semaphore(%arg7 : memref<!tpu.dma_semaphore, #tpu.memory_space<semaphore_mem>>) src(%dma_wait3A_762 : memref<1x64xf32, #tpu.memory_space<hbm>>) dst(%dma_wait3A_759 : memref<1x64xf32, #tpu.memory_space<vmem>>)
    %dma_wait3A_763 = arith.constant 0 : i32
    %dma_wait3A_764 = arith.constant 0 : i32
    %dma_wait3A_765 = tpu.memref_slice %arg6[%dma_wait3A_763, %dma_wait3A_764] : memref<256x64xf32, #tpu.memory_space<vmem>> -> memref<1x64xf32, #tpu.memory_space<vmem>>
    %dma_wait3A_766 = arith.constant 0 : i32
    %dma_wait3A_767 = arith.constant 0 : i32
    %dma_wait3A_768 = tpu.memref_slice %arg3[%dma_wait3A_766, %dma_wait3A_767] : memref<100000x64xf32, #tpu.memory_space<hbm>> -> memref<1x64xf32, #tpu.memory_space<hbm>>
    %dma_wait3A_769 = arith.constant 0 : i32
    %dma_wait3A_770 = arith.constant 0 : i32
    %dma_wait3A_771 = tpu.memref_slice %arg6[%dma_wait3A_769, %dma_wait3A_770] : memref<256x64xf32, #tpu.memory_space<vmem>> -> memref<1x64xf32, #tpu.memory_space<vmem>>
    %dma_wait3A_772 = arith.constant 0 : i32
    %dma_wait3A_773 = arith.constant 0 : i32
    %dma_wait3A_774 = tpu.memref_slice %arg3[%dma_wait3A_772, %dma_wait3A_773] : memref<100000x64xf32, #tpu.memory_space<hbm>> -> memref<1x64xf32, #tpu.memory_space<hbm>>
    tpu.wait_dma2 semaphore(%arg7 : memref<!tpu.dma_semaphore, #tpu.memory_space<semaphore_mem>>) src(%dma_wait3A_774 : memref<1x64xf32, #tpu.memory_space<hbm>>) dst(%dma_wait3A_771 : memref<1x64xf32, #tpu.memory_space<vmem>>)
    %dma_wait3A_775 = arith.constant 0 : i32
    %dma_wait3A_776 = arith.constant 0 : i32
    %dma_wait3A_777 = tpu.memref_slice %arg6[%dma_wait3A_775, %dma_wait3A_776] : memref<256x64xf32, #tpu.memory_space<vmem>> -> memref<1x64xf32, #tpu.memory_space<vmem>>
    %dma_wait3A_778 = arith.constant 0 : i32
    %dma_wait3A_779 = arith.constant 0 : i32
    %dma_wait3A_780 = tpu.memref_slice %arg3[%dma_wait3A_778, %dma_wait3A_779] : memref<100000x64xf32, #tpu.memory_space<hbm>> -> memref<1x64xf32, #tpu.memory_space<hbm>>
    %dma_wait3A_781 = arith.constant 0 : i32
    %dma_wait3A_782 = arith.constant 0 : i32
    %dma_wait3A_783 = tpu.memref_slice %arg6[%dma_wait3A_781, %dma_wait3A_782] : memref<256x64xf32, #tpu.memory_space<vmem>> -> memref<1x64xf32, #tpu.memory_space<vmem>>
    %dma_wait3A_784 = arith.constant 0 : i32
    %dma_wait3A_785 = arith.constant 0 : i32
    %dma_wait3A_786 = tpu.memref_slice %arg3[%dma_wait3A_784, %dma_wait3A_785] : memref<100000x64xf32, #tpu.memory_space<hbm>> -> memref<1x64xf32, #tpu.memory_space<hbm>>
    tpu.wait_dma2 semaphore(%arg7 : memref<!tpu.dma_semaphore, #tpu.memory_space<semaphore_mem>>) src(%dma_wait3A_786 : memref<1x64xf32, #tpu.memory_space<hbm>>) dst(%dma_wait3A_783 : memref<1x64xf32, #tpu.memory_space<vmem>>)
    %dma_wait3A_787 = arith.constant 0 : i32
    %dma_wait3A_788 = arith.constant 0 : i32
    %dma_wait3A_789 = tpu.memref_slice %arg6[%dma_wait3A_787, %dma_wait3A_788] : memref<256x64xf32, #tpu.memory_space<vmem>> -> memref<1x64xf32, #tpu.memory_space<vmem>>
    %dma_wait3A_790 = arith.constant 0 : i32
    %dma_wait3A_791 = arith.constant 0 : i32
    %dma_wait3A_792 = tpu.memref_slice %arg3[%dma_wait3A_790, %dma_wait3A_791] : memref<100000x64xf32, #tpu.memory_space<hbm>> -> memref<1x64xf32, #tpu.memory_space<hbm>>
    %dma_wait3A_793 = arith.constant 0 : i32
    %dma_wait3A_794 = arith.constant 0 : i32
    %dma_wait3A_795 = tpu.memref_slice %arg6[%dma_wait3A_793, %dma_wait3A_794] : memref<256x64xf32, #tpu.memory_space<vmem>> -> memref<1x64xf32, #tpu.memory_space<vmem>>
    %dma_wait3A_796 = arith.constant 0 : i32
    %dma_wait3A_797 = arith.constant 0 : i32
    %dma_wait3A_798 = tpu.memref_slice %arg3[%dma_wait3A_796, %dma_wait3A_797] : memref<100000x64xf32, #tpu.memory_space<hbm>> -> memref<1x64xf32, #tpu.memory_space<hbm>>
    tpu.wait_dma2 semaphore(%arg7 : memref<!tpu.dma_semaphore, #tpu.memory_space<semaphore_mem>>) src(%dma_wait3A_798 : memref<1x64xf32, #tpu.memory_space<hbm>>) dst(%dma_wait3A_795 : memref<1x64xf32, #tpu.memory_space<vmem>>)
    %dma_wait3A_799 = arith.constant 0 : i32
    %dma_wait3A_800 = arith.constant 0 : i32
    %dma_wait3A_801 = tpu.memref_slice %arg6[%dma_wait3A_799, %dma_wait3A_800] : memref<256x64xf32, #tpu.memory_space<vmem>> -> memref<1x64xf32, #tpu.memory_space<vmem>>
    %dma_wait3A_802 = arith.constant 0 : i32
    %dma_wait3A_803 = arith.constant 0 : i32
    %dma_wait3A_804 = tpu.memref_slice %arg3[%dma_wait3A_802, %dma_wait3A_803] : memref<100000x64xf32, #tpu.memory_space<hbm>> -> memref<1x64xf32, #tpu.memory_space<hbm>>
    %dma_wait3A_805 = arith.constant 0 : i32
    %dma_wait3A_806 = arith.constant 0 : i32
    %dma_wait3A_807 = tpu.memref_slice %arg6[%dma_wait3A_805, %dma_wait3A_806] : memref<256x64xf32, #tpu.memory_space<vmem>> -> memref<1x64xf32, #tpu.memory_space<vmem>>
    %dma_wait3A_808 = arith.constant 0 : i32
    %dma_wait3A_809 = arith.constant 0 : i32
    %dma_wait3A_810 = tpu.memref_slice %arg3[%dma_wait3A_808, %dma_wait3A_809] : memref<100000x64xf32, #tpu.memory_space<hbm>> -> memref<1x64xf32, #tpu.memory_space<hbm>>
    tpu.wait_dma2 semaphore(%arg7 : memref<!tpu.dma_semaphore, #tpu.memory_space<semaphore_mem>>) src(%dma_wait3A_810 : memref<1x64xf32, #tpu.memory_space<hbm>>) dst(%dma_wait3A_807 : memref<1x64xf32, #tpu.memory_space<vmem>>)
    %dma_wait3A_811 = arith.constant 0 : i32
    %dma_wait3A_812 = arith.constant 0 : i32
    %dma_wait3A_813 = tpu.memref_slice %arg6[%dma_wait3A_811, %dma_wait3A_812] : memref<256x64xf32, #tpu.memory_space<vmem>> -> memref<1x64xf32, #tpu.memory_space<vmem>>
    %dma_wait3A_814 = arith.constant 0 : i32
    %dma_wait3A_815 = arith.constant 0 : i32
    %dma_wait3A_816 = tpu.memref_slice %arg3[%dma_wait3A_814, %dma_wait3A_815] : memref<100000x64xf32, #tpu.memory_space<hbm>> -> memref<1x64xf32, #tpu.memory_space<hbm>>
    %dma_wait3A_817 = arith.constant 0 : i32
    %dma_wait3A_818 = arith.constant 0 : i32
    %dma_wait3A_819 = tpu.memref_slice %arg6[%dma_wait3A_817, %dma_wait3A_818] : memref<256x64xf32, #tpu.memory_space<vmem>> -> memref<1x64xf32, #tpu.memory_space<vmem>>
    %dma_wait3A_820 = arith.constant 0 : i32
    %dma_wait3A_821 = arith.constant 0 : i32
    %dma_wait3A_822 = tpu.memref_slice %arg3[%dma_wait3A_820, %dma_wait3A_821] : memref<100000x64xf32, #tpu.memory_space<hbm>> -> memref<1x64xf32, #tpu.memory_space<hbm>>
    tpu.wait_dma2 semaphore(%arg7 : memref<!tpu.dma_semaphore, #tpu.memory_space<semaphore_mem>>) src(%dma_wait3A_822 : memref<1x64xf32, #tpu.memory_space<hbm>>) dst(%dma_wait3A_819 : memref<1x64xf32, #tpu.memory_space<vmem>>)
    %dma_wait3A_823 = arith.constant 0 : i32
    %dma_wait3A_824 = arith.constant 0 : i32
    %dma_wait3A_825 = tpu.memref_slice %arg6[%dma_wait3A_823, %dma_wait3A_824] : memref<256x64xf32, #tpu.memory_space<vmem>> -> memref<1x64xf32, #tpu.memory_space<vmem>>
    %dma_wait3A_826 = arith.constant 0 : i32
    %dma_wait3A_827 = arith.constant 0 : i32
    %dma_wait3A_828 = tpu.memref_slice %arg3[%dma_wait3A_826, %dma_wait3A_827] : memref<100000x64xf32, #tpu.memory_space<hbm>> -> memref<1x64xf32, #tpu.memory_space<hbm>>
    %dma_wait3A_829 = arith.constant 0 : i32
    %dma_wait3A_830 = arith.constant 0 : i32
    %dma_wait3A_831 = tpu.memref_slice %arg6[%dma_wait3A_829, %dma_wait3A_830] : memref<256x64xf32, #tpu.memory_space<vmem>> -> memref<1x64xf32, #tpu.memory_space<vmem>>
    %dma_wait3A_832 = arith.constant 0 : i32
    %dma_wait3A_833 = arith.constant 0 : i32
    %dma_wait3A_834 = tpu.memref_slice %arg3[%dma_wait3A_832, %dma_wait3A_833] : memref<100000x64xf32, #tpu.memory_space<hbm>> -> memref<1x64xf32, #tpu.memory_space<hbm>>
    tpu.wait_dma2 semaphore(%arg7 : memref<!tpu.dma_semaphore, #tpu.memory_space<semaphore_mem>>) src(%dma_wait3A_834 : memref<1x64xf32, #tpu.memory_space<hbm>>) dst(%dma_wait3A_831 : memref<1x64xf32, #tpu.memory_space<vmem>>)
    %dma_wait3A_835 = arith.constant 0 : i32
    %dma_wait3A_836 = arith.constant 0 : i32
    %dma_wait3A_837 = tpu.memref_slice %arg6[%dma_wait3A_835, %dma_wait3A_836] : memref<256x64xf32, #tpu.memory_space<vmem>> -> memref<1x64xf32, #tpu.memory_space<vmem>>
    %dma_wait3A_838 = arith.constant 0 : i32
    %dma_wait3A_839 = arith.constant 0 : i32
    %dma_wait3A_840 = tpu.memref_slice %arg3[%dma_wait3A_838, %dma_wait3A_839] : memref<100000x64xf32, #tpu.memory_space<hbm>> -> memref<1x64xf32, #tpu.memory_space<hbm>>
    %dma_wait3A_841 = arith.constant 0 : i32
    %dma_wait3A_842 = arith.constant 0 : i32
    %dma_wait3A_843 = tpu.memref_slice %arg6[%dma_wait3A_841, %dma_wait3A_842] : memref<256x64xf32, #tpu.memory_space<vmem>> -> memref<1x64xf32, #tpu.memory_space<vmem>>
    %dma_wait3A_844 = arith.constant 0 : i32
    %dma_wait3A_845 = arith.constant 0 : i32
    %dma_wait3A_846 = tpu.memref_slice %arg3[%dma_wait3A_844, %dma_wait3A_845] : memref<100000x64xf32, #tpu.memory_space<hbm>> -> memref<1x64xf32, #tpu.memory_space<hbm>>
    tpu.wait_dma2 semaphore(%arg7 : memref<!tpu.dma_semaphore, #tpu.memory_space<semaphore_mem>>) src(%dma_wait3A_846 : memref<1x64xf32, #tpu.memory_space<hbm>>) dst(%dma_wait3A_843 : memref<1x64xf32, #tpu.memory_space<vmem>>)
    %dma_wait3A_847 = arith.constant 0 : i32
    %dma_wait3A_848 = arith.constant 0 : i32
    %dma_wait3A_849 = tpu.memref_slice %arg6[%dma_wait3A_847, %dma_wait3A_848] : memref<256x64xf32, #tpu.memory_space<vmem>> -> memref<1x64xf32, #tpu.memory_space<vmem>>
    %dma_wait3A_850 = arith.constant 0 : i32
    %dma_wait3A_851 = arith.constant 0 : i32
    %dma_wait3A_852 = tpu.memref_slice %arg3[%dma_wait3A_850, %dma_wait3A_851] : memref<100000x64xf32, #tpu.memory_space<hbm>> -> memref<1x64xf32, #tpu.memory_space<hbm>>
    %dma_wait3A_853 = arith.constant 0 : i32
    %dma_wait3A_854 = arith.constant 0 : i32
    %dma_wait3A_855 = tpu.memref_slice %arg6[%dma_wait3A_853, %dma_wait3A_854] : memref<256x64xf32, #tpu.memory_space<vmem>> -> memref<1x64xf32, #tpu.memory_space<vmem>>
    %dma_wait3A_856 = arith.constant 0 : i32
    %dma_wait3A_857 = arith.constant 0 : i32
    %dma_wait3A_858 = tpu.memref_slice %arg3[%dma_wait3A_856, %dma_wait3A_857] : memref<100000x64xf32, #tpu.memory_space<hbm>> -> memref<1x64xf32, #tpu.memory_space<hbm>>
    tpu.wait_dma2 semaphore(%arg7 : memref<!tpu.dma_semaphore, #tpu.memory_space<semaphore_mem>>) src(%dma_wait3A_858 : memref<1x64xf32, #tpu.memory_space<hbm>>) dst(%dma_wait3A_855 : memref<1x64xf32, #tpu.memory_space<vmem>>)
    %dma_wait3A_859 = arith.constant 0 : i32
    %dma_wait3A_860 = arith.constant 0 : i32
    %dma_wait3A_861 = tpu.memref_slice %arg6[%dma_wait3A_859, %dma_wait3A_860] : memref<256x64xf32, #tpu.memory_space<vmem>> -> memref<1x64xf32, #tpu.memory_space<vmem>>
    %dma_wait3A_862 = arith.constant 0 : i32
    %dma_wait3A_863 = arith.constant 0 : i32
    %dma_wait3A_864 = tpu.memref_slice %arg3[%dma_wait3A_862, %dma_wait3A_863] : memref<100000x64xf32, #tpu.memory_space<hbm>> -> memref<1x64xf32, #tpu.memory_space<hbm>>
    %dma_wait3A_865 = arith.constant 0 : i32
    %dma_wait3A_866 = arith.constant 0 : i32
    %dma_wait3A_867 = tpu.memref_slice %arg6[%dma_wait3A_865, %dma_wait3A_866] : memref<256x64xf32, #tpu.memory_space<vmem>> -> memref<1x64xf32, #tpu.memory_space<vmem>>
    %dma_wait3A_868 = arith.constant 0 : i32
    %dma_wait3A_869 = arith.constant 0 : i32
    %dma_wait3A_870 = tpu.memref_slice %arg3[%dma_wait3A_868, %dma_wait3A_869] : memref<100000x64xf32, #tpu.memory_space<hbm>> -> memref<1x64xf32, #tpu.memory_space<hbm>>
    tpu.wait_dma2 semaphore(%arg7 : memref<!tpu.dma_semaphore, #tpu.memory_space<semaphore_mem>>) src(%dma_wait3A_870 : memref<1x64xf32, #tpu.memory_space<hbm>>) dst(%dma_wait3A_867 : memref<1x64xf32, #tpu.memory_space<vmem>>)
    %dma_wait3A_871 = arith.constant 0 : i32
    %dma_wait3A_872 = arith.constant 0 : i32
    %dma_wait3A_873 = tpu.memref_slice %arg6[%dma_wait3A_871, %dma_wait3A_872] : memref<256x64xf32, #tpu.memory_space<vmem>> -> memref<1x64xf32, #tpu.memory_space<vmem>>
    %dma_wait3A_874 = arith.constant 0 : i32
    %dma_wait3A_875 = arith.constant 0 : i32
    %dma_wait3A_876 = tpu.memref_slice %arg3[%dma_wait3A_874, %dma_wait3A_875] : memref<100000x64xf32, #tpu.memory_space<hbm>> -> memref<1x64xf32, #tpu.memory_space<hbm>>
    %dma_wait3A_877 = arith.constant 0 : i32
    %dma_wait3A_878 = arith.constant 0 : i32
    %dma_wait3A_879 = tpu.memref_slice %arg6[%dma_wait3A_877, %dma_wait3A_878] : memref<256x64xf32, #tpu.memory_space<vmem>> -> memref<1x64xf32, #tpu.memory_space<vmem>>
    %dma_wait3A_880 = arith.constant 0 : i32
    %dma_wait3A_881 = arith.constant 0 : i32
    %dma_wait3A_882 = tpu.memref_slice %arg3[%dma_wait3A_880, %dma_wait3A_881] : memref<100000x64xf32, #tpu.memory_space<hbm>> -> memref<1x64xf32, #tpu.memory_space<hbm>>
    tpu.wait_dma2 semaphore(%arg7 : memref<!tpu.dma_semaphore, #tpu.memory_space<semaphore_mem>>) src(%dma_wait3A_882 : memref<1x64xf32, #tpu.memory_space<hbm>>) dst(%dma_wait3A_879 : memref<1x64xf32, #tpu.memory_space<vmem>>)
    %dma_wait3A_883 = arith.constant 0 : i32
    %dma_wait3A_884 = arith.constant 0 : i32
    %dma_wait3A_885 = tpu.memref_slice %arg6[%dma_wait3A_883, %dma_wait3A_884] : memref<256x64xf32, #tpu.memory_space<vmem>> -> memref<1x64xf32, #tpu.memory_space<vmem>>
    %dma_wait3A_886 = arith.constant 0 : i32
    %dma_wait3A_887 = arith.constant 0 : i32
    %dma_wait3A_888 = tpu.memref_slice %arg3[%dma_wait3A_886, %dma_wait3A_887] : memref<100000x64xf32, #tpu.memory_space<hbm>> -> memref<1x64xf32, #tpu.memory_space<hbm>>
    %dma_wait3A_889 = arith.constant 0 : i32
    %dma_wait3A_890 = arith.constant 0 : i32
    %dma_wait3A_891 = tpu.memref_slice %arg6[%dma_wait3A_889, %dma_wait3A_890] : memref<256x64xf32, #tpu.memory_space<vmem>> -> memref<1x64xf32, #tpu.memory_space<vmem>>
    %dma_wait3A_892 = arith.constant 0 : i32
    %dma_wait3A_893 = arith.constant 0 : i32
    %dma_wait3A_894 = tpu.memref_slice %arg3[%dma_wait3A_892, %dma_wait3A_893] : memref<100000x64xf32, #tpu.memory_space<hbm>> -> memref<1x64xf32, #tpu.memory_space<hbm>>
    tpu.wait_dma2 semaphore(%arg7 : memref<!tpu.dma_semaphore, #tpu.memory_space<semaphore_mem>>) src(%dma_wait3A_894 : memref<1x64xf32, #tpu.memory_space<hbm>>) dst(%dma_wait3A_891 : memref<1x64xf32, #tpu.memory_space<vmem>>)
    %dma_wait3A_895 = arith.constant 0 : i32
    %dma_wait3A_896 = arith.constant 0 : i32
    %dma_wait3A_897 = tpu.memref_slice %arg6[%dma_wait3A_895, %dma_wait3A_896] : memref<256x64xf32, #tpu.memory_space<vmem>> -> memref<1x64xf32, #tpu.memory_space<vmem>>
    %dma_wait3A_898 = arith.constant 0 : i32
    %dma_wait3A_899 = arith.constant 0 : i32
    %dma_wait3A_900 = tpu.memref_slice %arg3[%dma_wait3A_898, %dma_wait3A_899] : memref<100000x64xf32, #tpu.memory_space<hbm>> -> memref<1x64xf32, #tpu.memory_space<hbm>>
    %dma_wait3A_901 = arith.constant 0 : i32
    %dma_wait3A_902 = arith.constant 0 : i32
    %dma_wait3A_903 = tpu.memref_slice %arg6[%dma_wait3A_901, %dma_wait3A_902] : memref<256x64xf32, #tpu.memory_space<vmem>> -> memref<1x64xf32, #tpu.memory_space<vmem>>
    %dma_wait3A_904 = arith.constant 0 : i32
    %dma_wait3A_905 = arith.constant 0 : i32
    %dma_wait3A_906 = tpu.memref_slice %arg3[%dma_wait3A_904, %dma_wait3A_905] : memref<100000x64xf32, #tpu.memory_space<hbm>> -> memref<1x64xf32, #tpu.memory_space<hbm>>
    tpu.wait_dma2 semaphore(%arg7 : memref<!tpu.dma_semaphore, #tpu.memory_space<semaphore_mem>>) src(%dma_wait3A_906 : memref<1x64xf32, #tpu.memory_space<hbm>>) dst(%dma_wait3A_903 : memref<1x64xf32, #tpu.memory_space<vmem>>)
    %dma_wait3A_907 = arith.constant 0 : i32
    %dma_wait3A_908 = arith.constant 0 : i32
    %dma_wait3A_909 = tpu.memref_slice %arg6[%dma_wait3A_907, %dma_wait3A_908] : memref<256x64xf32, #tpu.memory_space<vmem>> -> memref<1x64xf32, #tpu.memory_space<vmem>>
    %dma_wait3A_910 = arith.constant 0 : i32
    %dma_wait3A_911 = arith.constant 0 : i32
    %dma_wait3A_912 = tpu.memref_slice %arg3[%dma_wait3A_910, %dma_wait3A_911] : memref<100000x64xf32, #tpu.memory_space<hbm>> -> memref<1x64xf32, #tpu.memory_space<hbm>>
    %dma_wait3A_913 = arith.constant 0 : i32
    %dma_wait3A_914 = arith.constant 0 : i32
    %dma_wait3A_915 = tpu.memref_slice %arg6[%dma_wait3A_913, %dma_wait3A_914] : memref<256x64xf32, #tpu.memory_space<vmem>> -> memref<1x64xf32, #tpu.memory_space<vmem>>
    %dma_wait3A_916 = arith.constant 0 : i32
    %dma_wait3A_917 = arith.constant 0 : i32
    %dma_wait3A_918 = tpu.memref_slice %arg3[%dma_wait3A_916, %dma_wait3A_917] : memref<100000x64xf32, #tpu.memory_space<hbm>> -> memref<1x64xf32, #tpu.memory_space<hbm>>
    tpu.wait_dma2 semaphore(%arg7 : memref<!tpu.dma_semaphore, #tpu.memory_space<semaphore_mem>>) src(%dma_wait3A_918 : memref<1x64xf32, #tpu.memory_space<hbm>>) dst(%dma_wait3A_915 : memref<1x64xf32, #tpu.memory_space<vmem>>)
    %dma_wait3A_919 = arith.constant 0 : i32
    %dma_wait3A_920 = arith.constant 0 : i32
    %dma_wait3A_921 = tpu.memref_slice %arg6[%dma_wait3A_919, %dma_wait3A_920] : memref<256x64xf32, #tpu.memory_space<vmem>> -> memref<1x64xf32, #tpu.memory_space<vmem>>
    %dma_wait3A_922 = arith.constant 0 : i32
    %dma_wait3A_923 = arith.constant 0 : i32
    %dma_wait3A_924 = tpu.memref_slice %arg3[%dma_wait3A_922, %dma_wait3A_923] : memref<100000x64xf32, #tpu.memory_space<hbm>> -> memref<1x64xf32, #tpu.memory_space<hbm>>
    %dma_wait3A_925 = arith.constant 0 : i32
    %dma_wait3A_926 = arith.constant 0 : i32
    %dma_wait3A_927 = tpu.memref_slice %arg6[%dma_wait3A_925, %dma_wait3A_926] : memref<256x64xf32, #tpu.memory_space<vmem>> -> memref<1x64xf32, #tpu.memory_space<vmem>>
    %dma_wait3A_928 = arith.constant 0 : i32
    %dma_wait3A_929 = arith.constant 0 : i32
    %dma_wait3A_930 = tpu.memref_slice %arg3[%dma_wait3A_928, %dma_wait3A_929] : memref<100000x64xf32, #tpu.memory_space<hbm>> -> memref<1x64xf32, #tpu.memory_space<hbm>>
    tpu.wait_dma2 semaphore(%arg7 : memref<!tpu.dma_semaphore, #tpu.memory_space<semaphore_mem>>) src(%dma_wait3A_930 : memref<1x64xf32, #tpu.memory_space<hbm>>) dst(%dma_wait3A_927 : memref<1x64xf32, #tpu.memory_space<vmem>>)
    %dma_wait3A_931 = arith.constant 0 : i32
    %dma_wait3A_932 = arith.constant 0 : i32
    %dma_wait3A_933 = tpu.memref_slice %arg6[%dma_wait3A_931, %dma_wait3A_932] : memref<256x64xf32, #tpu.memory_space<vmem>> -> memref<1x64xf32, #tpu.memory_space<vmem>>
    %dma_wait3A_934 = arith.constant 0 : i32
    %dma_wait3A_935 = arith.constant 0 : i32
    %dma_wait3A_936 = tpu.memref_slice %arg3[%dma_wait3A_934, %dma_wait3A_935] : memref<100000x64xf32, #tpu.memory_space<hbm>> -> memref<1x64xf32, #tpu.memory_space<hbm>>
    %dma_wait3A_937 = arith.constant 0 : i32
    %dma_wait3A_938 = arith.constant 0 : i32
    %dma_wait3A_939 = tpu.memref_slice %arg6[%dma_wait3A_937, %dma_wait3A_938] : memref<256x64xf32, #tpu.memory_space<vmem>> -> memref<1x64xf32, #tpu.memory_space<vmem>>
    %dma_wait3A_940 = arith.constant 0 : i32
    %dma_wait3A_941 = arith.constant 0 : i32
    %dma_wait3A_942 = tpu.memref_slice %arg3[%dma_wait3A_940, %dma_wait3A_941] : memref<100000x64xf32, #tpu.memory_space<hbm>> -> memref<1x64xf32, #tpu.memory_space<hbm>>
    tpu.wait_dma2 semaphore(%arg7 : memref<!tpu.dma_semaphore, #tpu.memory_space<semaphore_mem>>) src(%dma_wait3A_942 : memref<1x64xf32, #tpu.memory_space<hbm>>) dst(%dma_wait3A_939 : memref<1x64xf32, #tpu.memory_space<vmem>>)
    %dma_wait3A_943 = arith.constant 0 : i32
    %dma_wait3A_944 = arith.constant 0 : i32
    %dma_wait3A_945 = tpu.memref_slice %arg6[%dma_wait3A_943, %dma_wait3A_944] : memref<256x64xf32, #tpu.memory_space<vmem>> -> memref<1x64xf32, #tpu.memory_space<vmem>>
    %dma_wait3A_946 = arith.constant 0 : i32
    %dma_wait3A_947 = arith.constant 0 : i32
    %dma_wait3A_948 = tpu.memref_slice %arg3[%dma_wait3A_946, %dma_wait3A_947] : memref<100000x64xf32, #tpu.memory_space<hbm>> -> memref<1x64xf32, #tpu.memory_space<hbm>>
    %dma_wait3A_949 = arith.constant 0 : i32
    %dma_wait3A_950 = arith.constant 0 : i32
    %dma_wait3A_951 = tpu.memref_slice %arg6[%dma_wait3A_949, %dma_wait3A_950] : memref<256x64xf32, #tpu.memory_space<vmem>> -> memref<1x64xf32, #tpu.memory_space<vmem>>
    %dma_wait3A_952 = arith.constant 0 : i32
    %dma_wait3A_953 = arith.constant 0 : i32
    %dma_wait3A_954 = tpu.memref_slice %arg3[%dma_wait3A_952, %dma_wait3A_953] : memref<100000x64xf32, #tpu.memory_space<hbm>> -> memref<1x64xf32, #tpu.memory_space<hbm>>
    tpu.wait_dma2 semaphore(%arg7 : memref<!tpu.dma_semaphore, #tpu.memory_space<semaphore_mem>>) src(%dma_wait3A_954 : memref<1x64xf32, #tpu.memory_space<hbm>>) dst(%dma_wait3A_951 : memref<1x64xf32, #tpu.memory_space<vmem>>)
    %dma_wait3A_955 = arith.constant 0 : i32
    %dma_wait3A_956 = arith.constant 0 : i32
    %dma_wait3A_957 = tpu.memref_slice %arg6[%dma_wait3A_955, %dma_wait3A_956] : memref<256x64xf32, #tpu.memory_space<vmem>> -> memref<1x64xf32, #tpu.memory_space<vmem>>
    %dma_wait3A_958 = arith.constant 0 : i32
    %dma_wait3A_959 = arith.constant 0 : i32
    %dma_wait3A_960 = tpu.memref_slice %arg3[%dma_wait3A_958, %dma_wait3A_959] : memref<100000x64xf32, #tpu.memory_space<hbm>> -> memref<1x64xf32, #tpu.memory_space<hbm>>
    %dma_wait3A_961 = arith.constant 0 : i32
    %dma_wait3A_962 = arith.constant 0 : i32
    %dma_wait3A_963 = tpu.memref_slice %arg6[%dma_wait3A_961, %dma_wait3A_962] : memref<256x64xf32, #tpu.memory_space<vmem>> -> memref<1x64xf32, #tpu.memory_space<vmem>>
    %dma_wait3A_964 = arith.constant 0 : i32
    %dma_wait3A_965 = arith.constant 0 : i32
    %dma_wait3A_966 = tpu.memref_slice %arg3[%dma_wait3A_964, %dma_wait3A_965] : memref<100000x64xf32, #tpu.memory_space<hbm>> -> memref<1x64xf32, #tpu.memory_space<hbm>>
    tpu.wait_dma2 semaphore(%arg7 : memref<!tpu.dma_semaphore, #tpu.memory_space<semaphore_mem>>) src(%dma_wait3A_966 : memref<1x64xf32, #tpu.memory_space<hbm>>) dst(%dma_wait3A_963 : memref<1x64xf32, #tpu.memory_space<vmem>>)
    %dma_wait3A_967 = arith.constant 0 : i32
    %dma_wait3A_968 = arith.constant 0 : i32
    %dma_wait3A_969 = tpu.memref_slice %arg6[%dma_wait3A_967, %dma_wait3A_968] : memref<256x64xf32, #tpu.memory_space<vmem>> -> memref<1x64xf32, #tpu.memory_space<vmem>>
    %dma_wait3A_970 = arith.constant 0 : i32
    %dma_wait3A_971 = arith.constant 0 : i32
    %dma_wait3A_972 = tpu.memref_slice %arg3[%dma_wait3A_970, %dma_wait3A_971] : memref<100000x64xf32, #tpu.memory_space<hbm>> -> memref<1x64xf32, #tpu.memory_space<hbm>>
    %dma_wait3A_973 = arith.constant 0 : i32
    %dma_wait3A_974 = arith.constant 0 : i32
    %dma_wait3A_975 = tpu.memref_slice %arg6[%dma_wait3A_973, %dma_wait3A_974] : memref<256x64xf32, #tpu.memory_space<vmem>> -> memref<1x64xf32, #tpu.memory_space<vmem>>
    %dma_wait3A_976 = arith.constant 0 : i32
    %dma_wait3A_977 = arith.constant 0 : i32
    %dma_wait3A_978 = tpu.memref_slice %arg3[%dma_wait3A_976, %dma_wait3A_977] : memref<100000x64xf32, #tpu.memory_space<hbm>> -> memref<1x64xf32, #tpu.memory_space<hbm>>
    tpu.wait_dma2 semaphore(%arg7 : memref<!tpu.dma_semaphore, #tpu.memory_space<semaphore_mem>>) src(%dma_wait3A_978 : memref<1x64xf32, #tpu.memory_space<hbm>>) dst(%dma_wait3A_975 : memref<1x64xf32, #tpu.memory_space<vmem>>)
    %dma_wait3A_979 = arith.constant 0 : i32
    %dma_wait3A_980 = arith.constant 0 : i32
    %dma_wait3A_981 = tpu.memref_slice %arg6[%dma_wait3A_979, %dma_wait3A_980] : memref<256x64xf32, #tpu.memory_space<vmem>> -> memref<1x64xf32, #tpu.memory_space<vmem>>
    %dma_wait3A_982 = arith.constant 0 : i32
    %dma_wait3A_983 = arith.constant 0 : i32
    %dma_wait3A_984 = tpu.memref_slice %arg3[%dma_wait3A_982, %dma_wait3A_983] : memref<100000x64xf32, #tpu.memory_space<hbm>> -> memref<1x64xf32, #tpu.memory_space<hbm>>
    %dma_wait3A_985 = arith.constant 0 : i32
    %dma_wait3A_986 = arith.constant 0 : i32
    %dma_wait3A_987 = tpu.memref_slice %arg6[%dma_wait3A_985, %dma_wait3A_986] : memref<256x64xf32, #tpu.memory_space<vmem>> -> memref<1x64xf32, #tpu.memory_space<vmem>>
    %dma_wait3A_988 = arith.constant 0 : i32
    %dma_wait3A_989 = arith.constant 0 : i32
    %dma_wait3A_990 = tpu.memref_slice %arg3[%dma_wait3A_988, %dma_wait3A_989] : memref<100000x64xf32, #tpu.memory_space<hbm>> -> memref<1x64xf32, #tpu.memory_space<hbm>>
    tpu.wait_dma2 semaphore(%arg7 : memref<!tpu.dma_semaphore, #tpu.memory_space<semaphore_mem>>) src(%dma_wait3A_990 : memref<1x64xf32, #tpu.memory_space<hbm>>) dst(%dma_wait3A_987 : memref<1x64xf32, #tpu.memory_space<vmem>>)
    %dma_wait3A_991 = arith.constant 0 : i32
    %dma_wait3A_992 = arith.constant 0 : i32
    %dma_wait3A_993 = tpu.memref_slice %arg6[%dma_wait3A_991, %dma_wait3A_992] : memref<256x64xf32, #tpu.memory_space<vmem>> -> memref<1x64xf32, #tpu.memory_space<vmem>>
    %dma_wait3A_994 = arith.constant 0 : i32
    %dma_wait3A_995 = arith.constant 0 : i32
    %dma_wait3A_996 = tpu.memref_slice %arg3[%dma_wait3A_994, %dma_wait3A_995] : memref<100000x64xf32, #tpu.memory_space<hbm>> -> memref<1x64xf32, #tpu.memory_space<hbm>>
    %dma_wait3A_997 = arith.constant 0 : i32
    %dma_wait3A_998 = arith.constant 0 : i32
    %dma_wait3A_999 = tpu.memref_slice %arg6[%dma_wait3A_997, %dma_wait3A_998] : memref<256x64xf32, #tpu.memory_space<vmem>> -> memref<1x64xf32, #tpu.memory_space<vmem>>
    %dma_wait3A_1000 = arith.constant 0 : i32
    %dma_wait3A_1001 = arith.constant 0 : i32
    %dma_wait3A_1002 = tpu.memref_slice %arg3[%dma_wait3A_1000, %dma_wait3A_1001] : memref<100000x64xf32, #tpu.memory_space<hbm>> -> memref<1x64xf32, #tpu.memory_space<hbm>>
    tpu.wait_dma2 semaphore(%arg7 : memref<!tpu.dma_semaphore, #tpu.memory_space<semaphore_mem>>) src(%dma_wait3A_1002 : memref<1x64xf32, #tpu.memory_space<hbm>>) dst(%dma_wait3A_999 : memref<1x64xf32, #tpu.memory_space<vmem>>)
    %dma_wait3A_1003 = arith.constant 0 : i32
    %dma_wait3A_1004 = arith.constant 0 : i32
    %dma_wait3A_1005 = tpu.memref_slice %arg6[%dma_wait3A_1003, %dma_wait3A_1004] : memref<256x64xf32, #tpu.memory_space<vmem>> -> memref<1x64xf32, #tpu.memory_space<vmem>>
    %dma_wait3A_1006 = arith.constant 0 : i32
    %dma_wait3A_1007 = arith.constant 0 : i32
    %dma_wait3A_1008 = tpu.memref_slice %arg3[%dma_wait3A_1006, %dma_wait3A_1007] : memref<100000x64xf32, #tpu.memory_space<hbm>> -> memref<1x64xf32, #tpu.memory_space<hbm>>
    %dma_wait3A_1009 = arith.constant 0 : i32
    %dma_wait3A_1010 = arith.constant 0 : i32
    %dma_wait3A_1011 = tpu.memref_slice %arg6[%dma_wait3A_1009, %dma_wait3A_1010] : memref<256x64xf32, #tpu.memory_space<vmem>> -> memref<1x64xf32, #tpu.memory_space<vmem>>
    %dma_wait3A_1012 = arith.constant 0 : i32
    %dma_wait3A_1013 = arith.constant 0 : i32
    %dma_wait3A_1014 = tpu.memref_slice %arg3[%dma_wait3A_1012, %dma_wait3A_1013] : memref<100000x64xf32, #tpu.memory_space<hbm>> -> memref<1x64xf32, #tpu.memory_space<hbm>>
    tpu.wait_dma2 semaphore(%arg7 : memref<!tpu.dma_semaphore, #tpu.memory_space<semaphore_mem>>) src(%dma_wait3A_1014 : memref<1x64xf32, #tpu.memory_space<hbm>>) dst(%dma_wait3A_1011 : memref<1x64xf32, #tpu.memory_space<vmem>>)
    %dma_wait3A_1015 = arith.constant 0 : i32
    %dma_wait3A_1016 = arith.constant 0 : i32
    %dma_wait3A_1017 = tpu.memref_slice %arg6[%dma_wait3A_1015, %dma_wait3A_1016] : memref<256x64xf32, #tpu.memory_space<vmem>> -> memref<1x64xf32, #tpu.memory_space<vmem>>
    %dma_wait3A_1018 = arith.constant 0 : i32
    %dma_wait3A_1019 = arith.constant 0 : i32
    %dma_wait3A_1020 = tpu.memref_slice %arg3[%dma_wait3A_1018, %dma_wait3A_1019] : memref<100000x64xf32, #tpu.memory_space<hbm>> -> memref<1x64xf32, #tpu.memory_space<hbm>>
    %dma_wait3A_1021 = arith.constant 0 : i32
    %dma_wait3A_1022 = arith.constant 0 : i32
    %dma_wait3A_1023 = tpu.memref_slice %arg6[%dma_wait3A_1021, %dma_wait3A_1022] : memref<256x64xf32, #tpu.memory_space<vmem>> -> memref<1x64xf32, #tpu.memory_space<vmem>>
    %dma_wait3A_1024 = arith.constant 0 : i32
    %dma_wait3A_1025 = arith.constant 0 : i32
    %dma_wait3A_1026 = tpu.memref_slice %arg3[%dma_wait3A_1024, %dma_wait3A_1025] : memref<100000x64xf32, #tpu.memory_space<hbm>> -> memref<1x64xf32, #tpu.memory_space<hbm>>
    tpu.wait_dma2 semaphore(%arg7 : memref<!tpu.dma_semaphore, #tpu.memory_space<semaphore_mem>>) src(%dma_wait3A_1026 : memref<1x64xf32, #tpu.memory_space<hbm>>) dst(%dma_wait3A_1023 : memref<1x64xf32, #tpu.memory_space<vmem>>)
    %dma_wait3A_1027 = arith.constant 0 : i32
    %dma_wait3A_1028 = arith.constant 0 : i32
    %dma_wait3A_1029 = tpu.memref_slice %arg6[%dma_wait3A_1027, %dma_wait3A_1028] : memref<256x64xf32, #tpu.memory_space<vmem>> -> memref<1x64xf32, #tpu.memory_space<vmem>>
    %dma_wait3A_1030 = arith.constant 0 : i32
    %dma_wait3A_1031 = arith.constant 0 : i32
    %dma_wait3A_1032 = tpu.memref_slice %arg3[%dma_wait3A_1030, %dma_wait3A_1031] : memref<100000x64xf32, #tpu.memory_space<hbm>> -> memref<1x64xf32, #tpu.memory_space<hbm>>
    %dma_wait3A_1033 = arith.constant 0 : i32
    %dma_wait3A_1034 = arith.constant 0 : i32
    %dma_wait3A_1035 = tpu.memref_slice %arg6[%dma_wait3A_1033, %dma_wait3A_1034] : memref<256x64xf32, #tpu.memory_space<vmem>> -> memref<1x64xf32, #tpu.memory_space<vmem>>
    %dma_wait3A_1036 = arith.constant 0 : i32
    %dma_wait3A_1037 = arith.constant 0 : i32
    %dma_wait3A_1038 = tpu.memref_slice %arg3[%dma_wait3A_1036, %dma_wait3A_1037] : memref<100000x64xf32, #tpu.memory_space<hbm>> -> memref<1x64xf32, #tpu.memory_space<hbm>>
    tpu.wait_dma2 semaphore(%arg7 : memref<!tpu.dma_semaphore, #tpu.memory_space<semaphore_mem>>) src(%dma_wait3A_1038 : memref<1x64xf32, #tpu.memory_space<hbm>>) dst(%dma_wait3A_1035 : memref<1x64xf32, #tpu.memory_space<vmem>>)
    %dma_wait3A_1039 = arith.constant 0 : i32
    %dma_wait3A_1040 = arith.constant 0 : i32
    %dma_wait3A_1041 = tpu.memref_slice %arg6[%dma_wait3A_1039, %dma_wait3A_1040] : memref<256x64xf32, #tpu.memory_space<vmem>> -> memref<1x64xf32, #tpu.memory_space<vmem>>
    %dma_wait3A_1042 = arith.constant 0 : i32
    %dma_wait3A_1043 = arith.constant 0 : i32
    %dma_wait3A_1044 = tpu.memref_slice %arg3[%dma_wait3A_1042, %dma_wait3A_1043] : memref<100000x64xf32, #tpu.memory_space<hbm>> -> memref<1x64xf32, #tpu.memory_space<hbm>>
    %dma_wait3A_1045 = arith.constant 0 : i32
    %dma_wait3A_1046 = arith.constant 0 : i32
    %dma_wait3A_1047 = tpu.memref_slice %arg6[%dma_wait3A_1045, %dma_wait3A_1046] : memref<256x64xf32, #tpu.memory_space<vmem>> -> memref<1x64xf32, #tpu.memory_space<vmem>>
    %dma_wait3A_1048 = arith.constant 0 : i32
    %dma_wait3A_1049 = arith.constant 0 : i32
    %dma_wait3A_1050 = tpu.memref_slice %arg3[%dma_wait3A_1048, %dma_wait3A_1049] : memref<100000x64xf32, #tpu.memory_space<hbm>> -> memref<1x64xf32, #tpu.memory_space<hbm>>
    tpu.wait_dma2 semaphore(%arg7 : memref<!tpu.dma_semaphore, #tpu.memory_space<semaphore_mem>>) src(%dma_wait3A_1050 : memref<1x64xf32, #tpu.memory_space<hbm>>) dst(%dma_wait3A_1047 : memref<1x64xf32, #tpu.memory_space<vmem>>)
    %dma_wait3A_1051 = arith.constant 0 : i32
    %dma_wait3A_1052 = arith.constant 0 : i32
    %dma_wait3A_1053 = tpu.memref_slice %arg6[%dma_wait3A_1051, %dma_wait3A_1052] : memref<256x64xf32, #tpu.memory_space<vmem>> -> memref<1x64xf32, #tpu.memory_space<vmem>>
    %dma_wait3A_1054 = arith.constant 0 : i32
    %dma_wait3A_1055 = arith.constant 0 : i32
    %dma_wait3A_1056 = tpu.memref_slice %arg3[%dma_wait3A_1054, %dma_wait3A_1055] : memref<100000x64xf32, #tpu.memory_space<hbm>> -> memref<1x64xf32, #tpu.memory_space<hbm>>
    %dma_wait3A_1057 = arith.constant 0 : i32
    %dma_wait3A_1058 = arith.constant 0 : i32
    %dma_wait3A_1059 = tpu.memref_slice %arg6[%dma_wait3A_1057, %dma_wait3A_1058] : memref<256x64xf32, #tpu.memory_space<vmem>> -> memref<1x64xf32, #tpu.memory_space<vmem>>
    %dma_wait3A_1060 = arith.constant 0 : i32
    %dma_wait3A_1061 = arith.constant 0 : i32
    %dma_wait3A_1062 = tpu.memref_slice %arg3[%dma_wait3A_1060, %dma_wait3A_1061] : memref<100000x64xf32, #tpu.memory_space<hbm>> -> memref<1x64xf32, #tpu.memory_space<hbm>>
    tpu.wait_dma2 semaphore(%arg7 : memref<!tpu.dma_semaphore, #tpu.memory_space<semaphore_mem>>) src(%dma_wait3A_1062 : memref<1x64xf32, #tpu.memory_space<hbm>>) dst(%dma_wait3A_1059 : memref<1x64xf32, #tpu.memory_space<vmem>>)
    %dma_wait3A_1063 = arith.constant 0 : i32
    %dma_wait3A_1064 = arith.constant 0 : i32
    %dma_wait3A_1065 = tpu.memref_slice %arg6[%dma_wait3A_1063, %dma_wait3A_1064] : memref<256x64xf32, #tpu.memory_space<vmem>> -> memref<1x64xf32, #tpu.memory_space<vmem>>
    %dma_wait3A_1066 = arith.constant 0 : i32
    %dma_wait3A_1067 = arith.constant 0 : i32
    %dma_wait3A_1068 = tpu.memref_slice %arg3[%dma_wait3A_1066, %dma_wait3A_1067] : memref<100000x64xf32, #tpu.memory_space<hbm>> -> memref<1x64xf32, #tpu.memory_space<hbm>>
    %dma_wait3A_1069 = arith.constant 0 : i32
    %dma_wait3A_1070 = arith.constant 0 : i32
    %dma_wait3A_1071 = tpu.memref_slice %arg6[%dma_wait3A_1069, %dma_wait3A_1070] : memref<256x64xf32, #tpu.memory_space<vmem>> -> memref<1x64xf32, #tpu.memory_space<vmem>>
    %dma_wait3A_1072 = arith.constant 0 : i32
    %dma_wait3A_1073 = arith.constant 0 : i32
    %dma_wait3A_1074 = tpu.memref_slice %arg3[%dma_wait3A_1072, %dma_wait3A_1073] : memref<100000x64xf32, #tpu.memory_space<hbm>> -> memref<1x64xf32, #tpu.memory_space<hbm>>
    tpu.wait_dma2 semaphore(%arg7 : memref<!tpu.dma_semaphore, #tpu.memory_space<semaphore_mem>>) src(%dma_wait3A_1074 : memref<1x64xf32, #tpu.memory_space<hbm>>) dst(%dma_wait3A_1071 : memref<1x64xf32, #tpu.memory_space<vmem>>)
    %dma_wait3A_1075 = arith.constant 0 : i32
    %dma_wait3A_1076 = arith.constant 0 : i32
    %dma_wait3A_1077 = tpu.memref_slice %arg6[%dma_wait3A_1075, %dma_wait3A_1076] : memref<256x64xf32, #tpu.memory_space<vmem>> -> memref<1x64xf32, #tpu.memory_space<vmem>>
    %dma_wait3A_1078 = arith.constant 0 : i32
    %dma_wait3A_1079 = arith.constant 0 : i32
    %dma_wait3A_1080 = tpu.memref_slice %arg3[%dma_wait3A_1078, %dma_wait3A_1079] : memref<100000x64xf32, #tpu.memory_space<hbm>> -> memref<1x64xf32, #tpu.memory_space<hbm>>
    %dma_wait3A_1081 = arith.constant 0 : i32
    %dma_wait3A_1082 = arith.constant 0 : i32
    %dma_wait3A_1083 = tpu.memref_slice %arg6[%dma_wait3A_1081, %dma_wait3A_1082] : memref<256x64xf32, #tpu.memory_space<vmem>> -> memref<1x64xf32, #tpu.memory_space<vmem>>
    %dma_wait3A_1084 = arith.constant 0 : i32
    %dma_wait3A_1085 = arith.constant 0 : i32
    %dma_wait3A_1086 = tpu.memref_slice %arg3[%dma_wait3A_1084, %dma_wait3A_1085] : memref<100000x64xf32, #tpu.memory_space<hbm>> -> memref<1x64xf32, #tpu.memory_space<hbm>>
    tpu.wait_dma2 semaphore(%arg7 : memref<!tpu.dma_semaphore, #tpu.memory_space<semaphore_mem>>) src(%dma_wait3A_1086 : memref<1x64xf32, #tpu.memory_space<hbm>>) dst(%dma_wait3A_1083 : memref<1x64xf32, #tpu.memory_space<vmem>>)
    %dma_wait3A_1087 = arith.constant 0 : i32
    %dma_wait3A_1088 = arith.constant 0 : i32
    %dma_wait3A_1089 = tpu.memref_slice %arg6[%dma_wait3A_1087, %dma_wait3A_1088] : memref<256x64xf32, #tpu.memory_space<vmem>> -> memref<1x64xf32, #tpu.memory_space<vmem>>
    %dma_wait3A_1090 = arith.constant 0 : i32
    %dma_wait3A_1091 = arith.constant 0 : i32
    %dma_wait3A_1092 = tpu.memref_slice %arg3[%dma_wait3A_1090, %dma_wait3A_1091] : memref<100000x64xf32, #tpu.memory_space<hbm>> -> memref<1x64xf32, #tpu.memory_space<hbm>>
    %dma_wait3A_1093 = arith.constant 0 : i32
    %dma_wait3A_1094 = arith.constant 0 : i32
    %dma_wait3A_1095 = tpu.memref_slice %arg6[%dma_wait3A_1093, %dma_wait3A_1094] : memref<256x64xf32, #tpu.memory_space<vmem>> -> memref<1x64xf32, #tpu.memory_space<vmem>>
    %dma_wait3A_1096 = arith.constant 0 : i32
    %dma_wait3A_1097 = arith.constant 0 : i32
    %dma_wait3A_1098 = tpu.memref_slice %arg3[%dma_wait3A_1096, %dma_wait3A_1097] : memref<100000x64xf32, #tpu.memory_space<hbm>> -> memref<1x64xf32, #tpu.memory_space<hbm>>
    tpu.wait_dma2 semaphore(%arg7 : memref<!tpu.dma_semaphore, #tpu.memory_space<semaphore_mem>>) src(%dma_wait3A_1098 : memref<1x64xf32, #tpu.memory_space<hbm>>) dst(%dma_wait3A_1095 : memref<1x64xf32, #tpu.memory_space<vmem>>)
    %dma_wait3A_1099 = arith.constant 0 : i32
    %dma_wait3A_1100 = arith.constant 0 : i32
    %dma_wait3A_1101 = tpu.memref_slice %arg6[%dma_wait3A_1099, %dma_wait3A_1100] : memref<256x64xf32, #tpu.memory_space<vmem>> -> memref<1x64xf32, #tpu.memory_space<vmem>>
    %dma_wait3A_1102 = arith.constant 0 : i32
    %dma_wait3A_1103 = arith.constant 0 : i32
    %dma_wait3A_1104 = tpu.memref_slice %arg3[%dma_wait3A_1102, %dma_wait3A_1103] : memref<100000x64xf32, #tpu.memory_space<hbm>> -> memref<1x64xf32, #tpu.memory_space<hbm>>
    %dma_wait3A_1105 = arith.constant 0 : i32
    %dma_wait3A_1106 = arith.constant 0 : i32
    %dma_wait3A_1107 = tpu.memref_slice %arg6[%dma_wait3A_1105, %dma_wait3A_1106] : memref<256x64xf32, #tpu.memory_space<vmem>> -> memref<1x64xf32, #tpu.memory_space<vmem>>
    %dma_wait3A_1108 = arith.constant 0 : i32
    %dma_wait3A_1109 = arith.constant 0 : i32
    %dma_wait3A_1110 = tpu.memref_slice %arg3[%dma_wait3A_1108, %dma_wait3A_1109] : memref<100000x64xf32, #tpu.memory_space<hbm>> -> memref<1x64xf32, #tpu.memory_space<hbm>>
    tpu.wait_dma2 semaphore(%arg7 : memref<!tpu.dma_semaphore, #tpu.memory_space<semaphore_mem>>) src(%dma_wait3A_1110 : memref<1x64xf32, #tpu.memory_space<hbm>>) dst(%dma_wait3A_1107 : memref<1x64xf32, #tpu.memory_space<vmem>>)
    %dma_wait3A_1111 = arith.constant 0 : i32
    %dma_wait3A_1112 = arith.constant 0 : i32
    %dma_wait3A_1113 = tpu.memref_slice %arg6[%dma_wait3A_1111, %dma_wait3A_1112] : memref<256x64xf32, #tpu.memory_space<vmem>> -> memref<1x64xf32, #tpu.memory_space<vmem>>
    %dma_wait3A_1114 = arith.constant 0 : i32
    %dma_wait3A_1115 = arith.constant 0 : i32
    %dma_wait3A_1116 = tpu.memref_slice %arg3[%dma_wait3A_1114, %dma_wait3A_1115] : memref<100000x64xf32, #tpu.memory_space<hbm>> -> memref<1x64xf32, #tpu.memory_space<hbm>>
    %dma_wait3A_1117 = arith.constant 0 : i32
    %dma_wait3A_1118 = arith.constant 0 : i32
    %dma_wait3A_1119 = tpu.memref_slice %arg6[%dma_wait3A_1117, %dma_wait3A_1118] : memref<256x64xf32, #tpu.memory_space<vmem>> -> memref<1x64xf32, #tpu.memory_space<vmem>>
    %dma_wait3A_1120 = arith.constant 0 : i32
    %dma_wait3A_1121 = arith.constant 0 : i32
    %dma_wait3A_1122 = tpu.memref_slice %arg3[%dma_wait3A_1120, %dma_wait3A_1121] : memref<100000x64xf32, #tpu.memory_space<hbm>> -> memref<1x64xf32, #tpu.memory_space<hbm>>
    tpu.wait_dma2 semaphore(%arg7 : memref<!tpu.dma_semaphore, #tpu.memory_space<semaphore_mem>>) src(%dma_wait3A_1122 : memref<1x64xf32, #tpu.memory_space<hbm>>) dst(%dma_wait3A_1119 : memref<1x64xf32, #tpu.memory_space<vmem>>)
    %dma_wait3A_1123 = arith.constant 0 : i32
    %dma_wait3A_1124 = arith.constant 0 : i32
    %dma_wait3A_1125 = tpu.memref_slice %arg6[%dma_wait3A_1123, %dma_wait3A_1124] : memref<256x64xf32, #tpu.memory_space<vmem>> -> memref<1x64xf32, #tpu.memory_space<vmem>>
    %dma_wait3A_1126 = arith.constant 0 : i32
    %dma_wait3A_1127 = arith.constant 0 : i32
    %dma_wait3A_1128 = tpu.memref_slice %arg3[%dma_wait3A_1126, %dma_wait3A_1127] : memref<100000x64xf32, #tpu.memory_space<hbm>> -> memref<1x64xf32, #tpu.memory_space<hbm>>
    %dma_wait3A_1129 = arith.constant 0 : i32
    %dma_wait3A_1130 = arith.constant 0 : i32
    %dma_wait3A_1131 = tpu.memref_slice %arg6[%dma_wait3A_1129, %dma_wait3A_1130] : memref<256x64xf32, #tpu.memory_space<vmem>> -> memref<1x64xf32, #tpu.memory_space<vmem>>
    %dma_wait3A_1132 = arith.constant 0 : i32
    %dma_wait3A_1133 = arith.constant 0 : i32
    %dma_wait3A_1134 = tpu.memref_slice %arg3[%dma_wait3A_1132, %dma_wait3A_1133] : memref<100000x64xf32, #tpu.memory_space<hbm>> -> memref<1x64xf32, #tpu.memory_space<hbm>>
    tpu.wait_dma2 semaphore(%arg7 : memref<!tpu.dma_semaphore, #tpu.memory_space<semaphore_mem>>) src(%dma_wait3A_1134 : memref<1x64xf32, #tpu.memory_space<hbm>>) dst(%dma_wait3A_1131 : memref<1x64xf32, #tpu.memory_space<vmem>>)
    %dma_wait3A_1135 = arith.constant 0 : i32
    %dma_wait3A_1136 = arith.constant 0 : i32
    %dma_wait3A_1137 = tpu.memref_slice %arg6[%dma_wait3A_1135, %dma_wait3A_1136] : memref<256x64xf32, #tpu.memory_space<vmem>> -> memref<1x64xf32, #tpu.memory_space<vmem>>
    %dma_wait3A_1138 = arith.constant 0 : i32
    %dma_wait3A_1139 = arith.constant 0 : i32
    %dma_wait3A_1140 = tpu.memref_slice %arg3[%dma_wait3A_1138, %dma_wait3A_1139] : memref<100000x64xf32, #tpu.memory_space<hbm>> -> memref<1x64xf32, #tpu.memory_space<hbm>>
    %dma_wait3A_1141 = arith.constant 0 : i32
    %dma_wait3A_1142 = arith.constant 0 : i32
    %dma_wait3A_1143 = tpu.memref_slice %arg6[%dma_wait3A_1141, %dma_wait3A_1142] : memref<256x64xf32, #tpu.memory_space<vmem>> -> memref<1x64xf32, #tpu.memory_space<vmem>>
    %dma_wait3A_1144 = arith.constant 0 : i32
    %dma_wait3A_1145 = arith.constant 0 : i32
    %dma_wait3A_1146 = tpu.memref_slice %arg3[%dma_wait3A_1144, %dma_wait3A_1145] : memref<100000x64xf32, #tpu.memory_space<hbm>> -> memref<1x64xf32, #tpu.memory_space<hbm>>
    tpu.wait_dma2 semaphore(%arg7 : memref<!tpu.dma_semaphore, #tpu.memory_space<semaphore_mem>>) src(%dma_wait3A_1146 : memref<1x64xf32, #tpu.memory_space<hbm>>) dst(%dma_wait3A_1143 : memref<1x64xf32, #tpu.memory_space<vmem>>)
    %dma_wait3A_1147 = arith.constant 0 : i32
    %dma_wait3A_1148 = arith.constant 0 : i32
    %dma_wait3A_1149 = tpu.memref_slice %arg6[%dma_wait3A_1147, %dma_wait3A_1148] : memref<256x64xf32, #tpu.memory_space<vmem>> -> memref<1x64xf32, #tpu.memory_space<vmem>>
    %dma_wait3A_1150 = arith.constant 0 : i32
    %dma_wait3A_1151 = arith.constant 0 : i32
    %dma_wait3A_1152 = tpu.memref_slice %arg3[%dma_wait3A_1150, %dma_wait3A_1151] : memref<100000x64xf32, #tpu.memory_space<hbm>> -> memref<1x64xf32, #tpu.memory_space<hbm>>
    %dma_wait3A_1153 = arith.constant 0 : i32
    %dma_wait3A_1154 = arith.constant 0 : i32
    %dma_wait3A_1155 = tpu.memref_slice %arg6[%dma_wait3A_1153, %dma_wait3A_1154] : memref<256x64xf32, #tpu.memory_space<vmem>> -> memref<1x64xf32, #tpu.memory_space<vmem>>
    %dma_wait3A_1156 = arith.constant 0 : i32
    %dma_wait3A_1157 = arith.constant 0 : i32
    %dma_wait3A_1158 = tpu.memref_slice %arg3[%dma_wait3A_1156, %dma_wait3A_1157] : memref<100000x64xf32, #tpu.memory_space<hbm>> -> memref<1x64xf32, #tpu.memory_space<hbm>>
    tpu.wait_dma2 semaphore(%arg7 : memref<!tpu.dma_semaphore, #tpu.memory_space<semaphore_mem>>) src(%dma_wait3A_1158 : memref<1x64xf32, #tpu.memory_space<hbm>>) dst(%dma_wait3A_1155 : memref<1x64xf32, #tpu.memory_space<vmem>>)
    %dma_wait3A_1159 = arith.constant 0 : i32
    %dma_wait3A_1160 = arith.constant 0 : i32
    %dma_wait3A_1161 = tpu.memref_slice %arg6[%dma_wait3A_1159, %dma_wait3A_1160] : memref<256x64xf32, #tpu.memory_space<vmem>> -> memref<1x64xf32, #tpu.memory_space<vmem>>
    %dma_wait3A_1162 = arith.constant 0 : i32
    %dma_wait3A_1163 = arith.constant 0 : i32
    %dma_wait3A_1164 = tpu.memref_slice %arg3[%dma_wait3A_1162, %dma_wait3A_1163] : memref<100000x64xf32, #tpu.memory_space<hbm>> -> memref<1x64xf32, #tpu.memory_space<hbm>>
    %dma_wait3A_1165 = arith.constant 0 : i32
    %dma_wait3A_1166 = arith.constant 0 : i32
    %dma_wait3A_1167 = tpu.memref_slice %arg6[%dma_wait3A_1165, %dma_wait3A_1166] : memref<256x64xf32, #tpu.memory_space<vmem>> -> memref<1x64xf32, #tpu.memory_space<vmem>>
    %dma_wait3A_1168 = arith.constant 0 : i32
    %dma_wait3A_1169 = arith.constant 0 : i32
    %dma_wait3A_1170 = tpu.memref_slice %arg3[%dma_wait3A_1168, %dma_wait3A_1169] : memref<100000x64xf32, #tpu.memory_space<hbm>> -> memref<1x64xf32, #tpu.memory_space<hbm>>
    tpu.wait_dma2 semaphore(%arg7 : memref<!tpu.dma_semaphore, #tpu.memory_space<semaphore_mem>>) src(%dma_wait3A_1170 : memref<1x64xf32, #tpu.memory_space<hbm>>) dst(%dma_wait3A_1167 : memref<1x64xf32, #tpu.memory_space<vmem>>)
    %dma_wait3A_1171 = arith.constant 0 : i32
    %dma_wait3A_1172 = arith.constant 0 : i32
    %dma_wait3A_1173 = tpu.memref_slice %arg6[%dma_wait3A_1171, %dma_wait3A_1172] : memref<256x64xf32, #tpu.memory_space<vmem>> -> memref<1x64xf32, #tpu.memory_space<vmem>>
    %dma_wait3A_1174 = arith.constant 0 : i32
    %dma_wait3A_1175 = arith.constant 0 : i32
    %dma_wait3A_1176 = tpu.memref_slice %arg3[%dma_wait3A_1174, %dma_wait3A_1175] : memref<100000x64xf32, #tpu.memory_space<hbm>> -> memref<1x64xf32, #tpu.memory_space<hbm>>
    %dma_wait3A_1177 = arith.constant 0 : i32
    %dma_wait3A_1178 = arith.constant 0 : i32
    %dma_wait3A_1179 = tpu.memref_slice %arg6[%dma_wait3A_1177, %dma_wait3A_1178] : memref<256x64xf32, #tpu.memory_space<vmem>> -> memref<1x64xf32, #tpu.memory_space<vmem>>
    %dma_wait3A_1180 = arith.constant 0 : i32
    %dma_wait3A_1181 = arith.constant 0 : i32
    %dma_wait3A_1182 = tpu.memref_slice %arg3[%dma_wait3A_1180, %dma_wait3A_1181] : memref<100000x64xf32, #tpu.memory_space<hbm>> -> memref<1x64xf32, #tpu.memory_space<hbm>>
    tpu.wait_dma2 semaphore(%arg7 : memref<!tpu.dma_semaphore, #tpu.memory_space<semaphore_mem>>) src(%dma_wait3A_1182 : memref<1x64xf32, #tpu.memory_space<hbm>>) dst(%dma_wait3A_1179 : memref<1x64xf32, #tpu.memory_space<vmem>>)
    %dma_wait3A_1183 = arith.constant 0 : i32
    %dma_wait3A_1184 = arith.constant 0 : i32
    %dma_wait3A_1185 = tpu.memref_slice %arg6[%dma_wait3A_1183, %dma_wait3A_1184] : memref<256x64xf32, #tpu.memory_space<vmem>> -> memref<1x64xf32, #tpu.memory_space<vmem>>
    %dma_wait3A_1186 = arith.constant 0 : i32
    %dma_wait3A_1187 = arith.constant 0 : i32
    %dma_wait3A_1188 = tpu.memref_slice %arg3[%dma_wait3A_1186, %dma_wait3A_1187] : memref<100000x64xf32, #tpu.memory_space<hbm>> -> memref<1x64xf32, #tpu.memory_space<hbm>>
    %dma_wait3A_1189 = arith.constant 0 : i32
    %dma_wait3A_1190 = arith.constant 0 : i32
    %dma_wait3A_1191 = tpu.memref_slice %arg6[%dma_wait3A_1189, %dma_wait3A_1190] : memref<256x64xf32, #tpu.memory_space<vmem>> -> memref<1x64xf32, #tpu.memory_space<vmem>>
    %dma_wait3A_1192 = arith.constant 0 : i32
    %dma_wait3A_1193 = arith.constant 0 : i32
    %dma_wait3A_1194 = tpu.memref_slice %arg3[%dma_wait3A_1192, %dma_wait3A_1193] : memref<100000x64xf32, #tpu.memory_space<hbm>> -> memref<1x64xf32, #tpu.memory_space<hbm>>
    tpu.wait_dma2 semaphore(%arg7 : memref<!tpu.dma_semaphore, #tpu.memory_space<semaphore_mem>>) src(%dma_wait3A_1194 : memref<1x64xf32, #tpu.memory_space<hbm>>) dst(%dma_wait3A_1191 : memref<1x64xf32, #tpu.memory_space<vmem>>)
    "tpu.region"() ({
      %run_scoped3A = tpu.sem_alloc : memref<!tpu.dma_semaphore, #tpu.memory_space<semaphore_mem>>
      %dma_start3A_1195 = arith.constant 0 : i32
      %dma_start3A_1196 = tpu.memref_slice %arg4[%mul3A_34, %dma_start3A_1195] : memref<8192x64xf32, #tpu.memory_space<hbm>> -> memref<256x64xf32, #tpu.memory_space<hbm>>
      %dma_start3A_1197 = arith.constant 0 : i32
      %dma_start3A_1198 = tpu.memref_slice %arg4[%mul3A_34, %dma_start3A_1197] : memref<8192x64xf32, #tpu.memory_space<hbm>> -> memref<256x64xf32, #tpu.memory_space<hbm>>
      tpu.enqueue_dma source(%arg6 : memref<256x64xf32, #tpu.memory_space<vmem>>) target(%dma_start3A_1198 : memref<256x64xf32, #tpu.memory_space<hbm>>) target_semaphore(%run_scoped3A : memref<!tpu.dma_semaphore, #tpu.memory_space<semaphore_mem>>)
      %dma_wait3A_1199 = arith.constant 0 : i32
      %dma_wait3A_1200 = tpu.memref_slice %arg4[%mul3A_34, %dma_wait3A_1199] : memref<8192x64xf32, #tpu.memory_space<hbm>> -> memref<256x64xf32, #tpu.memory_space<hbm>>
      %dma_wait3A_1201 = arith.constant 0 : i32
      %dma_wait3A_1202 = tpu.memref_slice %arg4[%mul3A_34, %dma_wait3A_1201] : memref<8192x64xf32, #tpu.memory_space<hbm>> -> memref<256x64xf32, #tpu.memory_space<hbm>>
      tpu.wait_dma2 semaphore(%run_scoped3A : memref<!tpu.dma_semaphore, #tpu.memory_space<semaphore_mem>>) src(%arg6 : memref<256x64xf32, #tpu.memory_space<vmem>>) dst(%dma_wait3A_1202 : memref<256x64xf32, #tpu.memory_space<hbm>>)
      tpu.yield
    }) : () -> ()
    return
  }
}

module attributes {stable_mosaic.version = 14 : i64} {
  func.func @_tc_body(%arg0: i32, %arg1: i32, %arg2: memref<1024x64xf32, #tpu.memory_space<vmem>>, %arg3: memref<1024x64xf32, #tpu.memory_space<vmem>>, %arg4: memref<64x768xf32, #tpu.memory_space<vmem>>, %arg5: memref<64x768xf32, #tpu.memory_space<vmem>>, %arg6: memref<1x768xf32, #tpu.memory_space<vmem>>, %arg7: memref<1x768xf32, #tpu.memory_space<vmem>>, %arg8: memref<1x768xf32, #tpu.memory_space<vmem>>, %arg9: memref<1x1024x768xf32, #tpu.memory_space<vmem>>) attributes {dimension_semantics = [#tpu.dimension_semantics<arbitrary>, #tpu.dimension_semantics<arbitrary>], iteration_bounds = array<i64: 2, 4>, scalar_prefetch = 0 : i64, scratch_operands = 0 : i64, tpu.core_type = #tpu.core_type<tc>, window_params = [{transform_indices = @transform_0, window_bounds = array<i64: 1024, 64>}, {transform_indices = @transform_1, window_bounds = array<i64: 1024, 64>}, {pipeline_mode = #tpu.pipeline_mode<synchronous>, transform_indices = @transform_2, window_bounds = array<i64: 64, 768>}, {pipeline_mode = #tpu.pipeline_mode<synchronous>, transform_indices = @transform_3, window_bounds = array<i64: 64, 768>}, {pipeline_mode = #tpu.pipeline_mode<synchronous>, transform_indices = @transform_4, window_bounds = array<i64: 1, 768>}, {pipeline_mode = #tpu.pipeline_mode<synchronous>, transform_indices = @transform_5, window_bounds = array<i64: 1, 768>}, {pipeline_mode = #tpu.pipeline_mode<synchronous>, transform_indices = @transform_6, window_bounds = array<i64: 1, 768>}, {transform_indices = @transform_7, window_bounds = array<i64: 1, 1024, 768>}]} {
    %get3A = arith.constant 0 : index
    %get3A_0 = arith.constant 0 : index
    %get3A_1 = vector.load %arg2[%get3A, %get3A_0] : memref<1024x64xf32, #tpu.memory_space<vmem>>, vector<1024x64xf32>
    %ge3A = arith.constant 0.000000e+00 : f32
    %ge3A_2 = vector.broadcast %ge3A : f32 to vector<1024x64xf32>
    %ge3A_3 = arith.cmpf oge, %get3A_1, %ge3A_2 : vector<1024x64xf32>
    %mul3A = arith.constant 2.000000e-01 : f32
    %mul3A_4 = vector.broadcast %mul3A : f32 to vector<1024x64xf32>
    %mul3A_5 = arith.mulf %mul3A_4, %get3A_1 : vector<1024x64xf32>
    %select_n3A = arith.select %ge3A_3, %get3A_1, %mul3A_5 : vector<1024x64xi1>, vector<1024x64xf32>
    %get3A_6 = arith.constant 0 : index
    %get3A_7 = arith.constant 0 : index
    %get3A_8 = vector.load %arg3[%get3A_6, %get3A_7] : memref<1024x64xf32, #tpu.memory_space<vmem>>, vector<1024x64xf32>
    %ge3A_9 = arith.constant 0.000000e+00 : f32
    %ge3A_10 = vector.broadcast %ge3A_9 : f32 to vector<1024x64xf32>
    %ge3A_11 = arith.cmpf oge, %get3A_8, %ge3A_10 : vector<1024x64xf32>
    %mul3A_12 = arith.constant 2.000000e-01 : f32
    %mul3A_13 = vector.broadcast %mul3A_12 : f32 to vector<1024x64xf32>
    %mul3A_14 = arith.mulf %mul3A_13, %get3A_8 : vector<1024x64xf32>
    %select_n3A_15 = arith.select %ge3A_11, %get3A_8, %mul3A_14 : vector<1024x64xi1>, vector<1024x64xf32>
    %get3A_16 = arith.constant 0 : index
    %get3A_17 = arith.constant 0 : index
    %get3A_18 = vector.load %arg4[%get3A_16, %get3A_17] : memref<64x768xf32, #tpu.memory_space<vmem>>, vector<64x768xf32>
    %dot_general3A = arith.constant dense<0.000000e+00> : vector<1024x768xf32>
    %dot_general3A_19 = tpu.matmul %select_n3A, %get3A_18, %dot_general3A {dimension_numbers = #tpu.dot_dimension_numbers<[1], [0], [0], [1], [0, 0, 1, 1], [], []>, transpose_lhs_hint = false} : vector<1024x64xf32>, vector<64x768xf32>, vector<1024x768xf32> -> vector<1024x768xf32>
    %get3A_20 = arith.constant 0 : index
    %get3A_21 = arith.constant 0 : index
    %get3A_22 = vector.load %arg5[%get3A_20, %get3A_21] : memref<64x768xf32, #tpu.memory_space<vmem>>, vector<64x768xf32>
    %dot_general3A_23 = arith.constant dense<0.000000e+00> : vector<1024x768xf32>
    %dot_general3A_24 = tpu.matmul %select_n3A_15, %get3A_22, %dot_general3A_23 {dimension_numbers = #tpu.dot_dimension_numbers<[1], [0], [0], [1], [0, 0, 1, 1], [], []>, transpose_lhs_hint = false} : vector<1024x64xf32>, vector<64x768xf32>, vector<1024x768xf32> -> vector<1024x768xf32>
    %add3A = arith.addf %dot_general3A_19, %dot_general3A_24 : vector<1024x768xf32>
    %get3A_25 = arith.constant 0 : index
    %get3A_26 = arith.constant 0 : index
    %get3A_27 = vector.load %arg6[%get3A_25, %get3A_26] : memref<1x768xf32, #tpu.memory_space<vmem>>, vector<1x768xf32>
    %add3A_28 = vector.broadcast %get3A_27 : vector<1x768xf32> to vector<1024x768xf32>
    %add3A_29 = arith.addf %add3A, %add3A_28 : vector<1024x768xf32>
    %reduce_sum3A = arith.constant dense<0.000000e+00> : vector<1024xf32>
    %reduce_sum3A_30 = vector.multi_reduction <add>, %add3A_29, %reduce_sum3A [1] : vector<1024x768xf32> to vector<1024xf32>
    %broadcast_in_dim3A = vector.shape_cast %reduce_sum3A_30 : vector<1024xf32> to vector<1024x1xf32>
    %div3A = arith.constant 7.680000e+02 : f32
    %div3A_31 = vector.broadcast %div3A : f32 to vector<1024x1xf32>
    %div3A_32 = arith.divf %broadcast_in_dim3A, %div3A_31 : vector<1024x1xf32>
    %sub3A = vector.broadcast %div3A_32 : vector<1024x1xf32> to vector<1024x768xf32>
    %sub3A_33 = arith.subf %add3A_29, %sub3A : vector<1024x768xf32>
    %mul3A_34 = arith.mulf %sub3A_33, %sub3A_33 : vector<1024x768xf32>
    %reduce_sum3A_35 = arith.constant dense<0.000000e+00> : vector<1024xf32>
    %reduce_sum3A_36 = vector.multi_reduction <add>, %mul3A_34, %reduce_sum3A_35 [1] : vector<1024x768xf32> to vector<1024xf32>
    %broadcast_in_dim3A_37 = vector.shape_cast %reduce_sum3A_36 : vector<1024xf32> to vector<1024x1xf32>
    %div3A_38 = arith.constant 7.680000e+02 : f32
    %div3A_39 = vector.broadcast %div3A_38 : f32 to vector<1024x1xf32>
    %div3A_40 = arith.divf %broadcast_in_dim3A_37, %div3A_39 : vector<1024x1xf32>
    %add3A_41 = arith.constant 9.99999996E-13 : f32
    %add3A_42 = vector.broadcast %add3A_41 : f32 to vector<1024x1xf32>
    %add3A_43 = arith.addf %div3A_40, %add3A_42 : vector<1024x1xf32>
    %rsqrt3A = math.rsqrt %add3A_43 : vector<1024x1xf32>
    %get3A_44 = arith.constant 0 : index
    %get3A_45 = arith.constant 0 : index
    %get3A_46 = vector.load %arg7[%get3A_44, %get3A_45] : memref<1x768xf32, #tpu.memory_space<vmem>>, vector<1x768xf32>
    %mul3A_47 = vector.broadcast %rsqrt3A : vector<1024x1xf32> to vector<1024x768xf32>
    %mul3A_48 = arith.mulf %sub3A_33, %mul3A_47 : vector<1024x768xf32>
    %mul3A_49 = vector.broadcast %get3A_46 : vector<1x768xf32> to vector<1024x768xf32>
    %mul3A_50 = arith.mulf %mul3A_49, %mul3A_48 : vector<1024x768xf32>
    %get3A_51 = arith.constant 0 : index
    %get3A_52 = arith.constant 0 : index
    %get3A_53 = vector.load %arg8[%get3A_51, %get3A_52] : memref<1x768xf32, #tpu.memory_space<vmem>>, vector<1x768xf32>
    %add3A_54 = vector.broadcast %get3A_53 : vector<1x768xf32> to vector<1024x768xf32>
    %add3A_55 = arith.addf %mul3A_50, %add3A_54 : vector<1024x768xf32>
    %swap3A = arith.constant 0 : index
    %swap3A_56 = arith.constant 0 : index
    %swap3A_57 = arith.constant 0 : index
    %swap3A_58 = vector.load %arg9[%swap3A, %swap3A_56, %swap3A_57] : memref<1x1024x768xf32, #tpu.memory_space<vmem>>, vector<1x1024x768xf32>
    %swap3A_59 = vector.shape_cast %swap3A_58 : vector<1x1024x768xf32> to vector<1024x768xf32>
    %swap3A_60 = vector.shape_cast %add3A_55 : vector<1024x768xf32> to vector<1x1024x768xf32>
    tpu.vector_store %arg9[%swap3A, %swap3A_56, %swap3A_57], %swap3A_60 {strides = array<i32>} : memref<1x1024x768xf32, #tpu.memory_space<vmem>>, vector<1x1024x768xf32>,
    return
  }
  func.func @transform_0(%arg0: i32, %arg1: i32) -> (i32, i32) {
    %mul3A = arith.constant 2 : i32
    %mul3A_0 = arith.muli %arg1, %mul3A : i32
    %add3A = arith.addi %mul3A_0, %arg0 : i32
    %c0_i32 = arith.constant 0 : i32
    %c0_i32_1 = arith.constant 0 : i32
    return %add3A, %c0_i32 : i32, i32
  }
  func.func @transform_1(%arg0: i32, %arg1: i32) -> (i32, i32) {
    %c0_i32 = arith.constant 0 : i32
    %c0_i32_0 = arith.constant 0 : i32
    return %arg0, %c0_i32 : i32, i32
  }
  func.func @transform_2(%arg0: i32, %arg1: i32) -> (i32, i32) {
    %c0_i32 = arith.constant 0 : i32
    %c0_i32_0 = arith.constant 0 : i32
    %c0_i32_1 = arith.constant 0 : i32
    return %c0_i32, %c0_i32_0 : i32, i32
  }
  func.func @transform_3(%arg0: i32, %arg1: i32) -> (i32, i32) {
    %c0_i32 = arith.constant 0 : i32
    %c0_i32_0 = arith.constant 0 : i32
    %c0_i32_1 = arith.constant 0 : i32
    return %c0_i32, %c0_i32_0 : i32, i32
  }
  func.func @transform_4(%arg0: i32, %arg1: i32) -> (i32, i32) {
    %c0_i32 = arith.constant 0 : i32
    %c0_i32_0 = arith.constant 0 : i32
    %c0_i32_1 = arith.constant 0 : i32
    return %c0_i32, %c0_i32_0 : i32, i32
  }
  func.func @transform_5(%arg0: i32, %arg1: i32) -> (i32, i32) {
    %c0_i32 = arith.constant 0 : i32
    %c0_i32_0 = arith.constant 0 : i32
    %c0_i32_1 = arith.constant 0 : i32
    return %c0_i32, %c0_i32_0 : i32, i32
  }
  func.func @transform_6(%arg0: i32, %arg1: i32) -> (i32, i32) {
    %c0_i32 = arith.constant 0 : i32
    %c0_i32_0 = arith.constant 0 : i32
    %c0_i32_1 = arith.constant 0 : i32
    return %c0_i32, %c0_i32_0 : i32, i32
  }
  func.func @transform_7(%arg0: i32, %arg1: i32) -> (i32, i32, i32) {
    %c0_i32 = arith.constant 0 : i32
    %c0_i32_0 = arith.constant 0 : i32
    return %arg1, %arg0, %c0_i32 : i32, i32, i32
  }
}

</mosaic_0001>

<sc_bundles>
// kernel: kernel.4.cloned.1.call-start
scs
__scs_entry_jumppad:
0x0: {  	(pc) =	sbr.rel $0x88, $3  }
0x1: {  	(tag) =	ssettag $0x0;
	lr =	simm.s32 $0x1  }
0x2: {  	[smem:$0x3F99] =	sst lr;
	_ =	strace $0xD0000000  }
0x3: {  	_ = 	snop  }
0x4: {  	_ = 	snop  }
0x5: {  	_ = 	snop  }
0x6: {  	_ = 	snop  }
0x7: {  	_ = 	snop  }
__scs_overlays_trampoline_lowered:
0x8: {  	[smem:$0x3FA8] =	sst s0  }
0x9: {  	[smem:$0x3FA9] =	sst s1  }
0xa: {  	[smem:$0x3FAA] =	sst s2  }
0xb: {  	[smem:$0x3FAB] =	sst s3  }
0xc: {  	[smem:$0x3FAC] =	sst s4  }
0xd: {  	[smem:$0x3FAD] =	sst s5  }
0xe: {  	[smem:$0x3FAE] =	sst s6  }
0xf: {  	[smem:$0x3FAF] =	sst s7  }
0x10: {  	[smem:$0x3FB0] =	sst s8  }
0x11: {  	[smem:$0x3FB1] =	sst s9;
	s0 =	simm.s32 @!p0 $0x0  }
0x12: {  	s1 =	sld [smem:$0x3F97];
	s0 =	simm.s32 @p0 $0x1  }
0x13: {  	[smem:$0x3FB2] =	sst s0;
	s0 =	simm.s32 @!p1 $0x0  }
0x14: {  	s2 =	sld [smem:$0x3F96];
	s0 =	simm.s32 @p1 $0x1  }
0x15: {  	[smem:$0x3FB3] =	sst s0;
	s0 =	simm.s32 @!p2 $0x0  }
0x16: {  	s3 =	sld [smem:$0x3FDB];
	s0 =	simm.s32 @p2 $0x1  }
0x17: {  	s4 =	simm.s32 $0x1BF5;
	[smem:$0x3FB5] =	sst s0  }
0x18: {  	s0 =	sld [smem:$0x3F98];
	_ =	swait.ge [sflag:s4], $0x0  }
0x19: {  	s7 =	sld [smem:$0x3F99]  }
0x1a: {  	s8 =	sadd.s32 $0xFFFFE003, lr  }
0x1b: {  	s9 =	sadd.s32 $0xFFFFFEF7, lr;
	s5 =	simm.s32 $0xFFFFFFFF;
	p2 =	slt.u32 s8, $0xFFFFF086  }
0x1c: {  	p1 =	slt.u32 s9, $0xF7A;
	s5 =	simm.s32 @!p2 $0x0  }
0x1d: {  	s5 =	simm.s32 @p1 $0x1;
	p0 =	seq.s32 s7, s2  }
0x1e: {  	s7 =	smul.u32 @!p0 $0xF7A, s2;
	p2 =	seq.s32 @!p0 s5, $0x0  }
0x1f: {  	s9 =	smul.u32 $0xF7A, s1;
	s8 =	simm.s32 @!p0 $0x1BF5;
	p2 =	por !p2, p0  }
0x20: {  	[sflag:s8] =	ssyncset.s32 @!p0 $0xFFFFF086;
	s6 =	sadd.s32 @!p0 s3, s7;
	s7 =	simm.s32 @!p0 $0x108  }
0x21: {  	s3 =	sadd.s32 s3, s9;
	s6 =	sadd.s32 @!p0 $0x88, s6;
	s7 =	simm.s32 @p2 $0x1082  }
0x22: {  	[simem:s7], [sflag:s8] =	dma.local @!p0 [hbm:s6], $0xF7A  }
0x23: {  	s9 =	sor.u32 $0xD0000000, s2;
	s6 =	simm.s32 $0x108;
	_ =	swait.ge @!p0 [sflag:s8], $0x0  }
0x24: {  	s3 =	sadd.s32 $0x88, s3;
	s6 =	simm.s32 @!p1 $0x1082;
	[sflag:s4] =	ssyncset.s32 $0xFFFFF086  }
0x25: {  	[simem:s6], [sflag:s4] =	dma.local [hbm:s3], $0xF7A  }
0x26: {  	[smem:$0x3F99] =	sst s1;
	(tag) =	ssettag s2;
	_ =	strace s9  }
0x27: {  	s1 =	sld [smem:$0x3FA9]  }
0x28: {  	s2 =	sld [smem:$0x3FAA]  }
0x29: {  	s4 =	sld [smem:$0x3FAC]  }
0x2a: {  	p0 =	seq.s32 s5, $0x0;
	s5 =	sld [smem:$0x3FAD]  }
0x2b: {  	s6 =	sld [smem:$0x3FAE]  }
0x2c: {  	s7 =	sld [smem:$0x3FAF]  }
0x2d: {  	s3 =	simm.s32 $0x108;
	s8 =	sld [smem:$0x3FB0]  }
0x2e: {  	s3 =	simm.s32 @!p0 $0x1082;
	s9 =	sld [smem:$0x3FB1]  }
0x2f: {  	lr =	sadd.s32 s0, s3;
	s0 =	sld [smem:$0x3FA8]  }
0x30: {  	s3 =	sld [smem:$0x3FAB]  }
0x31: {  	[smem:$0x3FB4] =	sst s10  }
0x32: {  	s10 =	sld [smem:$0x3FB2];
	_ =	sdelay $0x3  }
0x33: {  	p0 =	seq.s32 s10, $0x1;
	s10 =	sld [smem:$0x3FB4];
	_ =	sdelay $0x3  }
0x34: {  	[smem:$0x3FB4] =	sst s10  }
0x35: {  	s10 =	sld [smem:$0x3FB3];
	_ =	sdelay $0x3  }
0x36: {  	p1 =	seq.s32 s10, $0x1;
	s10 =	sld [smem:$0x3FB4];
	_ =	sdelay $0x3  }
0x37: {  	[smem:$0x3FB4] =	sst s10  }
0x38: {  	s10 =	sld [smem:$0x3FB5]  }
0x39: {  	_ = 	snop;
	(pc) =	sbr.ind lr, $3  }
0x3a: {  	_ = 	snop  }
0x3b: {  	_ = 	snop  }
0x3c: {  	p2 =	seq.s32 s10, $0x1;
	s10 =	sld [smem:$0x3FB4]  }
0x3d: {  	_ =	shalt  }
0x3e: {  	_ =	shalt  }
0x3f: {  	_ =	shalt  }
0x40: {  	_ =	shalt  }
0x41: {  	_ =	shalt  }
0x42: {  	_ =	shalt  }
0x43: {  	_ =	shalt  }
0x44: {  	_ =	shalt  }
0x45: {  	_ =	shalt  }
0x46: {  	_ =	shalt  }
0x47: {  	_ =	shalt  }
0x48: {  	_ =	shalt  }
0x49: {  	_ =	shalt  }
0x4a: {  	_ =	shalt  }
0x4b: {  	_ =	shalt  }
0x4c: {  	_ =	shalt  }
0x4d: {  	_ =	shalt  }
0x4e: {  	_ =	shalt  }
0x4f: {  	_ =	shalt  }
0x50: {  	_ =	shalt  }
0x51: {  	_ =	shalt  }
0x52: {  	_ =	shalt  }
0x53: {  	_ =	shalt  }
0x54: {  	_ =	shalt  }
0x55: {  	_ =	shalt  }
0x56: {  	_ =	shalt  }
0x57: {  	_ =	shalt  }
0x58: {  	_ =	shalt  }
0x59: {  	_ =	shalt  }
0x5a: {  	_ =	shalt  }
0x5b: {  	_ =	shalt  }
0x5c: {  	_ =	shalt  }
0x5d: {  	_ =	shalt  }
0x5e: {  	_ =	shalt  }
0x5f: {  	_ =	shalt  }
0x60: {  	_ =	shalt  }
0x61: {  	_ =	shalt  }
0x62: {  	_ =	shalt  }
0x63: {  	_ =	shalt  }
0x64: {  	_ =	shalt  }
0x65: {  	_ =	shalt  }
0x66: {  	_ =	shalt  }
0x67: {  	_ =	shalt  }
0x68: {  	_ =	shalt  }
0x69: {  	_ =	shalt  }
0x6a: {  	_ =	shalt  }
0x6b: {  	_ =	shalt  }
0x6c: {  	_ =	shalt  }
0x6d: {  	_ =	shalt  }
0x6e: {  	_ =	shalt  }
0x6f: {  	_ =	shalt  }
0x70: {  	_ =	shalt  }
0x71: {  	_ =	shalt  }
0x72: {  	_ =	shalt  }
0x73: {  	_ =	shalt  }
0x74: {  	_ =	shalt  }
0x75: {  	_ =	shalt  }
0x76: {  	_ =	shalt  }
0x77: {  	_ =	shalt  }
0x78: {  	_ =	shalt  }
0x79: {  	_ =	shalt  }
0x7a: {  	_ =	shalt  }
0x7b: {  	_ =	shalt  }
0x7c: {  	_ =	shalt  }
0x7d: {  	_ =	shalt  }
0x7e: {  	_ =	shalt  }
0x7f: {  	_ =	shalt  }
0x80: {  	_ =	shalt  }
0x81: {  	_ =	shalt  }
0x82: {  	_ =	shalt  }
0x83: {  	_ =	shalt  }
0x84: {  	_ =	shalt  }
0x85: {  	_ =	shalt  }
0x86: {  	_ =	shalt  }
0x87: {  	_ =	shalt  }
.Lfunc_end0:
.L_simem_size_0:
called_computation_lowered:
.L_overlay_start_0:
0x88: {  	s2 =	sld [smem:$0x3FD9]  }
0x89: {  	s3 =	sld [smem:$0x3FFE];
	_ =	sdelay $0x1  }
0x8a: {  	s1 =	srdreg.scid  }
0x8b: {  	s0 =	sand.u32 $0x1, s1  }
0x8c: {  	s17 =	sshll.u32 s0, $0xA;
	s2 =	sadd.s32 s3, s2  }
0x8d: {  	s2 =	sadd.s32 s2, s17  }
0x8e: {  	[smem:$0x3FC0] =	sst s2  }
0x8f: {  	_ = 	snop  }
0x90: {  	s2 =	sld [smem:$0x3FC9]  }
0x91: {  	s18 =	sld [smem:$0x3FD0];
	(tm) =	ssettm $0x1  }
0x92: {  	s4 =	sld [smem:$0x3FFB];
	_ =	sdelay $0x3  }
0x93: {  	_ =	strace s4  }
0x94: {  	s4 =	sld [smem:$0x3FFC];
	_ =	sdelay $0x3  }
0x95: {  	_ =	strace s4  }
0x96: {  	s4 =	sld [smem:$0x3FFD];
	_ =	sdelay $0x3  }
0x97: {  	_ =	strace s4  }
0x98: {  	_ =	strace $0x8FFFFFFF  }
0x99: {  	s19 =	sld [smem:$0x3FDB];
	_ =	sdelay $0x1  }
0x9a: {  	s5 =	simm.s32 $_scs_section_size  }
0x9b: {  	s6 =	simm.s32 $_size__tile_overlayer_lowered;
	s7 =	simm.s32 $_tile_overlayer_lowered  }
0x9c: {  	s22 =	simm.s32 $0x1BFF;
	s21 =	sshll.u32 s7, $0x1;
	s4 =	sadd.s32 s5, s19  }
0x9d: {  	s8 =	simm.s32 $0x0;
	s20 =	sshll.u32 s6, $0x1;
	s6 =	sadd.s32 s21, s4  }
0x9e: {  	[timem:s8], [sflag:s22] =	dma.local [hbm:s6], s20  }
0x9f: {  	_ =	swait.ge [sflag:s22], s20  }
0xa0: {  	s5 =	ssub.s32 $0x0, s20;
	[sflag:s22] =	ssyncset.done $0x0  }
0xa1: {  	[sflag:s22] =	ssyncadd.s32 s5;
	_ =	sdelay $0x1  }
0xa2: {  	s23 =	simm.s32 $0x1B8B  }
0xa3: {  	_ =	swait.ge [sflag:s23], $0x1  }
0xa4: {  	[sflag:s23] =	ssyncset.done $0x0  }
0xa5: {  	s25 =	simm.s32 $0x1B8E;
	s24 =	sld [smem:$0x3FFE];
	[sflag:s23] =	ssyncadd.s32 $0xFFFFFFFF  }
0xa6: {  	s26 =	simm.s32 $execute0_lowered;
	[smem:$0x3FD2] =	sst s25  }
0xa7: {  	s6 =	sshll.u32 s26, $0x1;
	_ =	strace $0x80000046;
	[dreg:$0x1] =	wrdreg $0xFFFFFFFF  }
0xa8: {  	s28 =	simm.s32 $_size_execute0_lowered;
	s4 =	sadd.s32 s4, s6;
	[dreg:$0x0] =	wrdreg $0x0  }
0xa9: {  	s6 =	sshll.u32 s28, $0x1;
	[dreg:$0x2] =	wrdreg s4  }
0xaa: {  	[dreg:$0x3] =	wrdreg s6  }
0xab: {  	[dreg:$0x4] =	wrdreg $0xC0  }
0xac: {  	_ =	task [dreg:s8], $0x5FFFF  }
0xad: {  	[dreg:$0x1] =	wrdreg $0xFFFFFFFF  }
0xae: {  	[dreg:$0x0] =	wrdreg $0x60  }
0xaf: {  	[dreg:$0x2] =	wrdreg s2  }
0xb0: {  	[dreg:$0x3] =	wrdreg s24  }
0xb1: {  	[dreg:$0x4] =	wrdreg s18  }
0xb2: {  	[dreg:$0x5] =	wrdreg $0x9  }
0xb3: {  	_ =	task.clear_ibuf [dreg:s8], $0x6FFFF;
	_ =	strace $0x90000046  }
0xb4: {  	s29 =	simm.s32 $0x9;
	_ =	strace $0x80000048  }
0xb5: {  	_ =	swait.ge [sflag:s29], $0x1  }
0xb6: {  	[sflag:s29] =	ssyncadd.s32 $0xFFFFFFFF  }
0xb7: {  	_ =	strace $0x90000048  }
0xb8: {  	_ =	sfence  }
0xb9: {  	s30 =	sld [smem:$0x0];
	_ =	sdelay $0x2  }
0xba: {  	s31 =	sshll.u32 s1, $0xD;
	s1 =	sshrl.u32 s1, $0x2  }
0xbb: {  	s3 =	sand.u32 $0x4000, s31;
	s1 =	sadd.s32 s1, s30  }
0xbc: {  	s0 =	sor.u32 s3, s0;
	s1 =	sshll.u32 s1, $0x11  }
0xbd: {  	s0 =	sor.u32 s1, s0  }
0xbe: {  	s0 =	sadd.s32 $0x8F2B, s0  }
0xbf: {  	[sflag:s0] =	ssyncadd.remote.s32 $0x1  }
0xc0: {  	_ =	sfence.sel $0xFFFF  }
0xc1: {  	[dreg:$0x0] =	wrdreg $0xFFFFFFFF;
	(pc) =	sbr.abs _section_cstart, $3  }
0xc2: {  	[dreg:$0x1] =	wrdreg $0xFFFFFFFF  }
0xc3: {  	_ =	task.clear_ibuf [dreg:s8], $0x2FFFF;
	_ =	strace $0x9FFFFFFF  }
0xc4: {  	(tm) =	ssettm $0x7FFFFFFF  }
0xc5: {  	_ =	shalt  }
tec
execute0_lowered:
.L_overlay_start_1:
0x0: {  	(tag) =	ssettag $0x1  }
0x1: {  	s0 =	rddreg [dreg:$0x0]  }
0x2: {  	s1 =	rddreg [dreg:$0x1]  }
0x3: {  	s5 =	rddreg [dreg:$0x2];
	s2 =	simm.s32 $0x0;
	s3 =	srdreg.scid  }
0x4: {  	s7 =	stileid.u32;
	s9 =	simm.s32 $0x2;
	s10 =	simm.s32 $0x100  }
0x5: {  	s11 =	simm.s32 $0x1;
	s12 =	simm.s32 $0x0;
	[smem:$0x7FF] =	sst s2  }
0x6: {  	s4 =	sand.u32 $0x1, s3;
	s6 =	sshll.u32 s7, $0x1;
	s3 =	sadd.s32 $0x1400, s1  }
0x7: {  	s28 =	sshll.u32 s7, $0x2;
	_ =	strace $0x80000047;
	s26 =	sor.u32 s4, s6  }
0x8: {  	s4 =	ssub.s32 $0x2, s4;
	s6 =	sand.u32 $0x30, s28;
	s29 =	sshll.u32 s26, $0x7  }
0x9: {  	s8 =	sshrl.u32 s4, $0x1;
	s0 =	sadd.s32 s0, s6;
	s31 =	sshll.u32 s26, $0xC  }
0xa: {  	s7 =	sand.u32 $0x380, s29;
	s30 =	ssub.s32 s4, s8;
	s5 =	sadd.s32 s5, s31  }
0xb: {  	s8 =	simm.s32 $0x200;
	s4 =	sadd.s32 s7, s0;
	s6 =	smax.u32 s30, $0x1  }
.LBB2_1:
0xc: {  	s0 =	simm.s32 $0x80  }
0xd: {  	[tilespmem:s2], [sflag:$0x2] =	stream.strided.gather [hbm4b:s4+s0], $0x100, s8, s0, $0x38;
	[tilespmem:$0x8100] =	vst v63  }
0xe: {  	_ =	swait.ge [sflag:s9], $0x100  }
0xf: {  	[sflag:s9] =	ssyncset.done $0x0  }
0x10: {  	[sflag:s9] =	ssyncadd.s32 $0xFFFFFF00  }
0x11: {  	v0 =	vld [tilespmem:$0x0];
	_ =	sdelay $0x4  }
0x12: {  	v0 =	vshll.u32 v0, $0x4  }
0x13: {  	(v2sf) =	vpush v0, $0x0;
	_ =	sdelay $0x1  }
0x14: {  	(v2sf) =	vpush v0, $0x1;
	_ =	sdelay $0x1  }
0x15: {  	(v2sf) =	vpush v0, $0x2;
	_ =	sdelay $0x2  }
0x16: {  	(v2sf) =	vpush v0, $0x3;
	_ =	sdelay $0x7  }
0x17: {  	s13 =	spop (v2sf);
	(v2sf) =	vpush v0, $0x4;
	_ =	sdelay $0x1  }
0x18: {  	s26 =	spop (v2sf);
	(v2sf) =	vpush v0, $0x5;
	_ =	sdelay $0x1  }
0x19: {  	s29 =	spop (v2sf);
	(v2sf) =	vpush v0, $0x6;
	_ =	sdelay $0x1  }
0x1a: {  	s13 =	sand.u32 $0x1FFFFFF0, s13  }
0x1b: {  	s13 =	sadd.s32 s3, s13;
	s30 =	spop (v2sf);
	(v2sf) =	vpush v0, $0x7  }
0x1c: {  	[tilespmem:s10], [sflag:$0x1] =	stream.linear.gather [hbm4b:s13+s2], $0x80, $0x38;
	[tilespmem:$0x8100] =	vst v63  }
0x1d: {  	s13 =	sand.u32 $0x1FFFFFF0, s26  }
0x1e: {  	s28 =	simm.s32 $0x180;
	s13 =	sadd.s32 s3, s13  }
0x1f: {  	[tilespmem:s28], [sflag:$0x1] =	stream.linear.gather [hbm4b:s13+s2], $0x80, $0x38;
	[tilespmem:$0x8100] =	vst v63  }
0x20: {  	s13 =	sand.u32 $0x1FFFFFF0, s29  }
0x21: {  	s13 =	sadd.s32 s3, s13  }
0x22: {  	[tilespmem:s8], [sflag:$0x1] =	stream.linear.gather [hbm4b:s13+s2], $0x80, $0x38;
	[tilespmem:$0x8100] =	vst v63  }
0x23: {  	s0 =	spop (v2sf);
	(v2sf) =	vpush v0, $0x8  }
0x24: {  	s13 =	sand.u32 $0x1FFFFFF0, s30  }
0x25: {  	s31 =	simm.s32 $0x280;
	s13 =	sadd.s32 s3, s13;
	s7 =	spop (v2sf);
	(v2sf) =	vpush v0, $0x9  }
0x26: {  	[tilespmem:s31], [sflag:$0x1] =	stream.linear.gather [hbm4b:s13+s2], $0x80, $0x38;
	[tilespmem:$0x8100] =	vst v63  }
0x27: {  	s13 =	sand.u32 $0x1FFFFFF0, s0;
	s15 =	spop (v2sf);
	(v2sf) =	vpush v0, $0xA  }
0x28: {  	s1 =	simm.s32 $0x300;
	s13 =	sadd.s32 s3, s13  }
0x29: {  	[tilespmem:s1], [sflag:$0x1] =	stream.linear.gather [hbm4b:s13+s2], $0x80, $0x38;
	[tilespmem:$0x8100] =	vst v63  }
0x2a: {  	s17 =	spop (v2sf);
	(v2sf) =	vpush v0, $0xB  }
0x2b: {  	s13 =	sand.u32 $0x1FFFFFF0, s7  }
0x2c: {  	s14 =	simm.s32 $0x380;
	s13 =	sadd.s32 s3, s13  }
0x2d: {  	[tilespmem:s14], [sflag:$0x1] =	stream.linear.gather [hbm4b:s13+s2], $0x80, $0x38;
	[tilespmem:$0x8100] =	vst v63  }
0x2e: {  	s13 =	sand.u32 $0x1FFFFFF0, s15  }
0x2f: {  	s16 =	simm.s32 $0x400;
	s13 =	sadd.s32 s3, s13  }
0x30: {  	[tilespmem:s16], [sflag:$0x1] =	stream.linear.gather [hbm4b:s13+s2], $0x80, $0x38;
	[tilespmem:$0x8100] =	vst v63  }
0x31: {  	s13 =	sand.u32 $0x1FFFFFF0, s17  }
0x32: {  	s18 =	simm.s32 $0x480;
	s13 =	sadd.s32 s3, s13;
	s19 =	spop (v2sf);
	(v2sf) =	vpush v0, $0xC  }
0x33: {  	[tilespmem:s18], [sflag:$0x1] =	stream.linear.gather [hbm4b:s13+s2], $0x80, $0x38;
	[tilespmem:$0x8100] =	vst v63  }
0x34: {  	s21 =	spop (v2sf);
	(v2sf) =	vpush v0, $0xD  }
0x35: {  	s13 =	sand.u32 $0x1FFFFFF0, s19  }
0x36: {  	s20 =	simm.s32 $0x500;
	s13 =	sadd.s32 s3, s13;
	s23 =	spop (v2sf)  }
0x37: {  	(v2sf) =	vpush v0, $0xE;
	[tilespmem:s20], [sflag:$0x1] =	stream.linear.gather [hbm4b:s13+s2], $0x80, $0x38;
	[tilespmem:$0x8100] =	vst v63  }
0x38: {  	s13 =	sand.u32 $0x1FFFFFF0, s21  }
0x39: {  	s22 =	simm.s32 $0x580;
	s25 =	spop (v2sf);
	s13 =	sadd.s32 s3, s13  }
0x3a: {  	(v2sf) =	vpush v0, $0xF;
	[tilespmem:s22], [sflag:$0x1] =	stream.linear.gather [hbm4b:s13+s2], $0x80, $0x38;
	[tilespmem:$0x8100] =	vst v63  }
0x3b: {  	s13 =	sand.u32 $0x1FFFFFF0, s23  }
0x3c: {  	s24 =	simm.s32 $0x600;
	s13 =	sadd.s32 s3, s13  }
0x3d: {  	[tilespmem:s24], [sflag:$0x1] =	stream.linear.gather [hbm4b:s13+s2], $0x80, $0x38;
	[tilespmem:$0x8100] =	vst v63  }
0x3e: {  	s13 =	sand.u32 $0x1FFFFFF0, s25  }
0x3f: {  	s26 =	simm.s32 $0x680;
	s13 =	sadd.s32 s3, s13  }
0x40: {  	[tilespmem:s26], [sflag:$0x1] =	stream.linear.gather [hbm4b:s13+s2], $0x80, $0x38;
	[tilespmem:$0x8100] =	vst v63  }
0x41: {  	s28 =	spop (v2sf)  }
0x42: {  	s13 =	sand.u32 $0x1FFFFFF0, s28  }
0x43: {  	s29 =	simm.s32 $0x700;
	s30 =	spop (v2sf);
	s13 =	sadd.s32 s3, s13  }
0x44: {  	[tilespmem:s29], [sflag:$0x1] =	stream.linear.gather [hbm4b:s13+s2], $0x80, $0x38;
	[tilespmem:$0x8100] =	vst v63  }
0x45: {  	s13 =	sand.u32 $0x1FFFFFF0, s30  }
0x46: {  	s31 =	simm.s32 $0x780;
	s0 =	spop (v2sf);
	s13 =	sadd.s32 s3, s13  }
0x47: {  	[tilespmem:s31], [sflag:$0x1] =	stream.linear.gather [hbm4b:s13+s2], $0x80, $0x38;
	[tilespmem:$0x8100] =	vst v63  }
0x48: {  	s13 =	sand.u32 $0x1FFFFFF0, s0  }
0x49: {  	s1 =	simm.s32 $0x800;
	s7 =	spop (v2sf);
	s13 =	sadd.s32 s3, s13  }
0x4a: {  	[tilespmem:s1], [sflag:$0x1] =	stream.linear.gather [hbm4b:s13+s2], $0x80, $0x38;
	[tilespmem:$0x8100] =	vst v63  }
0x4b: {  	s13 =	sand.u32 $0x1FFFFFF0, s7  }
0x4c: {  	s14 =	simm.s32 $0x880;
	s13 =	sadd.s32 s3, s13  }
0x4d: {  	[tilespmem:s14], [sflag:$0x1] =	stream.linear.gather [hbm4b:s13+s2], $0x80, $0x38;
	[tilespmem:$0x8100] =	vst v63  }
0x4e: {  	v61 =	vld [tilespmem:$0x10];
	_ =	sdelay $0x4  }
0x4f: {  	v0 =	vshll.u32 v61, $0x4  }
0x50: {  	(v2sf) =	vpush v0, $0x0;
	_ =	sdelay $0x1  }
0x51: {  	(v2sf) =	vpush v0, $0x1;
	_ =	sdelay $0x1  }
0x52: {  	(v2sf) =	vpush v0, $0x2;
	_ =	sdelay $0x2  }
0x53: {  	(v2sf) =	vpush v0, $0x3;
	_ =	sdelay $0x7  }
0x54: {  	s15 =	spop (v2sf);
	(v2sf) =	vpush v0, $0x4;
	_ =	sdelay $0x1  }
0x55: {  	s17 =	spop (v2sf);
	(v2sf) =	vpush v0, $0x5;
	_ =	sdelay $0x1  }
0x56: {  	s19 =	spop (v2sf);
	(v2sf) =	vpush v0, $0x6;
	_ =	sdelay $0x1  }
0x57: {  	s13 =	sand.u32 $0x1FFFFFF0, s15  }
0x58: {  	s16 =	simm.s32 $0x900;
	s13 =	sadd.s32 s3, s13;
	s21 =	spop (v2sf);
	(v2sf) =	vpush v0, $0x7  }
0x59: {  	[tilespmem:s16], [sflag:$0x1] =	stream.linear.gather [hbm4b:s13+s2], $0x80, $0x38;
	[tilespmem:$0x8100] =	vst v63  }
0x5a: {  	s13 =	sand.u32 $0x1FFFFFF0, s17  }
0x5b: {  	s18 =	simm.s32 $0x980;
	s13 =	sadd.s32 s3, s13  }
0x5c: {  	[tilespmem:s18], [sflag:$0x1] =	stream.linear.gather [hbm4b:s13+s2], $0x80, $0x38;
	[tilespmem:$0x8100] =	vst v63  }
0x5d: {  	s13 =	sand.u32 $0x1FFFFFF0, s19  }
0x5e: {  	s20 =	simm.s32 $0xA00;
	s13 =	sadd.s32 s3, s13  }
0x5f: {  	[tilespmem:s20], [sflag:$0x1] =	stream.linear.gather [hbm4b:s13+s2], $0x80, $0x38;
	[tilespmem:$0x8100] =	vst v63  }
0x60: {  	s23 =	spop (v2sf);
	(v2sf) =	vpush v0, $0x8  }
0x61: {  	s13 =	sand.u32 $0x1FFFFFF0, s21  }
0x62: {  	s22 =	simm.s32 $0xA80;
	s13 =	sadd.s32 s3, s13;
	s25 =	spop (v2sf);
	(v2sf) =	vpush v0, $0x9  }
0x63: {  	[tilespmem:s22], [sflag:$0x1] =	stream.linear.gather [hbm4b:s13+s2], $0x80, $0x38;
	[tilespmem:$0x8100] =	vst v63  }
0x64: {  	s13 =	sand.u32 $0x1FFFFFF0, s23;
	s28 =	spop (v2sf);
	(v2sf) =	vpush v0, $0xA  }
0x65: {  	s24 =	simm.s32 $0xB00;
	s13 =	sadd.s32 s3, s13  }
0x66: {  	[tilespmem:s24], [sflag:$0x1] =	stream.linear.gather [hbm4b:s13+s2], $0x80, $0x38;
	[tilespmem:$0x8100] =	vst v63  }
0x67: {  	s30 =	spop (v2sf);
	(v2sf) =	vpush v0, $0xB  }
0x68: {  	s13 =	sand.u32 $0x1FFFFFF0, s25  }
0x69: {  	s26 =	simm.s32 $0xB80;
	s13 =	sadd.s32 s3, s13  }
0x6a: {  	[tilespmem:s26], [sflag:$0x1] =	stream.linear.gather [hbm4b:s13+s2], $0x80, $0x38;
	[tilespmem:$0x8100] =	vst v63  }
0x6b: {  	s13 =	sand.u32 $0x1FFFFFF0, s28  }
0x6c: {  	s29 =	simm.s32 $0xC00;
	s13 =	sadd.s32 s3, s13  }
0x6d: {  	[tilespmem:s29], [sflag:$0x1] =	stream.linear.gather [hbm4b:s13+s2], $0x80, $0x38;
	[tilespmem:$0x8100] =	vst v63  }
0x6e: {  	s13 =	sand.u32 $0x1FFFFFF0, s30  }
0x6f: {  	s31 =	simm.s32 $0xC80;
	s13 =	sadd.s32 s3, s13;
	s0 =	spop (v2sf);
	(v2sf) =	vpush v0, $0xC  }
0x70: {  	[tilespmem:s31], [sflag:$0x1] =	stream.linear.gather [hbm4b:s13+s2], $0x80, $0x38;
	[tilespmem:$0x8100] =	vst v63  }
0x71: {  	s7 =	spop (v2sf);
	(v2sf) =	vpush v0, $0xD  }
0x72: {  	s13 =	sand.u32 $0x1FFFFFF0, s0  }
0x73: {  	s1 =	simm.s32 $0xD00;
	s13 =	sadd.s32 s3, s13;
	s15 =	spop (v2sf)  }
0x74: {  	(v2sf) =	vpush v0, $0xE;
	[tilespmem:s1], [sflag:$0x1] =	stream.linear.gather [hbm4b:s13+s2], $0x80, $0x38;
	[tilespmem:$0x8100] =	vst v63  }
0x75: {  	s13 =	sand.u32 $0x1FFFFFF0, s7  }
0x76: {  	s14 =	simm.s32 $0xD80;
	s17 =	spop (v2sf);
	s13 =	sadd.s32 s3, s13  }
0x77: {  	(v2sf) =	vpush v0, $0xF;
	[tilespmem:s14], [sflag:$0x1] =	stream.linear.gather [hbm4b:s13+s2], $0x80, $0x38;
	[tilespmem:$0x8100] =	vst v63  }
0x78: {  	s13 =	sand.u32 $0x1FFFFFF0, s15  }
0x79: {  	s16 =	simm.s32 $0xE00;
	s13 =	sadd.s32 s3, s13  }
0x7a: {  	[tilespmem:s16], [sflag:$0x1] =	stream.linear.gather [hbm4b:s13+s2], $0x80, $0x38;
	[tilespmem:$0x8100] =	vst v63  }
0x7b: {  	s13 =	sand.u32 $0x1FFFFFF0, s17  }
0x7c: {  	s18 =	simm.s32 $0xE80;
	s13 =	sadd.s32 s3, s13  }
0x7d: {  	[tilespmem:s18], [sflag:$0x1] =	stream.linear.gather [hbm4b:s13+s2], $0x80, $0x38;
	[tilespmem:$0x8100] =	vst v63  }
0x7e: {  	s19 =	spop (v2sf)  }
0x7f: {  	s13 =	sand.u32 $0x1FFFFFF0, s19  }
0x80: {  	s20 =	simm.s32 $0xF00;
	s21 =	spop (v2sf);
	s13 =	sadd.s32 s3, s13  }
0x81: {  	[tilespmem:s20], [sflag:$0x1] =	stream.linear.gather [hbm4b:s13+s2], $0x80, $0x38;
	[tilespmem:$0x8100] =	vst v63  }
0x82: {  	s13 =	sand.u32 $0x1FFFFFF0, s21  }
0x83: {  	s22 =	simm.s32 $0xF80;
	s23 =	spop (v2sf);
	s13 =	sadd.s32 s3, s13  }
0x84: {  	[tilespmem:s22], [sflag:$0x1] =	stream.linear.gather [hbm4b:s13+s2], $0x80, $0x38;
	[tilespmem:$0x8100] =	vst v63  }
0x85: {  	s13 =	sand.u32 $0x1FFFFFF0, s23  }
0x86: {  	s24 =	simm.s32 $0x1000;
	s25 =	spop (v2sf);
	s13 =	sadd.s32 s3, s13  }
0x87: {  	[tilespmem:s24], [sflag:$0x1] =	stream.linear.gather [hbm4b:s13+s2], $0x80, $0x38;
	[tilespmem:$0x8100] =	vst v63  }
0x88: {  	s13 =	sand.u32 $0x1FFFFFF0, s25  }
0x89: {  	s26 =	simm.s32 $0x1080;
	s13 =	sadd.s32 s3, s13  }
0x8a: {  	[tilespmem:s26], [sflag:$0x1] =	stream.linear.gather [hbm4b:s13+s2], $0x80, $0x38;
	[tilespmem:$0x8100] =	vst v63  }
0x8b: {  	v62 =	vld [tilespmem:$0x20];
	_ =	sdelay $0x4  }
0x8c: {  	v0 =	vshll.u32 v62, $0x4  }
0x8d: {  	(v2sf) =	vpush v0, $0x0;
	_ =	sdelay $0x1  }
0x8e: {  	(v2sf) =	vpush v0, $0x1;
	_ =	sdelay $0x1  }
0x8f: {  	(v2sf) =	vpush v0, $0x2;
	_ =	sdelay $0x2  }
0x90: {  	(v2sf) =	vpush v0, $0x3;
	_ =	sdelay $0x7  }
0x91: {  	s28 =	spop (v2sf);
	(v2sf) =	vpush v0, $0x4;
	_ =	sdelay $0x1  }
0x92: {  	s30 =	spop (v2sf);
	(v2sf) =	vpush v0, $0x5;
	_ =	sdelay $0x1  }
0x93: {  	s0 =	spop (v2sf);
	(v2sf) =	vpush v0, $0x6;
	_ =	sdelay $0x1  }
0x94: {  	s13 =	sand.u32 $0x1FFFFFF0, s28  }
0x95: {  	s29 =	simm.s32 $0x1100;
	s13 =	sadd.s32 s3, s13;
	s7 =	spop (v2sf);
	(v2sf) =	vpush v0, $0x7  }
0x96: {  	[tilespmem:s29], [sflag:$0x1] =	stream.linear.gather [hbm4b:s13+s2], $0x80, $0x38;
	[tilespmem:$0x8100] =	vst v63  }
0x97: {  	s13 =	sand.u32 $0x1FFFFFF0, s30  }
0x98: {  	s31 =	simm.s32 $0x1180;
	s13 =	sadd.s32 s3, s13  }
0x99: {  	[tilespmem:s31], [sflag:$0x1] =	stream.linear.gather [hbm4b:s13+s2], $0x80, $0x38;
	[tilespmem:$0x8100] =	vst v63  }
0x9a: {  	s13 =	sand.u32 $0x1FFFFFF0, s0  }
0x9b: {  	s1 =	simm.s32 $0x1200;
	s13 =	sadd.s32 s3, s13  }
0x9c: {  	[tilespmem:s1], [sflag:$0x1] =	stream.linear.gather [hbm4b:s13+s2], $0x80, $0x38;
	[tilespmem:$0x8100] =	vst v63  }
0x9d: {  	s15 =	spop (v2sf);
	(v2sf) =	vpush v0, $0x8  }
0x9e: {  	s13 =	sand.u32 $0x1FFFFFF0, s7  }
0x9f: {  	s14 =	simm.s32 $0x1280;
	s13 =	sadd.s32 s3, s13;
	s17 =	spop (v2sf);
	(v2sf) =	vpush v0, $0x9  }
0xa0: {  	[tilespmem:s14], [sflag:$0x1] =	stream.linear.gather [hbm4b:s13+s2], $0x80, $0x38;
	[tilespmem:$0x8100] =	vst v63  }
0xa1: {  	s13 =	sand.u32 $0x1FFFFFF0, s15;
	s19 =	spop (v2sf);
	(v2sf) =	vpush v0, $0xA  }
0xa2: {  	s16 =	simm.s32 $0x1300;
	s13 =	sadd.s32 s3, s13  }
0xa3: {  	[tilespmem:s16], [sflag:$0x1] =	stream.linear.gather [hbm4b:s13+s2], $0x80, $0x38;
	[tilespmem:$0x8100] =	vst v63  }
0xa4: {  	s21 =	spop (v2sf);
	(v2sf) =	vpush v0, $0xB  }
0xa5: {  	s13 =	sand.u32 $0x1FFFFFF0, s17  }
0xa6: {  	s18 =	simm.s32 $0x1380;
	s13 =	sadd.s32 s3, s13  }
0xa7: {  	[tilespmem:s18], [sflag:$0x1] =	stream.linear.gather [hbm4b:s13+s2], $0x80, $0x38;
	[tilespmem:$0x8100] =	vst v63  }
0xa8: {  	s13 =	sand.u32 $0x1FFFFFF0, s19  }
0xa9: {  	s20 =	simm.s32 $0x1400;
	s13 =	sadd.s32 s3, s13  }
0xaa: {  	[tilespmem:s20], [sflag:$0x1] =	stream.linear.gather [hbm4b:s13+s2], $0x80, $0x38;
	[tilespmem:$0x8100] =	vst v63  }
0xab: {  	s13 =	sand.u32 $0x1FFFFFF0, s21  }
0xac: {  	s22 =	simm.s32 $0x1480;
	s13 =	sadd.s32 s3, s13;
	s23 =	spop (v2sf);
	(v2sf) =	vpush v0, $0xC  }
0xad: {  	[tilespmem:s22], [sflag:$0x1] =	stream.linear.gather [hbm4b:s13+s2], $0x80, $0x38;
	[tilespmem:$0x8100] =	vst v63  }
0xae: {  	s25 =	spop (v2sf);
	(v2sf) =	vpush v0, $0xD  }
0xaf: {  	s13 =	sand.u32 $0x1FFFFFF0, s23  }
0xb0: {  	s24 =	simm.s32 $0x1500;
	s13 =	sadd.s32 s3, s13;
	s28 =	spop (v2sf)  }
0xb1: {  	(v2sf) =	vpush v0, $0xE;
	[tilespmem:s24], [sflag:$0x1] =	stream.linear.gather [hbm4b:s13+s2], $0x80, $0x38;
	[tilespmem:$0x8100] =	vst v63  }
0xb2: {  	s13 =	sand.u32 $0x1FFFFFF0, s25  }
0xb3: {  	s26 =	simm.s32 $0x1580;
	s30 =	spop (v2sf);
	s13 =	sadd.s32 s3, s13  }
0xb4: {  	(v2sf) =	vpush v0, $0xF;
	[tilespmem:s26], [sflag:$0x1] =	stream.linear.gather [hbm4b:s13+s2], $0x80, $0x38;
	[tilespmem:$0x8100] =	vst v63  }
0xb5: {  	s13 =	sand.u32 $0x1FFFFFF0, s28  }
0xb6: {  	s29 =	simm.s32 $0x1600;
	s13 =	sadd.s32 s3, s13  }
0xb7: {  	[tilespmem:s29], [sflag:$0x1] =	stream.linear.gather [hbm4b:s13+s2], $0x80, $0x38;
	[tilespmem:$0x8100] =	vst v63  }
0xb8: {  	s13 =	sand.u32 $0x1FFFFFF0, s30  }
0xb9: {  	s31 =	simm.s32 $0x1680;
	s13 =	sadd.s32 s3, s13  }
0xba: {  	[tilespmem:s31], [sflag:$0x1] =	stream.linear.gather [hbm4b:s13+s2], $0x80, $0x38;
	[tilespmem:$0x8100] =	vst v63  }
0xbb: {  	s1 =	spop (v2sf)  }
0xbc: {  	s13 =	sand.u32 $0x1FFFFFF0, s1  }
0xbd: {  	s7 =	simm.s32 $0x1700;
	s14 =	spop (v2sf);
	s13 =	sadd.s32 s3, s13  }
0xbe: {  	[tilespmem:s7], [sflag:$0x1] =	stream.linear.gather [hbm4b:s13+s2], $0x80, $0x38;
	[tilespmem:$0x8100] =	vst v63  }
0xbf: {  	s13 =	sand.u32 $0x1FFFFFF0, s14  }
0xc0: {  	s15 =	simm.s32 $0x1780;
	s16 =	spop (v2sf);
	s13 =	sadd.s32 s3, s13  }
0xc1: {  	[tilespmem:s15], [sflag:$0x1] =	stream.linear.gather [hbm4b:s13+s2], $0x80, $0x38;
	[tilespmem:$0x8100] =	vst v63  }
0xc2: {  	s13 =	sand.u32 $0x1FFFFFF0, s16  }
0xc3: {  	s17 =	simm.s32 $0x1800;
	s18 =	spop (v2sf);
	s13 =	sadd.s32 s3, s13  }
0xc4: {  	[tilespmem:s17], [sflag:$0x1] =	stream.linear.gather [hbm4b:s13+s2], $0x80, $0x38;
	[tilespmem:$0x8100] =	vst v63  }
0xc5: {  	s13 =	sand.u32 $0x1FFFFFF0, s18  }
0xc6: {  	s19 =	simm.s32 $0x1880;
	s13 =	sadd.s32 s3, s13  }
0xc7: {  	[tilespmem:s19], [sflag:$0x1] =	stream.linear.gather [hbm4b:s13+s2], $0x80, $0x38;
	[tilespmem:$0x8100] =	vst v63  }
0xc8: {  	s13 =	simm.s32 $0x30  }
0xc9: {  	v63 =	vld [tilespmem:s13+$0x0];
	_ =	sdelay $0x4  }
0xca: {  	v0 =	vshll.u32 v63, $0x4  }
0xcb: {  	(v2sf) =	vpush v0, $0x0;
	_ =	sdelay $0x1  }
0xcc: {  	(v2sf) =	vpush v0, $0x1;
	_ =	sdelay $0x1  }
0xcd: {  	(v2sf) =	vpush v0, $0x2;
	_ =	sdelay $0x2  }
0xce: {  	(v2sf) =	vpush v0, $0x3;
	_ =	sdelay $0x7  }
0xcf: {  	s14 =	spop (v2sf);
	(v2sf) =	vpush v0, $0x4;
	_ =	sdelay $0x1  }
0xd0: {  	s20 =	spop (v2sf);
	(v2sf) =	vpush v0, $0x5;
	_ =	sdelay $0x1  }
0xd1: {  	s22 =	spop (v2sf);
	(v2sf) =	vpush v0, $0x6;
	_ =	sdelay $0x1  }
0xd2: {  	s14 =	sand.u32 $0x1FFFFFF0, s14  }
0xd3: {  	s15 =	simm.s32 $0x1900;
	s14 =	sadd.s32 s3, s14;
	s24 =	spop (v2sf);
	(v2sf) =	vpush v0, $0x7  }
0xd4: {  	[tilespmem:s15], [sflag:$0x1] =	stream.linear.gather [hbm4b:s14+s2], $0x80, $0x38;
	[tilespmem:$0x8100] =	vst v63  }
0xd5: {  	s14 =	sand.u32 $0x1FFFFFF0, s20  }
0xd6: {  	s21 =	simm.s32 $0x1980;
	s14 =	sadd.s32 s3, s14  }
0xd7: {  	[tilespmem:s21], [sflag:$0x1] =	stream.linear.gather [hbm4b:s14+s2], $0x80, $0x38;
	[tilespmem:$0x8100] =	vst v63  }
0xd8: {  	s14 =	sand.u32 $0x1FFFFFF0, s22  }
0xd9: {  	s23 =	simm.s32 $0x1A00;
	s14 =	sadd.s32 s3, s14  }
0xda: {  	[tilespmem:s23], [sflag:$0x1] =	stream.linear.gather [hbm4b:s14+s2], $0x80, $0x38;
	[tilespmem:$0x8100] =	vst v63  }
0xdb: {  	s26 =	spop (v2sf);
	(v2sf) =	vpush v0, $0x8  }
0xdc: {  	s14 =	sand.u32 $0x1FFFFFF0, s24  }
0xdd: {  	s25 =	simm.s32 $0x1A80;
	s14 =	sadd.s32 s3, s14;
	s29 =	spop (v2sf);
	(v2sf) =	vpush v0, $0x9  }
0xde: {  	[tilespmem:s25], [sflag:$0x1] =	stream.linear.gather [hbm4b:s14+s2], $0x80, $0x38;
	[tilespmem:$0x8100] =	vst v63  }
0xdf: {  	s14 =	sand.u32 $0x1FFFFFF0, s26;
	s31 =	spop (v2sf);
	(v2sf) =	vpush v0, $0xA  }
0xe0: {  	s28 =	simm.s32 $0x1B00;
	s14 =	sadd.s32 s3, s14  }
0xe1: {  	[tilespmem:s28], [sflag:$0x1] =	stream.linear.gather [hbm4b:s14+s2], $0x80, $0x38;
	[tilespmem:$0x8100] =	vst v63  }
0xe2: {  	s1 =	spop (v2sf);
	(v2sf) =	vpush v0, $0xB  }
0xe3: {  	s14 =	sand.u32 $0x1FFFFFF0, s29  }
0xe4: {  	s30 =	simm.s32 $0x1B80;
	s14 =	sadd.s32 s3, s14  }
0xe5: {  	[tilespmem:s30], [sflag:$0x1] =	stream.linear.gather [hbm4b:s14+s2], $0x80, $0x38;
	[tilespmem:$0x8100] =	vst v63  }
0xe6: {  	s14 =	sand.u32 $0x1FFFFFF0, s31  }
0xe7: {  	s0 =	simm.s32 $0x1C00;
	s14 =	sadd.s32 s3, s14  }
0xe8: {  	[tilespmem:s0], [sflag:$0x1] =	stream.linear.gather [hbm4b:s14+s2], $0x80, $0x38;
	[tilespmem:$0x8100] =	vst v63  }
0xe9: {  	s14 =	sand.u32 $0x1FFFFFF0, s1  }
0xea: {  	s7 =	simm.s32 $0x1C80;
	s14 =	sadd.s32 s3, s14;
	s15 =	spop (v2sf);
	(v2sf) =	vpush v0, $0xC  }
0xeb: {  	[tilespmem:s7], [sflag:$0x1] =	stream.linear.gather [hbm4b:s14+s2], $0x80, $0x38;
	[tilespmem:$0x8100] =	vst v63  }
0xec: {  	s17 =	spop (v2sf);
	(v2sf) =	vpush v0, $0xD  }
0xed: {  	s14 =	sand.u32 $0x1FFFFFF0, s15  }
0xee: {  	s16 =	simm.s32 $0x1D00;
	s14 =	sadd.s32 s3, s14;
	s19 =	spop (v2sf)  }
0xef: {  	(v2sf) =	vpush v0, $0xE;
	[tilespmem:s16], [sflag:$0x1] =	stream.linear.gather [hbm4b:s14+s2], $0x80, $0x38;
	[tilespmem:$0x8100] =	vst v63  }
0xf0: {  	s14 =	sand.u32 $0x1FFFFFF0, s17  }
0xf1: {  	s18 =	simm.s32 $0x1D80;
	s21 =	spop (v2sf);
	s14 =	sadd.s32 s3, s14  }
0xf2: {  	(v2sf) =	vpush v0, $0xF;
	[tilespmem:s18], [sflag:$0x1] =	stream.linear.gather [hbm4b:s14+s2], $0x80, $0x38;
	[tilespmem:$0x8100] =	vst v63  }
0xf3: {  	s14 =	sand.u32 $0x1FFFFFF0, s19  }
0xf4: {  	s20 =	simm.s32 $0x1E00;
	s14 =	sadd.s32 s3, s14  }
0xf5: {  	[tilespmem:s20], [sflag:$0x1] =	stream.linear.gather [hbm4b:s14+s2], $0x80, $0x38;
	[tilespmem:$0x8100] =	vst v63  }
0xf6: {  	s14 =	sand.u32 $0x1FFFFFF0, s21  }
0xf7: {  	s22 =	simm.s32 $0x1E80;
	s14 =	sadd.s32 s3, s14  }
0xf8: {  	[tilespmem:s22], [sflag:$0x1] =	stream.linear.gather [hbm4b:s14+s2], $0x80, $0x38;
	[tilespmem:$0x8100] =	vst v63  }
0xf9: {  	s23 =	spop (v2sf)  }
0xfa: {  	s14 =	sand.u32 $0x1FFFFFF0, s23  }
0xfb: {  	s24 =	simm.s32 $0x1F00;
	s25 =	spop (v2sf);
	s14 =	sadd.s32 s3, s14  }
0xfc: {  	[tilespmem:s24], [sflag:$0x1] =	stream.linear.gather [hbm4b:s14+s2], $0x80, $0x38;
	[tilespmem:$0x8100] =	vst v63  }
0xfd: {  	s14 =	sand.u32 $0x1FFFFFF0, s25  }
0xfe: {  	s26 =	simm.s32 $0x1F80;
	s28 =	spop (v2sf);
	s14 =	sadd.s32 s3, s14  }
0xff: {  	[tilespmem:s26], [sflag:$0x1] =	stream.linear.gather [hbm4b:s14+s2], $0x80, $0x38;
	[tilespmem:$0x8100] =	vst v63  }
0x100: {  	s14 =	sand.u32 $0x1FFFFFF0, s28  }
0x101: {  	s29 =	simm.s32 $0x2000;
	s30 =	spop (v2sf);
	s14 =	sadd.s32 s3, s14  }
0x102: {  	[tilespmem:s29], [sflag:$0x1] =	stream.linear.gather [hbm4b:s14+s2], $0x80, $0x38;
	[tilespmem:$0x8100] =	vst v63  }
0x103: {  	s14 =	sand.u32 $0x1FFFFFF0, s30  }
0x104: {  	s31 =	simm.s32 $0x2080;
	s14 =	sadd.s32 s3, s14  }
0x105: {  	[tilespmem:s31], [sflag:$0x1] =	stream.linear.gather [hbm4b:s14+s2], $0x80, $0x38;
	[tilespmem:$0x8100] =	vst v63  }
0x106: {  	_ =	swait.ge [sflag:s11], $0x80  }
0x107: {  	[sflag:s11] =	ssyncset.done $0x0  }
0x108: {  	[sflag:s11] =	ssyncadd.s32 $0xFFFFFF80  }
0x109: {  	_ =	swait.ge [sflag:s11], $0x80  }
0x10a: {  	[sflag:s11] =	ssyncset.done $0x0  }
0x10b: {  	[sflag:s11] =	ssyncadd.s32 $0xFFFFFF80  }
0x10c: {  	_ =	swait.ge [sflag:s11], $0x80  }
0x10d: {  	[sflag:s11] =	ssyncset.done $0x0  }
0x10e: {  	[sflag:s11] =	ssyncadd.s32 $0xFFFFFF80  }
0x10f: {  	_ =	swait.ge [sflag:s11], $0x80  }
0x110: {  	[sflag:s11] =	ssyncset.done $0x0  }
0x111: {  	[sflag:s11] =	ssyncadd.s32 $0xFFFFFF80  }
0x112: {  	_ =	swait.ge [sflag:s11], $0x80  }
0x113: {  	[sflag:s11] =	ssyncset.done $0x0  }
0x114: {  	[sflag:s11] =	ssyncadd.s32 $0xFFFFFF80  }
0x115: {  	_ =	swait.ge [sflag:s11], $0x80  }
0x116: {  	[sflag:s11] =	ssyncset.done $0x0  }
0x117: {  	[sflag:s11] =	ssyncadd.s32 $0xFFFFFF80  }
0x118: {  	_ =	swait.ge [sflag:s11], $0x80  }
0x119: {  	[sflag:s11] =	ssyncset.done $0x0  }
0x11a: {  	[sflag:s11] =	ssyncadd.s32 $0xFFFFFF80  }
0x11b: {  	_ =	swait.ge [sflag:s11], $0x80  }
0x11c: {  	[sflag:s11] =	ssyncset.done $0x0  }
0x11d: {  	[sflag:s11] =	ssyncadd.s32 $0xFFFFFF80  }
0x11e: {  	_ =	swait.ge [sflag:s11], $0x80  }
0x11f: {  	[sflag:s11] =	ssyncset.done $0x0  }
0x120: {  	[sflag:s11] =	ssyncadd.s32 $0xFFFFFF80  }
0x121: {  	_ =	swait.ge [sflag:s11], $0x80  }
0x122: {  	[sflag:s11] =	ssyncset.done $0x0  }
0x123: {  	[sflag:s11] =	ssyncadd.s32 $0xFFFFFF80  }
0x124: {  	_ =	swait.ge [sflag:s11], $0x80  }
0x125: {  	[sflag:s11] =	ssyncset.done $0x0  }
0x126: {  	[sflag:s11] =	ssyncadd.s32 $0xFFFFFF80  }
0x127: {  	_ =	swait.ge [sflag:s11], $0x80  }
0x128: {  	[sflag:s11] =	ssyncset.done $0x0  }
0x129: {  	[sflag:s11] =	ssyncadd.s32 $0xFFFFFF80  }
0x12a: {  	_ =	swait.ge [sflag:s11], $0x80  }
0x12b: {  	[sflag:s11] =	ssyncset.done $0x0  }
0x12c: {  	[sflag:s11] =	ssyncadd.s32 $0xFFFFFF80  }
0x12d: {  	s14 =	simm.s32 $0x2000;
	_ =	swait.ge [sflag:s11], $0x80  }
.LBB2_2:
0x12e: {  	p0 =	sne.s32 s14, $0x18000;
	[sflag:s11] =	ssyncset.done $0x0;
	s13 =	sadd.s32 $0x10, s13  }
0x12f: {  	s15 =	smov.u32 s14;
	s14 =	sadd.s32 $0x2000, s14;
	[sflag:s11] =	ssyncadd.s32 $0xFFFFFF80  }
0x130: {  	_ =	swait.ge [sflag:s11], $0x80  }
0x131: {  	[sflag:s11] =	ssyncset.done $0x0  }
0x132: {  	[sflag:s11] =	ssyncadd.s32 $0xFFFFFF80  }
0x133: {  	_ =	swait.ge [sflag:s11], $0x80  }
0x134: {  	[sflag:s11] =	ssyncset.done $0x0  }
0x135: {  	[sflag:s11] =	ssyncadd.s32 $0xFFFFFF80  }
0x136: {  	v0 =	vld [tilespmem:s13+$0x0];
	_ =	sdelay $0x4  }
0x137: {  	v0 =	vshll.u32 v0, $0x4  }
0x138: {  	(v2sf) =	vpush v0, $0x0  }
0x139: {  	(v2sf) =	vpush v0, $0x1  }
0x13a: {  	(v2sf) =	vpush v0, $0x2;
	_ =	sdelay $0x1  }
0x13b: {  	(v2sf) =	vpush v0, $0x3;
	_ =	sdelay $0x1  }
0x13c: {  	(v2sf) =	vpush v0, $0x4;
	_ =	sdelay $0x1  }
0x13d: {  	(v2sf) =	vpush v0, $0x5  }
0x13e: {  	s15 =	sshra.s32 s15, $0x2  }
0x13f: {  	s23 =	sadd.s32 $0x1980, s15;
	s24 =	sadd.s32 $0x1A80, s15;
	s25 =	sadd.s32 $0x1B00, s15;
	(v2sf) =	vpush v0, $0x6  }
0x140: {  	s26 =	sadd.s32 $0x1900, s15;
	s28 =	sadd.s32 $0x1A00, s15  }
0x141: {  	s29 =	sadd.s32 $0x1B80, s15;
	(v2sf) =	vpush v0, $0x7  }
0x142: {  	s18 =	sadd.s32 $0x1F00, s15;
	s17 =	sadd.s32 $0x1F80, s15;
	s16 =	sadd.s32 $0x2080, s15  }
0x143: {  	s30 =	sadd.s32 $0x1C00, s15;
	s20 =	sadd.s32 $0x1E00, s15;
	s19 =	sadd.s32 $0x1E80, s15;
	(v2sf) =	vpush v0, $0x8  }
0x144: {  	s22 =	sadd.s32 $0x1D00, s15;
	s21 =	sadd.s32 $0x1D80, s15;
	s31 =	spop (v2sf)  }
0x145: {  	s0 =	sadd.s32 $0x1C80, s15;
	s31 =	sand.u32 $0x1FFFFFF0, s31;
	s1 =	spop (v2sf);
	(v2sf) =	vpush v0, $0x9  }
0x146: {  	s31 =	sadd.s32 s3, s31;
	s1 =	sand.u32 $0x1FFFFFF0, s1;
	s7 =	spop (v2sf)  }
0x147: {  	[tilespmem:s26], [sflag:$0x1] =	stream.linear.gather [hbm4b:s31+s2], $0x80, $0x38;
	(v2sf) =	vpush v0, $0xA;
	[tilespmem:$0x8100] =	vst v63  }
0x148: {  	s1 =	sadd.s32 s3, s1;
	s7 =	sand.u32 $0x1FFFFFF0, s7;
	s26 =	spop (v2sf)  }
0x149: {  	[tilespmem:s23], [sflag:$0x1] =	stream.linear.gather [hbm4b:s1+s2], $0x80, $0x38;
	(v2sf) =	vpush v0, $0xB;
	[tilespmem:$0x8100] =	vst v63  }
0x14a: {  	s1 =	sadd.s32 s3, s7;
	s7 =	sand.u32 $0x1FFFFFF0, s26;
	s23 =	spop (v2sf)  }
0x14b: {  	[tilespmem:s28], [sflag:$0x1] =	stream.linear.gather [hbm4b:s1+s2], $0x80, $0x38;
	(v2sf) =	vpush v0, $0xC;
	[tilespmem:$0x8100] =	vst v63  }
0x14c: {  	s1 =	sadd.s32 s3, s7;
	s7 =	sand.u32 $0x1FFFFFF0, s23;
	s23 =	spop (v2sf)  }
0x14d: {  	[tilespmem:s24], [sflag:$0x1] =	stream.linear.gather [hbm4b:s1+s2], $0x80, $0x38;
	(v2sf) =	vpush v0, $0xD;
	[tilespmem:$0x8100] =	vst v63  }
0x14e: {  	s1 =	sadd.s32 s3, s7;
	s7 =	sand.u32 $0x1FFFFFF0, s23;
	s23 =	spop (v2sf)  }
0x14f: {  	[tilespmem:s25], [sflag:$0x1] =	stream.linear.gather [hbm4b:s1+s2], $0x80, $0x38;
	(v2sf) =	vpush v0, $0xE;
	[tilespmem:$0x8100] =	vst v63  }
0x150: {  	s1 =	sadd.s32 s3, s7;
	s7 =	sand.u32 $0x1FFFFFF0, s23;
	s23 =	spop (v2sf)  }
0x151: {  	[tilespmem:s29], [sflag:$0x1] =	stream.linear.gather [hbm4b:s1+s2], $0x80, $0x38;
	(v2sf) =	vpush v0, $0xF;
	[tilespmem:$0x8100] =	vst v63  }
0x152: {  	s1 =	sadd.s32 s3, s7;
	s7 =	sand.u32 $0x1FFFFFF0, s23;
	s23 =	spop (v2sf)  }
0x153: {  	[tilespmem:s30], [sflag:$0x1] =	stream.linear.gather [hbm4b:s1+s2], $0x80, $0x38;
	[tilespmem:$0x8100] =	vst v63  }
0x154: {  	s1 =	sadd.s32 s3, s7;
	s7 =	sand.u32 $0x1FFFFFF0, s23;
	s23 =	spop (v2sf)  }
0x155: {  	[tilespmem:s0], [sflag:$0x1] =	stream.linear.gather [hbm4b:s1+s2], $0x80, $0x38;
	[tilespmem:$0x8100] =	vst v63  }
0x156: {  	s0 =	sadd.s32 s3, s7;
	s1 =	sand.u32 $0x1FFFFFF0, s23;
	s7 =	spop (v2sf)  }
0x157: {  	[tilespmem:s22], [sflag:$0x1] =	stream.linear.gather [hbm4b:s0+s2], $0x80, $0x38;
	[tilespmem:$0x8100] =	vst v63  }
0x158: {  	s0 =	sadd.s32 s3, s1;
	s1 =	sand.u32 $0x1FFFFFF0, s7;
	s7 =	spop (v2sf)  }
0x159: {  	[tilespmem:s21], [sflag:$0x1] =	stream.linear.gather [hbm4b:s0+s2], $0x80, $0x38;
	[tilespmem:$0x8100] =	vst v63  }
0x15a: {  	s0 =	sadd.s32 s3, s1;
	s1 =	sand.u32 $0x1FFFFFF0, s7;
	s7 =	spop (v2sf)  }
0x15b: {  	[tilespmem:s20], [sflag:$0x1] =	stream.linear.gather [hbm4b:s0+s2], $0x80, $0x38;
	[tilespmem:$0x8100] =	vst v63  }
0x15c: {  	s0 =	sadd.s32 s3, s1;
	s1 =	sand.u32 $0x1FFFFFF0, s7;
	s7 =	spop (v2sf)  }
0x15d: {  	[tilespmem:s19], [sflag:$0x1] =	stream.linear.gather [hbm4b:s0+s2], $0x80, $0x38;
	[tilespmem:$0x8100] =	vst v63  }
0x15e: {  	s0 =	sadd.s32 s3, s1;
	s1 =	sand.u32 $0x1FFFFFF0, s7;
	s7 =	spop (v2sf)  }
0x15f: {  	[tilespmem:s18], [sflag:$0x1] =	stream.linear.gather [hbm4b:s0+s2], $0x80, $0x38;
	[tilespmem:$0x8100] =	vst v63  }
0x160: {  	s0 =	sadd.s32 s3, s1;
	s1 =	sand.u32 $0x1FFFFFF0, s7;
	s7 =	spop (v2sf)  }
0x161: {  	[tilespmem:s17], [sflag:$0x1] =	stream.linear.gather [hbm4b:s0+s2], $0x80, $0x38;
	[tilespmem:$0x8100] =	vst v63  }
0x162: {  	s1 =	sadd.s32 s3, s1;
	s0 =	sadd.s32 $0x2000, s15;
	s7 =	sand.u32 $0x1FFFFFF0, s7  }
0x163: {  	[tilespmem:s0], [sflag:$0x1] =	stream.linear.gather [hbm4b:s1+s2], $0x80, $0x38;
	[tilespmem:$0x8100] =	vst v63  }
0x164: {  	s0 =	sadd.s32 s3, s7  }
0x165: {  	[tilespmem:s16], [sflag:$0x1] =	stream.linear.gather [hbm4b:s0+s2], $0x80, $0x38;
	[tilespmem:$0x8100] =	vst v63  }
0x166: {  	_ =	swait.ge [sflag:s11], $0x80  }
0x167: {  	[sflag:s11] =	ssyncset.done $0x0  }
0x168: {  	[sflag:s11] =	ssyncadd.s32 $0xFFFFFF80  }
0x169: {  	_ =	swait.ge [sflag:s11], $0x80  }
0x16a: {  	[sflag:s11] =	ssyncset.done $0x0  }
0x16b: {  	[sflag:s11] =	ssyncadd.s32 $0xFFFFFF80  }
0x16c: {  	_ =	swait.ge [sflag:s11], $0x80  }
0x16d: {  	[sflag:s11] =	ssyncset.done $0x0  }
0x16e: {  	[sflag:s11] =	ssyncadd.s32 $0xFFFFFF80  }
0x16f: {  	_ =	swait.ge [sflag:s11], $0x80  }
0x170: {  	[sflag:s11] =	ssyncset.done $0x0  }
0x171: {  	[sflag:s11] =	ssyncadd.s32 $0xFFFFFF80  }
0x172: {  	_ =	swait.ge [sflag:s11], $0x80  }
0x173: {  	[sflag:s11] =	ssyncset.done $0x0  }
0x174: {  	[sflag:s11] =	ssyncadd.s32 $0xFFFFFF80  }
0x175: {  	_ =	swait.ge [sflag:s11], $0x80  }
0x176: {  	[sflag:s11] =	ssyncset.done $0x0  }
0x177: {  	[sflag:s11] =	ssyncadd.s32 $0xFFFFFF80  }
0x178: {  	_ =	swait.ge [sflag:s11], $0x80  }
0x179: {  	[sflag:s11] =	ssyncset.done $0x0  }
0x17a: {  	[sflag:s11] =	ssyncadd.s32 $0xFFFFFF80  }
0x17b: {  	_ =	swait.ge [sflag:s11], $0x80  }
0x17c: {  	[sflag:s11] =	ssyncset.done $0x0  }
0x17d: {  	[sflag:s11] =	ssyncadd.s32 $0xFFFFFF80  }
0x17e: {  	_ =	swait.ge [sflag:s11], $0x80  }
0x17f: {  	[sflag:s11] =	ssyncset.done $0x0  }
0x180: {  	[sflag:s11] =	ssyncadd.s32 $0xFFFFFF80  }
0x181: {  	_ =	swait.ge [sflag:s11], $0x80  }
0x182: {  	[sflag:s11] =	ssyncset.done $0x0  }
0x183: {  	[sflag:s11] =	ssyncadd.s32 $0xFFFFFF80  }
0x184: {  	_ =	swait.ge [sflag:s11], $0x80  }
0x185: {  	[sflag:s11] =	ssyncset.done $0x0  }
0x186: {  	[sflag:s11] =	ssyncadd.s32 $0xFFFFFF80  }
0x187: {  	_ =	swait.ge [sflag:s11], $0x80  }
0x188: {  	[sflag:s11] =	ssyncset.done $0x0  }
.Ltmp0:
0x189: {  	[sflag:s11] =	ssyncadd.s32 $0xFFFFFF80;
	(pc) =	sbr.rel @p0 .LBB2_2-.Ltmp0, $4  }
0x18a: {  	_ =	swait.ge [sflag:s11], $0x80  }
0x18b: {  	[sflag:s11] =	ssyncset.done $0x0  }
0x18c: {  	[sflag:s11] =	ssyncadd.s32 $0xFFFFFF80  }
0x18d: {  	_ =	swait.ge [sflag:s11], $0x80  }
0x18e: {  	[sflag:s11] =	ssyncset.done $0x0  }
0x18f: {  	[sflag:s11] =	ssyncadd.s32 $0xFFFFFF80  }
0x190: {  	_ =	swait.ge [sflag:s11], $0x80  }
0x191: {  	[sflag:s11] =	ssyncset.done $0x0  }
0x192: {  	[sflag:s11] =	ssyncadd.s32 $0xFFFFFF80  }
0x193: {  	_ =	swait.ge [sflag:s11], $0x80  }
0x194: {  	[sflag:s11] =	ssyncset.done $0x0  }
0x195: {  	[sflag:s11] =	ssyncadd.s32 $0xFFFFFF80  }
0x196: {  	_ =	swait.ge [sflag:s11], $0x80  }
0x197: {  	[sflag:s11] =	ssyncset.done $0x0  }
0x198: {  	[sflag:s11] =	ssyncadd.s32 $0xFFFFFF80  }
0x199: {  	_ =	swait.ge [sflag:s11], $0x80  }
0x19a: {  	[sflag:s11] =	ssyncset.done $0x0  }
0x19b: {  	[sflag:s11] =	ssyncadd.s32 $0xFFFFFF80  }
0x19c: {  	_ =	swait.ge [sflag:s11], $0x80  }
0x19d: {  	[sflag:s11] =	ssyncset.done $0x0  }
0x19e: {  	[sflag:s11] =	ssyncadd.s32 $0xFFFFFF80  }
0x19f: {  	_ =	swait.ge [sflag:s11], $0x80  }
0x1a0: {  	[sflag:s11] =	ssyncset.done $0x0  }
0x1a1: {  	[sflag:s11] =	ssyncadd.s32 $0xFFFFFF80  }
0x1a2: {  	_ =	swait.ge [sflag:s11], $0x80  }
0x1a3: {  	[sflag:s11] =	ssyncset.done $0x0  }
0x1a4: {  	[sflag:s11] =	ssyncadd.s32 $0xFFFFFF80  }
0x1a5: {  	_ =	swait.ge [sflag:s11], $0x80  }
0x1a6: {  	[sflag:s11] =	ssyncset.done $0x0  }
0x1a7: {  	[sflag:s11] =	ssyncadd.s32 $0xFFFFFF80  }
0x1a8: {  	_ =	swait.ge [sflag:s11], $0x80  }
0x1a9: {  	[sflag:s11] =	ssyncset.done $0x0  }
0x1aa: {  	[sflag:s11] =	ssyncadd.s32 $0xFFFFFF80  }
0x1ab: {  	_ =	swait.ge [sflag:s11], $0x80  }
0x1ac: {  	[sflag:s11] =	ssyncset.done $0x0  }
0x1ad: {  	[sflag:s11] =	ssyncadd.s32 $0xFFFFFF80  }
0x1ae: {  	_ =	swait.ge [sflag:s11], $0x80  }
0x1af: {  	[sflag:s11] =	ssyncset.done $0x0  }
0x1b0: {  	[sflag:s11] =	ssyncadd.s32 $0xFFFFFF80  }
0x1b1: {  	_ =	swait.ge [sflag:s11], $0x80  }
0x1b2: {  	[sflag:s11] =	ssyncset.done $0x0  }
0x1b3: {  	[sflag:s11] =	ssyncadd.s32 $0xFFFFFF80  }
0x1b4: {  	_ =	swait.ge [sflag:s11], $0x80  }
0x1b5: {  	[sflag:s11] =	ssyncset.done $0x0  }
0x1b6: {  	[sflag:s11] =	ssyncadd.s32 $0xFFFFFF80  }
0x1b7: {  	_ =	swait.ge [sflag:s11], $0x80  }
0x1b8: {  	[sflag:s11] =	ssyncset.done $0x0  }
0x1b9: {  	[sflag:s11] =	ssyncadd.s32 $0xFFFFFF80  }
0x1ba: {  	_ =	swait.ge [sflag:s11], $0x80  }
0x1bb: {  	[sflag:s11] =	ssyncset.done $0x0  }
0x1bc: {  	[sflag:s11] =	ssyncadd.s32 $0xFFFFFF80  }
0x1bd: {  	_ =	swait.ge [sflag:s11], $0x80  }
0x1be: {  	[sflag:s11] =	ssyncset.done $0x0  }
0x1bf: {  	[sflag:s11] =	ssyncadd.s32 $0xFFFFFF80  }
0x1c0: {  	_ =	swait.ge [sflag:s11], $0x80  }
0x1c1: {  	[sflag:s11] =	ssyncset.done $0x0  }
0x1c2: {  	[sflag:s11] =	ssyncadd.s32 $0xFFFFFF80  }
0x1c3: {  	_ =	swait.ge [sflag:s11], $0x80  }
0x1c4: {  	[sflag:s11] =	ssyncset.done $0x0  }
0x1c5: {  	[sflag:s11] =	ssyncadd.s32 $0xFFFFFF80  }
0x1c6: {  	_ =	swait.ge [sflag:s11], $0x80  }
0x1c7: {  	[sflag:s11] =	ssyncset.done $0x0  }
0x1c8: {  	[sflag:s11] =	ssyncadd.s32 $0xFFFFFF80  }
0x1c9: {  	_ =	swait.ge [sflag:s11], $0x80  }
0x1ca: {  	[sflag:s11] =	ssyncset.done $0x0  }
0x1cb: {  	[sflag:s11] =	ssyncadd.s32 $0xFFFFFF80  }
0x1cc: {  	_ =	swait.ge [sflag:s11], $0x80  }
0x1cd: {  	[sflag:s11] =	ssyncset.done $0x0  }
0x1ce: {  	[sflag:s11] =	ssyncadd.s32 $0xFFFFFF80  }
0x1cf: {  	_ =	swait.ge [sflag:s11], $0x80  }
0x1d0: {  	[sflag:s11] =	ssyncset.done $0x0  }
0x1d1: {  	[sflag:s11] =	ssyncadd.s32 $0xFFFFFF80  }
0x1d2: {  	_ =	swait.ge [sflag:s11], $0x80  }
0x1d3: {  	[sflag:s11] =	ssyncset.done $0x0  }
0x1d4: {  	[sflag:s11] =	ssyncadd.s32 $0xFFFFFF80  }
0x1d5: {  	_ =	swait.ge [sflag:s11], $0x80  }
0x1d6: {  	[sflag:s11] =	ssyncset.done $0x0  }
0x1d7: {  	[sflag:s11] =	ssyncadd.s32 $0xFFFFFF80  }
0x1d8: {  	_ =	swait.ge [sflag:s11], $0x80  }
0x1d9: {  	[sflag:s11] =	ssyncset.done $0x0  }
0x1da: {  	[sflag:s11] =	ssyncadd.s32 $0xFFFFFF80  }
0x1db: {  	_ =	swait.ge [sflag:s11], $0x80  }
0x1dc: {  	[sflag:s11] =	ssyncset.done $0x0  }
0x1dd: {  	[sflag:s11] =	ssyncadd.s32 $0xFFFFFF80  }
0x1de: {  	_ =	swait.ge [sflag:s11], $0x80  }
0x1df: {  	[sflag:s11] =	ssyncset.done $0x0  }
0x1e0: {  	[sflag:s11] =	ssyncadd.s32 $0xFFFFFF80  }
0x1e1: {  	_ =	swait.ge [sflag:s11], $0x80  }
0x1e2: {  	[sflag:s11] =	ssyncset.done $0x0  }
0x1e3: {  	[sflag:s11] =	ssyncadd.s32 $0xFFFFFF80  }
0x1e4: {  	_ =	swait.ge [sflag:s11], $0x80  }
0x1e5: {  	[sflag:s11] =	ssyncset.done $0x0  }
0x1e6: {  	[sflag:s11] =	ssyncadd.s32 $0xFFFFFF80  }
0x1e7: {  	_ =	swait.ge [sflag:s11], $0x80  }
0x1e8: {  	[sflag:s11] =	ssyncset.done $0x0  }
0x1e9: {  	[sflag:s11] =	ssyncadd.s32 $0xFFFFFF80  }
0x1ea: {  	_ =	swait.ge [sflag:s11], $0x80  }
0x1eb: {  	[sflag:s11] =	ssyncset.done $0x0  }
0x1ec: {  	[sflag:s11] =	ssyncadd.s32 $0xFFFFFF80  }
0x1ed: {  	_ =	swait.ge [sflag:s11], $0x80  }
0x1ee: {  	[sflag:s11] =	ssyncset.done $0x0  }
0x1ef: {  	[sflag:s11] =	ssyncadd.s32 $0xFFFFFF80  }
0x1f0: {  	_ =	swait.ge [sflag:s11], $0x80  }
0x1f1: {  	[sflag:s11] =	ssyncset.done $0x0  }
0x1f2: {  	[sflag:s11] =	ssyncadd.s32 $0xFFFFFF80  }
0x1f3: {  	_ =	swait.ge [sflag:s11], $0x80  }
0x1f4: {  	[sflag:s11] =	ssyncset.done $0x0  }
0x1f5: {  	[sflag:s11] =	ssyncadd.s32 $0xFFFFFF80  }
0x1f6: {  	_ =	swait.ge [sflag:s11], $0x80  }
0x1f7: {  	[sflag:s11] =	ssyncset.done $0x0  }
0x1f8: {  	[sflag:s11] =	ssyncadd.s32 $0xFFFFFF80  }
0x1f9: {  	_ =	swait.ge [sflag:s11], $0x80  }
0x1fa: {  	[sflag:s11] =	ssyncset.done $0x0  }
0x1fb: {  	[sflag:s11] =	ssyncadd.s32 $0xFFFFFF80  }
0x1fc: {  	_ =	swait.ge [sflag:s11], $0x80  }
0x1fd: {  	[sflag:s11] =	ssyncset.done $0x0  }
0x1fe: {  	[sflag:s11] =	ssyncadd.s32 $0xFFFFFF80  }
0x1ff: {  	_ =	swait.ge [sflag:s11], $0x80  }
0x200: {  	[sflag:s11] =	ssyncset.done $0x0  }
0x201: {  	[sflag:s11] =	ssyncadd.s32 $0xFFFFFF80  }
0x202: {  	_ =	swait.ge [sflag:s11], $0x80  }
0x203: {  	[sflag:s11] =	ssyncset.done $0x0  }
0x204: {  	[sflag:s11] =	ssyncadd.s32 $0xFFFFFF80  }
0x205: {  	_ =	swait.ge [sflag:s11], $0x80  }
0x206: {  	[sflag:s11] =	ssyncset.done $0x0  }
0x207: {  	[sflag:s11] =	ssyncadd.s32 $0xFFFFFF80  }
0x208: {  	_ =	swait.ge [sflag:s11], $0x80  }
0x209: {  	[sflag:s11] =	ssyncset.done $0x0  }
0x20a: {  	[sflag:s11] =	ssyncadd.s32 $0xFFFFFF80  }
0x20b: {  	_ =	swait.ge [sflag:s11], $0x80  }
0x20c: {  	[sflag:s11] =	ssyncset.done $0x0  }
0x20d: {  	[sflag:s11] =	ssyncadd.s32 $0xFFFFFF80  }
0x20e: {  	_ =	swait.ge [sflag:s11], $0x80  }
0x20f: {  	[sflag:s11] =	ssyncset.done $0x0  }
0x210: {  	[sflag:s11] =	ssyncadd.s32 $0xFFFFFF80  }
0x211: {  	_ =	swait.ge [sflag:s11], $0x80  }
0x212: {  	[sflag:s11] =	ssyncset.done $0x0  }
0x213: {  	[sflag:s11] =	ssyncadd.s32 $0xFFFFFF80  }
0x214: {  	_ =	swait.ge [sflag:s11], $0x80  }
0x215: {  	[sflag:s11] =	ssyncset.done $0x0  }
0x216: {  	[sflag:s11] =	ssyncadd.s32 $0xFFFFFF80  }
0x217: {  	_ =	swait.ge [sflag:s11], $0x80  }
0x218: {  	[sflag:s11] =	ssyncset.done $0x0  }
0x219: {  	[sflag:s11] =	ssyncadd.s32 $0xFFFFFF80  }
0x21a: {  	_ =	swait.ge [sflag:s11], $0x80  }
0x21b: {  	[sflag:s11] =	ssyncset.done $0x0  }
0x21c: {  	[sflag:s11] =	ssyncadd.s32 $0xFFFFFF80  }
0x21d: {  	_ =	swait.ge [sflag:s11], $0x80  }
0x21e: {  	[sflag:s11] =	ssyncset.done $0x0  }
0x21f: {  	[sflag:s11] =	ssyncadd.s32 $0xFFFFFF80  }
0x220: {  	_ =	swait.ge [sflag:s11], $0x80  }
0x221: {  	[sflag:s11] =	ssyncset.done $0x0  }
0x222: {  	[sflag:s11] =	ssyncadd.s32 $0xFFFFFF80  }
0x223: {  	s12 =	sadd.s32 $0x1, s12;
	_ =	swait.ge [sflag:s11], $0x80  }
0x224: {  	p0 =	sne.s32 s12, s6;
	[sflag:s11] =	ssyncset.done $0x0  }
.Ltmp1:
0x225: {  	[sflag:s11] =	ssyncadd.s32 $0xFFFFFF80;
	(pc) =	sbr.rel @p0 .LBB2_1-.Ltmp1, $4  }
0x226: {  	[hbm4b:s5+s2] =	stream.linear.scatter [tilespmem:s10], [sflag:$0x2], $0x8000, $0x38;
	[tilespmem:$0x8100] =	vst v63  }
0x227: {  	_ =	swait.ge [sflag:s9], $0x8000  }
0x228: {  	[sflag:s9] =	ssyncset.done $0x0  }
0x229: {  	[sflag:s9] =	ssyncadd.s32 $0xFFFF8000  }
0x22a: {  	_ =	sfence.sel $0x180000  }
0x22b: {  	[bflag:$0x0] =	sbarrier.arrive $0xFFFF  }
0x22c: {  	_ =	strace $0x90000047  }
0x22d: {  	s0 =	stileid.u32;
	[bflag:$0x2] =	sbarrier.arrive $0xFFFF  }
0x22e: {  	p0 =	sne.s32 s0, $0x0;
	s0 =	rddreg [dreg:$0x3]  }
0x22f: {  	s0 =	sadd.s32 @!p0 $0x100000, s0  }
0x230: {  	[sflag:s0] =	ssyncadd.tile.s32 @!p0 $0x1;
	_ =	shalt  }
.Lfunc_end2:
_tile_overlayer_lowered:
.L_overlay_start_2:
0x231: {  	(tag) =	ssettag $0x2  }
0x232: {  	s0 =	rddreg [dreg:$0x0];
	s2 =	stileid.u32  }
0x233: {  	s1 =	rddreg [dreg:$0x1];
	p0 =	sne.s32 s2, $0x0  }
0x234: {  	s3 =	rddreg [dreg:$0x2];
	[bflag:$0x3] =	sbarrier.arrive $0xFFFF;
	s2 =	simm.s32 @!p0 $0x1C02  }
0x235: {  	[timem:s3], [sflag:s2] =	dma.local @!p0 [hbm:s0], s1  }
0x236: {  	s0 =	simm.s32 @!p0 $0x2  }
0x237: {  	_ =	swait.ge @!p0 [sflag:s0], s1  }
0x238: {  	s1 =	ssub.s32 @!p0 $0x0, s1;
	[sflag:s0] =	ssyncset.done @!p0 $0x0  }
0x239: {  	[sflag:s0] =	ssyncadd.s32 @!p0 s1  }
0x23a: {  	[bflag:$0x3] =	sbarrier.arrive $0xFFFF  }
0x23b: {  	_ =	shalt  }

</sc_bundles>
